<compile_context>
chip_gen: v7x
topology: tpu7x:2x2x1
jax: 0.10.2.dev20260603
libtpu: 0.0.44.dev20260713+nightly
codegen_flags: <defaults>
</compile_context>

<pallas_src>
import functools

import jax
import jax.numpy as jnp
from jax import lax
from jax.experimental import pallas as pl
from jax.experimental.pallas import tpu as pltpu
from jax.experimental.pallas import tpu_sc as plsc

N = 50000
D = 512
B = 64
NW = 32
PER = 1568
BBLK = 1024
NB = -(-N // BBLK)
NEG = -3.0e38

_mesh = plsc.VectorSubcoreMesh(core_axis_name="c", subcore_axis_name="s")
_sc_params = pltpu.CompilerParams(use_tc_tiling_on_sc=True,
                                  needs_layout_passes=False)


def _insert3(cs, ci, t0s, t1s, t2s, t0i, t1i, t2i):
    gt0 = cs > t0s
    gt1 = cs > t1s
    gt2 = cs > t2s
    n0s = jnp.where(gt0, cs, t0s)
    n0i = jnp.where(gt0, ci, t0i)
    n1s = jnp.where(gt0, t0s, jnp.where(gt1, cs, t1s))
    n1i = jnp.where(gt0, t0i, jnp.where(gt1, ci, t1i))
    n2s = jnp.where(gt1, t1s, jnp.where(gt2, cs, t2s))
    n2i = jnp.where(gt1, t1i, jnp.where(gt2, ci, t2i))
    return n0s, n1s, n2s, n0i, n1i, n2i


def _ktc_body(x_ref, b_ref, psum_ref, pcnt_ref, sc_ref):
    i = pl.program_id(0)
    xb = x_ref[...]
    bb = b_ref[...]
    rowmask = (lax.broadcasted_iota(jnp.int32, (BBLK, D), 0)
               + i * BBLK) < N
    xb = jnp.where(rowmask, xb, jnp.float32(0.0))
    seg = lax.broadcasted_iota(jnp.int32, (B, BBLK), 0)
    gcol = lax.broadcasted_iota(jnp.int32, (B, BBLK), 1) + i * BBLK
    onehot = jnp.where((seg == bb[None, :]) & (gcol < N), jnp.float32(1.0),
                       jnp.float32(0.0))
    hi = xb.astype(jnp.bfloat16).astype(jnp.float32)
    lo = xb - hi
    ps = (jnp.dot(onehot, hi, preferred_element_type=jnp.float32)
          + jnp.dot(onehot, lo, preferred_element_type=jnp.float32))
    cnt = jnp.broadcast_to(jnp.sum(onehot, axis=1, keepdims=True), (B, 128))

    @pl.when(i == 0)
    def _():
        psum_ref[...] = ps
        pcnt_ref[...] = cnt

    @pl.when(i > 0)
    def _():
        psum_ref[...] = psum_ref[...] + ps
        pcnt_ref[...] = pcnt_ref[...] + cnt

    sc_ref[...] = xb[:, D - 1]


_ktc = pl.pallas_call(
    _ktc_body,
    grid=(NB,),
    in_specs=[
        pl.BlockSpec((BBLK, D), lambda i: (i, 0)),
        pl.BlockSpec((BBLK,), lambda i: (i,)),
    ],
    out_specs=[
        pl.BlockSpec((B, D), lambda i: (0, 0)),
        pl.BlockSpec((B, 128), lambda i: (0, 0)),
        pl.BlockSpec((BBLK,), lambda i: (i,)),
    ],
    out_shape=[
        jax.ShapeDtypeStruct((B, D), jnp.float32),
        jax.ShapeDtypeStruct((B, 128), jnp.float32),
        jax.ShapeDtypeStruct((N,), jnp.float32),
    ],
)


@functools.partial(
    pl.kernel,
    out_type=(
        jax.ShapeDtypeStruct((NW, B, 16), jnp.float32),
        jax.ShapeDtypeStruct((NW, B, 16), jnp.int32),
    ),
    mesh=_mesh,
    compiler_params=_sc_params,
    scratch_types=[
        pltpu.VMEM((PER,), jnp.float32),
        pltpu.VMEM((PER,), jnp.int32),
        pltpu.VMEM((B, 16), jnp.float32),
        pltpu.VMEM((B, 16), jnp.int32),
    ],
)
def _ksc1(sc_hbm, bat_hbm, cands_hbm, candi_hbm, sc_v, idx_v, ts_s, ts_i):
    cid = lax.axis_index("c")
    sid = lax.axis_index("s")
    wid = cid * 16 + sid
    start = wid * PER
    sstart = jnp.minimum(start, N - PER)
    iota = lax.iota(jnp.int32, 16)

    def init_body(r, _):
        ts_s[r, :] = jnp.full((16,), NEG, jnp.float32)
        ts_i[r, :] = jnp.zeros((16,), jnp.int32)
        return 0

    lax.fori_loop(0, B, init_body, 0)
    pltpu.sync_copy(sc_hbm.at[pl.ds(sstart, PER)], sc_v)
    pltpu.sync_copy(bat_hbm.at[pl.ds(sstart, PER)], idx_v)

    def grp(kk, _):
        goff = pl.multiple_of(kk * 16, 16)
        bv = idx_v[pl.ds(goff, 16)]
        svec = sc_v[pl.ds(goff, 16)]
        gbase = sstart + kk * 16
        gvec = jnp.broadcast_to(gbase, (16,)) + iota
        s_eff = jnp.where(gvec >= start, svec, jnp.float32(NEG))
        thr = plsc.load_gather(ts_s, [bv, jnp.full((16,), 2, jnp.int32)])
        npass = plsc.all_reduce_population_count(s_eff > thr)[0]

        @pl.when(npass > 0)
        def _():
            for l in range(16):
                se = s_eff[l]
                b = bv[l]
                g = gbase + l
                sv = ts_s[b, :]
                iv = ts_i[b, :]
                n0s, n1s, n2s, n0i, n1i, n2i = _insert3(
                    se, g, sv[0], sv[1], sv[2], iv[0], iv[1], iv[2])
                ns = jnp.where(iota == 0, n0s,
                               jnp.where(iota == 1, n1s,
                                         jnp.where(iota == 2, n2s, sv)))
                ni = jnp.where(iota == 0, n0i,
                               jnp.where(iota == 1, n1i,
                                         jnp.where(iota == 2, n2i, iv)))
                ts_s[b, :] = ns
                ts_i[b, :] = ni

        return 0

    lax.fori_loop(0, PER // 16, grp, 0)
    pltpu.sync_copy(ts_s, cands_hbm.at[wid])
    pltpu.sync_copy(ts_i, candi_hbm.at[wid])


@functools.partial(
    pl.kernel,
    out_type=jax.ShapeDtypeStruct((B, 5 * D), jnp.float32),
    mesh=_mesh,
    compiler_params=_sc_params,
    scratch_types=[
        pltpu.VMEM((NW, 1, 16), jnp.float32),
        pltpu.VMEM((NW, 1, 16), jnp.int32),
        pltpu.VMEM((1, D), jnp.float32),
        pltpu.VMEM((1, 128), jnp.float32),
        pltpu.VMEM((NW, 1, 16), jnp.float32),
        pltpu.VMEM((NW, 1, 16), jnp.int32),
        pltpu.VMEM((1, D), jnp.float32),
        pltpu.VMEM((1, 128), jnp.float32),
        pltpu.VMEM((16,), jnp.int32),
        pltpu.VMEM((16, D), jnp.float32),
        pltpu.VMEM((5 * D,), jnp.float32),
        pltpu.VMEM((5 * D,), jnp.float32),
        pltpu.SemaphoreType.DMA,
        pltpu.SemaphoreType.DMA,
        pltpu.SemaphoreType.DMA,
        pltpu.SemaphoreType.DMA,
    ],
)
def _ksc2(x_hbm, psum_hbm, pcnt_hbm, cands_hbm, candi_hbm, out_hbm,
          cs0, ci0, ps0, pc0, cs1, ci1, ps1, pc1, gi_v, grows_v,
          orow0, orow1, sem_in0, sem_in1, sem_g, sem_out):
    cid = lax.axis_index("c")
    sid = lax.axis_index("s")
    wid = cid * 16 + sid
    iota = lax.iota(jnp.int32, 16)
    zeros16 = jnp.zeros((16,), jnp.float32)

    def in_copies(seg, cs_v, ci_v, psv, pcv, sem):
        return (
            pltpu.make_async_copy(
                cands_hbm.at[:, pl.ds(seg, 1), :], cs_v, sem),
            pltpu.make_async_copy(
                candi_hbm.at[:, pl.ds(seg, 1), :], ci_v, sem),
            pltpu.make_async_copy(
                psum_hbm.at[pl.ds(seg, 1), :], psv, sem),
            pltpu.make_async_copy(
                pcnt_hbm.at[pl.ds(seg, 1), :], pcv, sem),
        )

    def do_seg(seg, cs_v, ci_v, psv, pcv, orow_v, sem):
        for c in in_copies(seg, cs_v, ci_v, psv, pcv, sem):
            c.wait()

        def m_body(t, carry):
            t0s, t1s, t2s, t0i, t1i, t2i = carry
            csv = cs_v[t, 0, :]
            civ = ci_v[t, 0, :]
            for k in range(3):
                t0s, t1s, t2s, t0i, t1i, t2i = _insert3(
                    csv[k], civ[k], t0s, t1s, t2s, t0i, t1i, t2i)
            return (t0s, t1s, t2s, t0i, t1i, t2i)

        z = jnp.int32(0)
        ng = jnp.float32(NEG)
        t0s, t1s, t2s, t0i, t1i, t2i = lax.fori_loop(
            0, NW, m_body, (ng, ng, ng, z, z, z))

        cnt = pcv[0, pl.ds(0, 16)]
        cntc = jnp.maximum(cnt, jnp.float32(1.0))
        one = jnp.full((16,), 1.0, jnp.float32)
        v0 = jnp.where(cnt > 0.5, one, zeros16)
        v1 = jnp.where(cnt > 1.5, one, zeros16)
        v2 = jnp.where(cnt > 2.5, one, zeros16)

        gi_v[...] = jnp.where(iota == 0, t0i,
                              jnp.where(iota == 1, t1i,
                                        jnp.where(iota == 2, t2i, z)))
        pltpu.async_copy(x_hbm.at[gi_v], grows_v, sem_g).wait()

        def col_body(c4, _):
            bases = [pl.multiple_of(c4 * 64 + u * 16, 16) for u in range(4)]
            for u in range(4):
                base = bases[u]
                sl = pl.ds(base, 16)
                sv = psv[0, sl]
                orow_v[pl.ds(base, 16)] = sv / cntc
                orow_v[pl.ds(D + base, 16)] = sv
                orow_v[pl.ds(2 * D + base, 16)] = grows_v[0, sl] * v0
                orow_v[pl.ds(3 * D + base, 16)] = grows_v[1, sl] * v1
                orow_v[pl.ds(4 * D + base, 16)] = grows_v[2, sl] * v2
            return 0

        lax.fori_loop(0, D // 64, col_body, 0)
        pltpu.async_copy(orow_v, out_hbm.at[seg], sem_out)

    seg_a = wid * 2
    seg_b = seg_a + 1
    for c in in_copies(seg_a, cs0, ci0, ps0, pc0, sem_in0):
        c.start()
    for c in in_copies(seg_b, cs1, ci1, ps1, pc1, sem_in1):
        c.start()
    do_seg(seg_a, cs0, ci0, ps0, pc0, orow0, sem_in0)
    do_seg(seg_b, cs1, ci1, ps1, pc1, orow1, sem_in1)
    pltpu.make_async_copy(orow0, out_hbm.at[seg_a], sem_out).wait()
    pltpu.make_async_copy(orow1, out_hbm.at[seg_b], sem_out).wait()


def kernel(x, batch):
    bat = batch.astype(jnp.int32)
    psum, pcnt, scores = _ktc(x, bat)
    cs, ci = _ksc1(scores, bat)
    return _ksc2(x, psum, pcnt, cs, ci)

# --- scband reference (transcript-rebuilt; emitter-appended) ---
"""Pipeline reference for scband-global-pool5-56435870270131 (READ-ONLY COPY).

The authoritative reference and input builder live on the scoring server;
editing this copy changes nothing except your own understanding.
"""

import jax, jax.numpy as jnp
import numpy as np

K = 3
NUM_GRAPHS = 64


def setup_inputs(seed: int = 0) -> dict:
    key = jax.random.key(seed)
    k1, k2 = jax.random.split(key)
    x = jax.random.normal(k1, (50000, 512), dtype=jnp.float32)
    batch = jnp.sort(jax.random.randint(k2, (50000,), 0, NUM_GRAPHS)).astype(jnp.int64)
    return {"x": x, "batch": batch}


def _global_pool5(x, batch):
    N, d = x.shape
    B = NUM_GRAPHS
    k = K
    counts = jnp.bincount(batch, length=B)
    # global_add_pool
    summ = jax.ops.segment_sum(x, batch, num_segments=B)
    # global_mean_pool (count clamped to >=1, matching torch_scatter scatter_mean)
    mean = summ / jnp.maximum(counts, 1).astype(x.dtype)[:, None]
    # global_sort_pool: sort nodes within each graph by last feature channel (descending),
    # take first k node feature rows per graph, zero-pad graphs with < k nodes.
    score = x[:, -1]
    perm = jnp.lexsort((-score, batch))  # primary: batch asc, secondary: score desc
    sx = x[perm]
    sb = batch[perm]
    starts = jnp.concatenate([jnp.zeros((1,), counts.dtype), jnp.cumsum(counts)[:-1]])
    pos = jnp.arange(N) - starts[sb]
    mask = pos < k
    vals = jnp.where(mask[:, None], sx, jnp.zeros_like(sx))
    slot = jnp.minimum(pos, k)  # overflow nodes go to dummy slot k with zero values
    buf = jnp.zeros((B, k + 1, d), x.dtype).at[sb, slot].add(vals)
    topk = buf[:, :k, :].reshape(B, k * d)
    return jnp.concatenate([mean, summ, topk], axis=-1)


def reference(x, batch):
    return _global_pool5(x, batch)

if __name__ == "__main__":
    import jax
    _d = setup_inputs()
    print(jax.jit(kernel)(*tuple(_d.values())))

</pallas_src>

<mosaic_0001>
#map = affine_map<(d0, d1) -> (0)>
#map1 = affine_map<(d0, d1) -> (0, 0, 0)>
module attributes {stable_mosaic.version = 14 : i64} {
  func.func @_ksc1(%arg0: i32, %arg1: i32, %arg2: memref<50000xf32, #tpu.memory_space<hbm>>, %arg3: memref<50000xi32, #tpu.memory_space<hbm>>, %arg4: memref<32x64x16xf32, #tpu.memory_space<hbm>>, %arg5: memref<32x64x16xi32, #tpu.memory_space<hbm>>, %arg6: memref<1568xf32, #tpu.memory_space<vmem>>, %arg7: memref<1568xi32, #tpu.memory_space<vmem>>, %arg8: memref<64x16xf32, #tpu.memory_space<vmem>>, %arg9: memref<64x16xi32, #tpu.memory_space<vmem>>) attributes {dimension_semantics = [#tpu.dimension_semantics<core_parallel>, #tpu.dimension_semantics<subcore_parallel>], iteration_bounds = array<i64: 2, 16>, scalar_prefetch = 0 : i64, scratch_operands = 4 : i64, tpu.core_type = #tpu.core_type<sc_vector_subcore>, window_params = [{transform_indices = #map}, {transform_indices = #map}, {transform_indices = #map1}, {transform_indices = #map1}]} {
    %mul3A = arith.constant 16 : i32
    %mul3A_0 = arith.muli %arg0, %mul3A : i32
    %add3A = arith.addi %mul3A_0, %arg1 : i32
    %mul3A_1 = arith.constant 1568 : i32
    %mul3A_2 = arith.muli %add3A, %mul3A_1 : i32
    %min3A = arith.constant 48432 : i32
    %min3A_3 = arith.minsi %mul3A_2, %min3A : i32
    %iota3A = tpu.iota {dimensions = array<i32: 0>} : vector<16xi32>
    %scan3A = arith.constant 0 : i32
    %scan3A_4 = arith.constant 0 : i32
    %scan3A_5 = arith.constant 64 : i32
    %scan3A_6 = arith.addi %scan3A_4, %scan3A_5 : i32
    %scan3A_7 = arith.constant 1 : i32
    %scan3A_8 = scf.for %scan3A_17 = %scan3A_4 to %scan3A_6 step %scan3A_7 iter_args(%scan3A_18 = %scan3A) -> (i32)  : i32 {
      %broadcast_in_dim3A = arith.constant -3.000000e+38 : f32
      %broadcast_in_dim3A_19 = vector.broadcast %broadcast_in_dim3A : f32 to vector<16xf32>
      %swap3A = arith.index_cast %scan3A_17 : i32 to index
      %swap3A_20 = arith.constant 0 : index
      %swap3A_21 = tpu.vector_load %arg8[%swap3A, %swap3A_20] {strides = array<i32>} : memref<64x16xf32, #tpu.memory_space<vmem>>, vector<16xf32>,
      tpu.vector_store %arg8[%swap3A, %swap3A_20], %broadcast_in_dim3A_19 {strides = array<i32>} : memref<64x16xf32, #tpu.memory_space<vmem>>, vector<16xf32>,
      %broadcast_in_dim3A_22 = arith.constant 0 : i32
      %broadcast_in_dim3A_23 = vector.broadcast %broadcast_in_dim3A_22 : i32 to vector<16xi32>
      %swap3A_24 = arith.index_cast %scan3A_17 : i32 to index
      %swap3A_25 = arith.constant 0 : index
      %swap3A_26 = tpu.vector_load %arg9[%swap3A_24, %swap3A_25] {strides = array<i32>} : memref<64x16xi32, #tpu.memory_space<vmem>>, vector<16xi32>,
      tpu.vector_store %arg9[%swap3A_24, %swap3A_25], %broadcast_in_dim3A_23 {strides = array<i32>} : memref<64x16xi32, #tpu.memory_space<vmem>>, vector<16xi32>,
      %scan3A_27 = arith.constant 0 : i32
      scf.yield %scan3A_27 : i32
    }
    %scan3A_9 = arith.constant 64 : i32
    "tpu.region"() ({
      %run_scoped3A = tpu.sem_alloc : memref<!tpu.dma_semaphore, #tpu.memory_space<semaphore_mem>>
      %dma_start3A = tpu.memref_slice %arg2[%min3A_3] : memref<50000xf32, #tpu.memory_space<hbm>> -> memref<1568xf32, #tpu.memory_space<hbm>>
      %dma_start3A_17 = tpu.memref_slice %arg2[%min3A_3] : memref<50000xf32, #tpu.memory_space<hbm>> -> memref<1568xf32, #tpu.memory_space<hbm>>
      tpu.enqueue_dma source(%dma_start3A_17 : memref<1568xf32, #tpu.memory_space<hbm>>) target(%arg6 : memref<1568xf32, #tpu.memory_space<vmem>>) target_semaphore(%run_scoped3A : memref<!tpu.dma_semaphore, #tpu.memory_space<semaphore_mem>>)
      %dma_wait3A = tpu.memref_slice %arg2[%min3A_3] : memref<50000xf32, #tpu.memory_space<hbm>> -> memref<1568xf32, #tpu.memory_space<hbm>>
      %dma_wait3A_18 = tpu.memref_slice %arg2[%min3A_3] : memref<50000xf32, #tpu.memory_space<hbm>> -> memref<1568xf32, #tpu.memory_space<hbm>>
      tpu.wait_dma2 semaphore(%run_scoped3A : memref<!tpu.dma_semaphore, #tpu.memory_space<semaphore_mem>>) src(%dma_wait3A_18 : memref<1568xf32, #tpu.memory_space<hbm>>) dst(%arg6 : memref<1568xf32, #tpu.memory_space<vmem>>)
      tpu.yield
    }) : () -> ()
    "tpu.region"() ({
      %run_scoped3A = tpu.sem_alloc : memref<!tpu.dma_semaphore, #tpu.memory_space<semaphore_mem>>
      %dma_start3A = tpu.memref_slice %arg3[%min3A_3] : memref<50000xi32, #tpu.memory_space<hbm>> -> memref<1568xi32, #tpu.memory_space<hbm>>
      %dma_start3A_17 = tpu.memref_slice %arg3[%min3A_3] : memref<50000xi32, #tpu.memory_space<hbm>> -> memref<1568xi32, #tpu.memory_space<hbm>>
      tpu.enqueue_dma source(%dma_start3A_17 : memref<1568xi32, #tpu.memory_space<hbm>>) target(%arg7 : memref<1568xi32, #tpu.memory_space<vmem>>) target_semaphore(%run_scoped3A : memref<!tpu.dma_semaphore, #tpu.memory_space<semaphore_mem>>)
      %dma_wait3A = tpu.memref_slice %arg3[%min3A_3] : memref<50000xi32, #tpu.memory_space<hbm>> -> memref<1568xi32, #tpu.memory_space<hbm>>
      %dma_wait3A_18 = tpu.memref_slice %arg3[%min3A_3] : memref<50000xi32, #tpu.memory_space<hbm>> -> memref<1568xi32, #tpu.memory_space<hbm>>
      tpu.wait_dma2 semaphore(%run_scoped3A : memref<!tpu.dma_semaphore, #tpu.memory_space<semaphore_mem>>) src(%dma_wait3A_18 : memref<1568xi32, #tpu.memory_space<hbm>>) dst(%arg7 : memref<1568xi32, #tpu.memory_space<vmem>>)
      tpu.yield
    }) : () -> ()
    %scan3A_10 = arith.constant 0 : i32
    %scan3A_11 = arith.constant 0 : i32
    %scan3A_12 = arith.constant 98 : i32
    %scan3A_13 = arith.addi %scan3A_11, %scan3A_12 : i32
    %scan3A_14 = arith.constant 1 : i32
    %scan3A_15 = scf.for %scan3A_17 = %scan3A_11 to %scan3A_13 step %scan3A_14 iter_args(%scan3A_18 = %scan3A_10) -> (i32)  : i32 {
      %mul3A_19 = arith.constant 16 : i32
      %mul3A_20 = arith.muli %scan3A_17, %mul3A_19 : i32
      %multiple_of3A = tpu.assume_multiple %mul3A_20, 16 : i32
      %get3A = arith.index_cast %multiple_of3A : i32 to index
      %get3A_21 = tpu.vector_load %arg7[%get3A] {strides = array<i32>} : memref<1568xi32, #tpu.memory_space<vmem>>, vector<16xi32>,
      %get3A_22 = arith.index_cast %multiple_of3A : i32 to index
      %get3A_23 = tpu.vector_load %arg6[%get3A_22] {strides = array<i32>} : memref<1568xf32, #tpu.memory_space<vmem>>, vector<16xf32>,
      %mul3A_24 = arith.constant 16 : i32
      %mul3A_25 = arith.muli %scan3A_17, %mul3A_24 : i32
      %add3A_26 = arith.addi %min3A_3, %mul3A_25 : i32
      %broadcast_in_dim3A = vector.broadcast %add3A_26 : i32 to vector<16xi32>
      %add3A_27 = arith.addi %broadcast_in_dim3A, %iota3A : vector<16xi32>
      %ge3A = vector.broadcast %mul3A_2 : i32 to vector<16xi32>
      %ge3A_28 = arith.cmpi sge, %add3A_27, %ge3A : vector<16xi32>
      %jit3A = arith.constant -3.000000e+38 : f32
      %broadcast_in_dim3A_29 = vector.broadcast %jit3A : f32 to vector<16xf32>
      %select_n3A = arith.select %ge3A_28, %get3A_23, %broadcast_in_dim3A_29 : vector<16xi1>, vector<16xf32>
      %broadcast_in_dim3A_30 = arith.constant 2 : i32
      %broadcast_in_dim3A_31 = vector.broadcast %broadcast_in_dim3A_30 : i32 to vector<16xi32>
      %gather3A = tpu.vector_load_idx %arg8[%get3A_21, %broadcast_in_dim3A_31] : memref<64x16xf32, #tpu.memory_space<vmem>>[vector<16xi32>, vector<16xi32>], vector<16xf32>,
      %gt3A = arith.cmpf ogt, %select_n3A, %gather3A : vector<16xf32>
      %all_reduce_population_count3A = tpu.all_reduce %gt3A {dim = 0 : i64, kind = #tpu.reduction_kind<sum>} : vector<16xi1> -> vector<16xi32>
      %slice3A = vector.extract_strided_slice %all_reduce_population_count3A {offsets = [0], sizes = [1], strides = [1]} : vector<16xi32> to vector<1xi32>
      %squeeze3A = vector.extract %slice3A[0] : i32 from vector<1xi32>
      %gt3A_32 = arith.constant 0 : i32
      %gt3A_33 = arith.cmpi sgt, %squeeze3A, %gt3A_32 : i32
      %convert_element_type3A = arith.extui %gt3A_33 : i1 to i32
      %cond3A = arith.constant 0 : i32
      %cond3A_34 = arith.cmpi ne, %convert_element_type3A, %cond3A : i32
      scf.if %cond3A_34 {
        %slice3A_36 = vector.extract_strided_slice %select_n3A {offsets = [0], sizes = [1], strides = [1]} : vector<16xf32> to vector<1xf32>
        %squeeze3A_37 = vector.extract %slice3A_36[0] : f32 from vector<1xf32>
        %slice3A_38 = vector.extract_strided_slice %get3A_21 {offsets = [0], sizes = [1], strides = [1]} : vector<16xi32> to vector<1xi32>
        %squeeze3A_39 = vector.extract %slice3A_38[0] : i32 from vector<1xi32>
        %add3A_40 = arith.constant 0 : i32
        %add3A_41 = arith.addi %add3A_26, %add3A_40 : i32
        %get3A_42 = arith.index_cast %squeeze3A_39 : i32 to index
        %get3A_43 = arith.constant 0 : index
        %get3A_44 = tpu.vector_load %arg8[%get3A_42, %get3A_43] {strides = array<i32>} : memref<64x16xf32, #tpu.memory_space<vmem>>, vector<16xf32>,
        %get3A_45 = arith.index_cast %squeeze3A_39 : i32 to index
        %get3A_46 = arith.constant 0 : index
        %get3A_47 = tpu.vector_load %arg9[%get3A_45, %get3A_46] {strides = array<i32>} : memref<64x16xi32, #tpu.memory_space<vmem>>, vector<16xi32>,
        %slice3A_48 = vector.extract_strided_slice %get3A_44 {offsets = [0], sizes = [1], strides = [1]} : vector<16xf32> to vector<1xf32>
        %squeeze3A_49 = vector.extract %slice3A_48[0] : f32 from vector<1xf32>
        %slice3A_50 = vector.extract_strided_slice %get3A_44 {offsets = [1], sizes = [1], strides = [1]} : vector<16xf32> to vector<1xf32>
        %squeeze3A_51 = vector.extract %slice3A_50[0] : f32 from vector<1xf32>
        %slice3A_52 = vector.extract_strided_slice %get3A_44 {offsets = [2], sizes = [1], strides = [1]} : vector<16xf32> to vector<1xf32>
        %squeeze3A_53 = vector.extract %slice3A_52[0] : f32 from vector<1xf32>
        %slice3A_54 = vector.extract_strided_slice %get3A_47 {offsets = [0], sizes = [1], strides = [1]} : vector<16xi32> to vector<1xi32>
        %squeeze3A_55 = vector.extract %slice3A_54[0] : i32 from vector<1xi32>
        %slice3A_56 = vector.extract_strided_slice %get3A_47 {offsets = [1], sizes = [1], strides = [1]} : vector<16xi32> to vector<1xi32>
        %squeeze3A_57 = vector.extract %slice3A_56[0] : i32 from vector<1xi32>
        %slice3A_58 = vector.extract_strided_slice %get3A_47 {offsets = [2], sizes = [1], strides = [1]} : vector<16xi32> to vector<1xi32>
        %squeeze3A_59 = vector.extract %slice3A_58[0] : i32 from vector<1xi32>
        %gt3A_60 = arith.cmpf ogt, %squeeze3A_37, %squeeze3A_49 : f32
        %gt3A_61 = arith.cmpf ogt, %squeeze3A_37, %squeeze3A_51 : f32
        %gt3A_62 = arith.cmpf ogt, %squeeze3A_37, %squeeze3A_53 : f32
        %select_n3A_63 = arith.select %gt3A_60, %squeeze3A_37, %squeeze3A_49 : f32
        %select_n3A_64 = arith.select %gt3A_60, %add3A_41, %squeeze3A_55 : i32
        %select_n3A_65 = arith.select %gt3A_61, %squeeze3A_37, %squeeze3A_51 : f32
        %select_n3A_66 = arith.select %gt3A_60, %squeeze3A_49, %select_n3A_65 : f32
        %select_n3A_67 = arith.select %gt3A_61, %add3A_41, %squeeze3A_57 : i32
        %select_n3A_68 = arith.select %gt3A_60, %squeeze3A_55, %select_n3A_67 : i32
        %select_n3A_69 = arith.select %gt3A_62, %squeeze3A_37, %squeeze3A_53 : f32
        %select_n3A_70 = arith.select %gt3A_61, %squeeze3A_51, %select_n3A_69 : f32
        %select_n3A_71 = arith.select %gt3A_62, %add3A_41, %squeeze3A_59 : i32
        %select_n3A_72 = arith.select %gt3A_61, %squeeze3A_57, %select_n3A_71 : i32
        %eq3A = arith.constant 0 : i32
        %eq3A_73 = vector.broadcast %eq3A : i32 to vector<16xi32>
        %eq3A_74 = arith.cmpi eq, %iota3A, %eq3A_73 : vector<16xi32>
        %eq3A_75 = arith.constant 1 : i32
        %eq3A_76 = vector.broadcast %eq3A_75 : i32 to vector<16xi32>
        %eq3A_77 = arith.cmpi eq, %iota3A, %eq3A_76 : vector<16xi32>
        %eq3A_78 = arith.constant 2 : i32
        %eq3A_79 = vector.broadcast %eq3A_78 : i32 to vector<16xi32>
        %eq3A_80 = arith.cmpi eq, %iota3A, %eq3A_79 : vector<16xi32>
        %broadcast_in_dim3A_81 = vector.broadcast %select_n3A_70 : f32 to vector<16xf32>
        %select_n3A_82 = arith.select %eq3A_80, %broadcast_in_dim3A_81, %get3A_44 : vector<16xi1>, vector<16xf32>
        %broadcast_in_dim3A_83 = vector.broadcast %select_n3A_66 : f32 to vector<16xf32>
        %select_n3A_84 = arith.select %eq3A_77, %broadcast_in_dim3A_83, %select_n3A_82 : vector<16xi1>, vector<16xf32>
        %broadcast_in_dim3A_85 = vector.broadcast %select_n3A_63 : f32 to vector<16xf32>
        %select_n3A_86 = arith.select %eq3A_74, %broadcast_in_dim3A_85, %select_n3A_84 : vector<16xi1>, vector<16xf32>
        %eq3A_87 = arith.constant 0 : i32
        %eq3A_88 = vector.broadcast %eq3A_87 : i32 to vector<16xi32>
        %eq3A_89 = arith.cmpi eq, %iota3A, %eq3A_88 : vector<16xi32>
        %eq3A_90 = arith.constant 1 : i32
        %eq3A_91 = vector.broadcast %eq3A_90 : i32 to vector<16xi32>
        %eq3A_92 = arith.cmpi eq, %iota3A, %eq3A_91 : vector<16xi32>
        %eq3A_93 = arith.constant 2 : i32
        %eq3A_94 = vector.broadcast %eq3A_93 : i32 to vector<16xi32>
        %eq3A_95 = arith.cmpi eq, %iota3A, %eq3A_94 : vector<16xi32>
        %broadcast_in_dim3A_96 = vector.broadcast %select_n3A_72 : i32 to vector<16xi32>
        %select_n3A_97 = arith.select %eq3A_95, %broadcast_in_dim3A_96, %get3A_47 : vector<16xi1>, vector<16xi32>
        %broadcast_in_dim3A_98 = vector.broadcast %select_n3A_68 : i32 to vector<16xi32>
        %select_n3A_99 = arith.select %eq3A_92, %broadcast_in_dim3A_98, %select_n3A_97 : vector<16xi1>, vector<16xi32>
        %broadcast_in_dim3A_100 = vector.broadcast %select_n3A_64 : i32 to vector<16xi32>
        %select_n3A_101 = arith.select %eq3A_89, %broadcast_in_dim3A_100, %select_n3A_99 : vector<16xi1>, vector<16xi32>
        %swap3A = arith.index_cast %squeeze3A_39 : i32 to index
        %swap3A_102 = arith.constant 0 : index
        %swap3A_103 = tpu.vector_load %arg8[%swap3A, %swap3A_102] {strides = array<i32>} : memref<64x16xf32, #tpu.memory_space<vmem>>, vector<16xf32>,
        tpu.vector_store %arg8[%swap3A, %swap3A_102], %select_n3A_86 {strides = array<i32>} : memref<64x16xf32, #tpu.memory_space<vmem>>, vector<16xf32>,
        %swap3A_104 = arith.index_cast %squeeze3A_39 : i32 to index
        %swap3A_105 = arith.constant 0 : index
        %swap3A_106 = tpu.vector_load %arg9[%swap3A_104, %swap3A_105] {strides = array<i32>} : memref<64x16xi32, #tpu.memory_space<vmem>>, vector<16xi32>,
        tpu.vector_store %arg9[%swap3A_104, %swap3A_105], %select_n3A_101 {strides = array<i32>} : memref<64x16xi32, #tpu.memory_space<vmem>>, vector<16xi32>,
        %slice3A_107 = vector.extract_strided_slice %select_n3A {offsets = [1], sizes = [1], strides = [1]} : vector<16xf32> to vector<1xf32>
        %squeeze3A_108 = vector.extract %slice3A_107[0] : f32 from vector<1xf32>
        %slice3A_109 = vector.extract_strided_slice %get3A_21 {offsets = [1], sizes = [1], strides = [1]} : vector<16xi32> to vector<1xi32>
        %squeeze3A_110 = vector.extract %slice3A_109[0] : i32 from vector<1xi32>
        %add3A_111 = arith.constant 1 : i32
        %add3A_112 = arith.addi %add3A_26, %add3A_111 : i32
        %get3A_113 = arith.index_cast %squeeze3A_110 : i32 to index
        %get3A_114 = arith.constant 0 : index
        %get3A_115 = tpu.vector_load %arg8[%get3A_113, %get3A_114] {strides = array<i32>} : memref<64x16xf32, #tpu.memory_space<vmem>>, vector<16xf32>,
        %get3A_116 = arith.index_cast %squeeze3A_110 : i32 to index
        %get3A_117 = arith.constant 0 : index
        %get3A_118 = tpu.vector_load %arg9[%get3A_116, %get3A_117] {strides = array<i32>} : memref<64x16xi32, #tpu.memory_space<vmem>>, vector<16xi32>,
        %slice3A_119 = vector.extract_strided_slice %get3A_115 {offsets = [0], sizes = [1], strides = [1]} : vector<16xf32> to vector<1xf32>
        %squeeze3A_120 = vector.extract %slice3A_119[0] : f32 from vector<1xf32>
        %slice3A_121 = vector.extract_strided_slice %get3A_115 {offsets = [1], sizes = [1], strides = [1]} : vector<16xf32> to vector<1xf32>
        %squeeze3A_122 = vector.extract %slice3A_121[0] : f32 from vector<1xf32>
        %slice3A_123 = vector.extract_strided_slice %get3A_115 {offsets = [2], sizes = [1], strides = [1]} : vector<16xf32> to vector<1xf32>
        %squeeze3A_124 = vector.extract %slice3A_123[0] : f32 from vector<1xf32>
        %slice3A_125 = vector.extract_strided_slice %get3A_118 {offsets = [0], sizes = [1], strides = [1]} : vector<16xi32> to vector<1xi32>
        %squeeze3A_126 = vector.extract %slice3A_125[0] : i32 from vector<1xi32>
        %slice3A_127 = vector.extract_strided_slice %get3A_118 {offsets = [1], sizes = [1], strides = [1]} : vector<16xi32> to vector<1xi32>
        %squeeze3A_128 = vector.extract %slice3A_127[0] : i32 from vector<1xi32>
        %slice3A_129 = vector.extract_strided_slice %get3A_118 {offsets = [2], sizes = [1], strides = [1]} : vector<16xi32> to vector<1xi32>
        %squeeze3A_130 = vector.extract %slice3A_129[0] : i32 from vector<1xi32>
        %gt3A_131 = arith.cmpf ogt, %squeeze3A_108, %squeeze3A_120 : f32
        %gt3A_132 = arith.cmpf ogt, %squeeze3A_108, %squeeze3A_122 : f32
        %gt3A_133 = arith.cmpf ogt, %squeeze3A_108, %squeeze3A_124 : f32
        %select_n3A_134 = arith.select %gt3A_131, %squeeze3A_108, %squeeze3A_120 : f32
        %select_n3A_135 = arith.select %gt3A_131, %add3A_112, %squeeze3A_126 : i32
        %select_n3A_136 = arith.select %gt3A_132, %squeeze3A_108, %squeeze3A_122 : f32
        %select_n3A_137 = arith.select %gt3A_131, %squeeze3A_120, %select_n3A_136 : f32
        %select_n3A_138 = arith.select %gt3A_132, %add3A_112, %squeeze3A_128 : i32
        %select_n3A_139 = arith.select %gt3A_131, %squeeze3A_126, %select_n3A_138 : i32
        %select_n3A_140 = arith.select %gt3A_133, %squeeze3A_108, %squeeze3A_124 : f32
        %select_n3A_141 = arith.select %gt3A_132, %squeeze3A_122, %select_n3A_140 : f32
        %select_n3A_142 = arith.select %gt3A_133, %add3A_112, %squeeze3A_130 : i32
        %select_n3A_143 = arith.select %gt3A_132, %squeeze3A_128, %select_n3A_142 : i32
        %eq3A_144 = arith.constant 0 : i32
        %eq3A_145 = vector.broadcast %eq3A_144 : i32 to vector<16xi32>
        %eq3A_146 = arith.cmpi eq, %iota3A, %eq3A_145 : vector<16xi32>
        %eq3A_147 = arith.constant 1 : i32
        %eq3A_148 = vector.broadcast %eq3A_147 : i32 to vector<16xi32>
        %eq3A_149 = arith.cmpi eq, %iota3A, %eq3A_148 : vector<16xi32>
        %eq3A_150 = arith.constant 2 : i32
        %eq3A_151 = vector.broadcast %eq3A_150 : i32 to vector<16xi32>
        %eq3A_152 = arith.cmpi eq, %iota3A, %eq3A_151 : vector<16xi32>
        %broadcast_in_dim3A_153 = vector.broadcast %select_n3A_141 : f32 to vector<16xf32>
        %select_n3A_154 = arith.select %eq3A_152, %broadcast_in_dim3A_153, %get3A_115 : vector<16xi1>, vector<16xf32>
        %broadcast_in_dim3A_155 = vector.broadcast %select_n3A_137 : f32 to vector<16xf32>
        %select_n3A_156 = arith.select %eq3A_149, %broadcast_in_dim3A_155, %select_n3A_154 : vector<16xi1>, vector<16xf32>
        %broadcast_in_dim3A_157 = vector.broadcast %select_n3A_134 : f32 to vector<16xf32>
        %select_n3A_158 = arith.select %eq3A_146, %broadcast_in_dim3A_157, %select_n3A_156 : vector<16xi1>, vector<16xf32>
        %eq3A_159 = arith.constant 0 : i32
        %eq3A_160 = vector.broadcast %eq3A_159 : i32 to vector<16xi32>
        %eq3A_161 = arith.cmpi eq, %iota3A, %eq3A_160 : vector<16xi32>
        %eq3A_162 = arith.constant 1 : i32
        %eq3A_163 = vector.broadcast %eq3A_162 : i32 to vector<16xi32>
        %eq3A_164 = arith.cmpi eq, %iota3A, %eq3A_163 : vector<16xi32>
        %eq3A_165 = arith.constant 2 : i32
        %eq3A_166 = vector.broadcast %eq3A_165 : i32 to vector<16xi32>
        %eq3A_167 = arith.cmpi eq, %iota3A, %eq3A_166 : vector<16xi32>
        %broadcast_in_dim3A_168 = vector.broadcast %select_n3A_143 : i32 to vector<16xi32>
        %select_n3A_169 = arith.select %eq3A_167, %broadcast_in_dim3A_168, %get3A_118 : vector<16xi1>, vector<16xi32>
        %broadcast_in_dim3A_170 = vector.broadcast %select_n3A_139 : i32 to vector<16xi32>
        %select_n3A_171 = arith.select %eq3A_164, %broadcast_in_dim3A_170, %select_n3A_169 : vector<16xi1>, vector<16xi32>
        %broadcast_in_dim3A_172 = vector.broadcast %select_n3A_135 : i32 to vector<16xi32>
        %select_n3A_173 = arith.select %eq3A_161, %broadcast_in_dim3A_172, %select_n3A_171 : vector<16xi1>, vector<16xi32>
        %swap3A_174 = arith.index_cast %squeeze3A_110 : i32 to index
        %swap3A_175 = arith.constant 0 : index
        %swap3A_176 = tpu.vector_load %arg8[%swap3A_174, %swap3A_175] {strides = array<i32>} : memref<64x16xf32, #tpu.memory_space<vmem>>, vector<16xf32>,
        tpu.vector_store %arg8[%swap3A_174, %swap3A_175], %select_n3A_158 {strides = array<i32>} : memref<64x16xf32, #tpu.memory_space<vmem>>, vector<16xf32>,
        %swap3A_177 = arith.index_cast %squeeze3A_110 : i32 to index
        %swap3A_178 = arith.constant 0 : index
        %swap3A_179 = tpu.vector_load %arg9[%swap3A_177, %swap3A_178] {strides = array<i32>} : memref<64x16xi32, #tpu.memory_space<vmem>>, vector<16xi32>,
        tpu.vector_store %arg9[%swap3A_177, %swap3A_178], %select_n3A_173 {strides = array<i32>} : memref<64x16xi32, #tpu.memory_space<vmem>>, vector<16xi32>,
        %slice3A_180 = vector.extract_strided_slice %select_n3A {offsets = [2], sizes = [1], strides = [1]} : vector<16xf32> to vector<1xf32>
        %squeeze3A_181 = vector.extract %slice3A_180[0] : f32 from vector<1xf32>
        %slice3A_182 = vector.extract_strided_slice %get3A_21 {offsets = [2], sizes = [1], strides = [1]} : vector<16xi32> to vector<1xi32>
        %squeeze3A_183 = vector.extract %slice3A_182[0] : i32 from vector<1xi32>
        %add3A_184 = arith.constant 2 : i32
        %add3A_185 = arith.addi %add3A_26, %add3A_184 : i32
        %get3A_186 = arith.index_cast %squeeze3A_183 : i32 to index
        %get3A_187 = arith.constant 0 : index
        %get3A_188 = tpu.vector_load %arg8[%get3A_186, %get3A_187] {strides = array<i32>} : memref<64x16xf32, #tpu.memory_space<vmem>>, vector<16xf32>,
        %get3A_189 = arith.index_cast %squeeze3A_183 : i32 to index
        %get3A_190 = arith.constant 0 : index
        %get3A_191 = tpu.vector_load %arg9[%get3A_189, %get3A_190] {strides = array<i32>} : memref<64x16xi32, #tpu.memory_space<vmem>>, vector<16xi32>,
        %slice3A_192 = vector.extract_strided_slice %get3A_188 {offsets = [0], sizes = [1], strides = [1]} : vector<16xf32> to vector<1xf32>
        %squeeze3A_193 = vector.extract %slice3A_192[0] : f32 from vector<1xf32>
        %slice3A_194 = vector.extract_strided_slice %get3A_188 {offsets = [1], sizes = [1], strides = [1]} : vector<16xf32> to vector<1xf32>
        %squeeze3A_195 = vector.extract %slice3A_194[0] : f32 from vector<1xf32>
        %slice3A_196 = vector.extract_strided_slice %get3A_188 {offsets = [2], sizes = [1], strides = [1]} : vector<16xf32> to vector<1xf32>
        %squeeze3A_197 = vector.extract %slice3A_196[0] : f32 from vector<1xf32>
        %slice3A_198 = vector.extract_strided_slice %get3A_191 {offsets = [0], sizes = [1], strides = [1]} : vector<16xi32> to vector<1xi32>
        %squeeze3A_199 = vector.extract %slice3A_198[0] : i32 from vector<1xi32>
        %slice3A_200 = vector.extract_strided_slice %get3A_191 {offsets = [1], sizes = [1], strides = [1]} : vector<16xi32> to vector<1xi32>
        %squeeze3A_201 = vector.extract %slice3A_200[0] : i32 from vector<1xi32>
        %slice3A_202 = vector.extract_strided_slice %get3A_191 {offsets = [2], sizes = [1], strides = [1]} : vector<16xi32> to vector<1xi32>
        %squeeze3A_203 = vector.extract %slice3A_202[0] : i32 from vector<1xi32>
        %gt3A_204 = arith.cmpf ogt, %squeeze3A_181, %squeeze3A_193 : f32
        %gt3A_205 = arith.cmpf ogt, %squeeze3A_181, %squeeze3A_195 : f32
        %gt3A_206 = arith.cmpf ogt, %squeeze3A_181, %squeeze3A_197 : f32
        %select_n3A_207 = arith.select %gt3A_204, %squeeze3A_181, %squeeze3A_193 : f32
        %select_n3A_208 = arith.select %gt3A_204, %add3A_185, %squeeze3A_199 : i32
        %select_n3A_209 = arith.select %gt3A_205, %squeeze3A_181, %squeeze3A_195 : f32
        %select_n3A_210 = arith.select %gt3A_204, %squeeze3A_193, %select_n3A_209 : f32
        %select_n3A_211 = arith.select %gt3A_205, %add3A_185, %squeeze3A_201 : i32
        %select_n3A_212 = arith.select %gt3A_204, %squeeze3A_199, %select_n3A_211 : i32
        %select_n3A_213 = arith.select %gt3A_206, %squeeze3A_181, %squeeze3A_197 : f32
        %select_n3A_214 = arith.select %gt3A_205, %squeeze3A_195, %select_n3A_213 : f32
        %select_n3A_215 = arith.select %gt3A_206, %add3A_185, %squeeze3A_203 : i32
        %select_n3A_216 = arith.select %gt3A_205, %squeeze3A_201, %select_n3A_215 : i32
        %eq3A_217 = arith.constant 0 : i32
        %eq3A_218 = vector.broadcast %eq3A_217 : i32 to vector<16xi32>
        %eq3A_219 = arith.cmpi eq, %iota3A, %eq3A_218 : vector<16xi32>
        %eq3A_220 = arith.constant 1 : i32
        %eq3A_221 = vector.broadcast %eq3A_220 : i32 to vector<16xi32>
        %eq3A_222 = arith.cmpi eq, %iota3A, %eq3A_221 : vector<16xi32>
        %eq3A_223 = arith.constant 2 : i32
        %eq3A_224 = vector.broadcast %eq3A_223 : i32 to vector<16xi32>
        %eq3A_225 = arith.cmpi eq, %iota3A, %eq3A_224 : vector<16xi32>
        %broadcast_in_dim3A_226 = vector.broadcast %select_n3A_214 : f32 to vector<16xf32>
        %select_n3A_227 = arith.select %eq3A_225, %broadcast_in_dim3A_226, %get3A_188 : vector<16xi1>, vector<16xf32>
        %broadcast_in_dim3A_228 = vector.broadcast %select_n3A_210 : f32 to vector<16xf32>
        %select_n3A_229 = arith.select %eq3A_222, %broadcast_in_dim3A_228, %select_n3A_227 : vector<16xi1>, vector<16xf32>
        %broadcast_in_dim3A_230 = vector.broadcast %select_n3A_207 : f32 to vector<16xf32>
        %select_n3A_231 = arith.select %eq3A_219, %broadcast_in_dim3A_230, %select_n3A_229 : vector<16xi1>, vector<16xf32>
        %eq3A_232 = arith.constant 0 : i32
        %eq3A_233 = vector.broadcast %eq3A_232 : i32 to vector<16xi32>
        %eq3A_234 = arith.cmpi eq, %iota3A, %eq3A_233 : vector<16xi32>
        %eq3A_235 = arith.constant 1 : i32
        %eq3A_236 = vector.broadcast %eq3A_235 : i32 to vector<16xi32>
        %eq3A_237 = arith.cmpi eq, %iota3A, %eq3A_236 : vector<16xi32>
        %eq3A_238 = arith.constant 2 : i32
        %eq3A_239 = vector.broadcast %eq3A_238 : i32 to vector<16xi32>
        %eq3A_240 = arith.cmpi eq, %iota3A, %eq3A_239 : vector<16xi32>
        %broadcast_in_dim3A_241 = vector.broadcast %select_n3A_216 : i32 to vector<16xi32>
        %select_n3A_242 = arith.select %eq3A_240, %broadcast_in_dim3A_241, %get3A_191 : vector<16xi1>, vector<16xi32>
        %broadcast_in_dim3A_243 = vector.broadcast %select_n3A_212 : i32 to vector<16xi32>
        %select_n3A_244 = arith.select %eq3A_237, %broadcast_in_dim3A_243, %select_n3A_242 : vector<16xi1>, vector<16xi32>
        %broadcast_in_dim3A_245 = vector.broadcast %select_n3A_208 : i32 to vector<16xi32>
        %select_n3A_246 = arith.select %eq3A_234, %broadcast_in_dim3A_245, %select_n3A_244 : vector<16xi1>, vector<16xi32>
        %swap3A_247 = arith.index_cast %squeeze3A_183 : i32 to index
        %swap3A_248 = arith.constant 0 : index
        %swap3A_249 = tpu.vector_load %arg8[%swap3A_247, %swap3A_248] {strides = array<i32>} : memref<64x16xf32, #tpu.memory_space<vmem>>, vector<16xf32>,
        tpu.vector_store %arg8[%swap3A_247, %swap3A_248], %select_n3A_231 {strides = array<i32>} : memref<64x16xf32, #tpu.memory_space<vmem>>, vector<16xf32>,
        %swap3A_250 = arith.index_cast %squeeze3A_183 : i32 to index
        %swap3A_251 = arith.constant 0 : index
        %swap3A_252 = tpu.vector_load %arg9[%swap3A_250, %swap3A_251] {strides = array<i32>} : memref<64x16xi32, #tpu.memory_space<vmem>>, vector<16xi32>,
        tpu.vector_store %arg9[%swap3A_250, %swap3A_251], %select_n3A_246 {strides = array<i32>} : memref<64x16xi32, #tpu.memory_space<vmem>>, vector<16xi32>,
        %slice3A_253 = vector.extract_strided_slice %select_n3A {offsets = [3], sizes = [1], strides = [1]} : vector<16xf32> to vector<1xf32>
        %squeeze3A_254 = vector.extract %slice3A_253[0] : f32 from vector<1xf32>
        %slice3A_255 = vector.extract_strided_slice %get3A_21 {offsets = [3], sizes = [1], strides = [1]} : vector<16xi32> to vector<1xi32>
        %squeeze3A_256 = vector.extract %slice3A_255[0] : i32 from vector<1xi32>
        %add3A_257 = arith.constant 3 : i32
        %add3A_258 = arith.addi %add3A_26, %add3A_257 : i32
        %get3A_259 = arith.index_cast %squeeze3A_256 : i32 to index
        %get3A_260 = arith.constant 0 : index
        %get3A_261 = tpu.vector_load %arg8[%get3A_259, %get3A_260] {strides = array<i32>} : memref<64x16xf32, #tpu.memory_space<vmem>>, vector<16xf32>,
        %get3A_262 = arith.index_cast %squeeze3A_256 : i32 to index
        %get3A_263 = arith.constant 0 : index
        %get3A_264 = tpu.vector_load %arg9[%get3A_262, %get3A_263] {strides = array<i32>} : memref<64x16xi32, #tpu.memory_space<vmem>>, vector<16xi32>,
        %slice3A_265 = vector.extract_strided_slice %get3A_261 {offsets = [0], sizes = [1], strides = [1]} : vector<16xf32> to vector<1xf32>
        %squeeze3A_266 = vector.extract %slice3A_265[0] : f32 from vector<1xf32>
        %slice3A_267 = vector.extract_strided_slice %get3A_261 {offsets = [1], sizes = [1], strides = [1]} : vector<16xf32> to vector<1xf32>
        %squeeze3A_268 = vector.extract %slice3A_267[0] : f32 from vector<1xf32>
        %slice3A_269 = vector.extract_strided_slice %get3A_261 {offsets = [2], sizes = [1], strides = [1]} : vector<16xf32> to vector<1xf32>
        %squeeze3A_270 = vector.extract %slice3A_269[0] : f32 from vector<1xf32>
        %slice3A_271 = vector.extract_strided_slice %get3A_264 {offsets = [0], sizes = [1], strides = [1]} : vector<16xi32> to vector<1xi32>
        %squeeze3A_272 = vector.extract %slice3A_271[0] : i32 from vector<1xi32>
        %slice3A_273 = vector.extract_strided_slice %get3A_264 {offsets = [1], sizes = [1], strides = [1]} : vector<16xi32> to vector<1xi32>
        %squeeze3A_274 = vector.extract %slice3A_273[0] : i32 from vector<1xi32>
        %slice3A_275 = vector.extract_strided_slice %get3A_264 {offsets = [2], sizes = [1], strides = [1]} : vector<16xi32> to vector<1xi32>
        %squeeze3A_276 = vector.extract %slice3A_275[0] : i32 from vector<1xi32>
        %gt3A_277 = arith.cmpf ogt, %squeeze3A_254, %squeeze3A_266 : f32
        %gt3A_278 = arith.cmpf ogt, %squeeze3A_254, %squeeze3A_268 : f32
        %gt3A_279 = arith.cmpf ogt, %squeeze3A_254, %squeeze3A_270 : f32
        %select_n3A_280 = arith.select %gt3A_277, %squeeze3A_254, %squeeze3A_266 : f32
        %select_n3A_281 = arith.select %gt3A_277, %add3A_258, %squeeze3A_272 : i32
        %select_n3A_282 = arith.select %gt3A_278, %squeeze3A_254, %squeeze3A_268 : f32
        %select_n3A_283 = arith.select %gt3A_277, %squeeze3A_266, %select_n3A_282 : f32
        %select_n3A_284 = arith.select %gt3A_278, %add3A_258, %squeeze3A_274 : i32
        %select_n3A_285 = arith.select %gt3A_277, %squeeze3A_272, %select_n3A_284 : i32
        %select_n3A_286 = arith.select %gt3A_279, %squeeze3A_254, %squeeze3A_270 : f32
        %select_n3A_287 = arith.select %gt3A_278, %squeeze3A_268, %select_n3A_286 : f32
        %select_n3A_288 = arith.select %gt3A_279, %add3A_258, %squeeze3A_276 : i32
        %select_n3A_289 = arith.select %gt3A_278, %squeeze3A_274, %select_n3A_288 : i32
        %eq3A_290 = arith.constant 0 : i32
        %eq3A_291 = vector.broadcast %eq3A_290 : i32 to vector<16xi32>
        %eq3A_292 = arith.cmpi eq, %iota3A, %eq3A_291 : vector<16xi32>
        %eq3A_293 = arith.constant 1 : i32
        %eq3A_294 = vector.broadcast %eq3A_293 : i32 to vector<16xi32>
        %eq3A_295 = arith.cmpi eq, %iota3A, %eq3A_294 : vector<16xi32>
        %eq3A_296 = arith.constant 2 : i32
        %eq3A_297 = vector.broadcast %eq3A_296 : i32 to vector<16xi32>
        %eq3A_298 = arith.cmpi eq, %iota3A, %eq3A_297 : vector<16xi32>
        %broadcast_in_dim3A_299 = vector.broadcast %select_n3A_287 : f32 to vector<16xf32>
        %select_n3A_300 = arith.select %eq3A_298, %broadcast_in_dim3A_299, %get3A_261 : vector<16xi1>, vector<16xf32>
        %broadcast_in_dim3A_301 = vector.broadcast %select_n3A_283 : f32 to vector<16xf32>
        %select_n3A_302 = arith.select %eq3A_295, %broadcast_in_dim3A_301, %select_n3A_300 : vector<16xi1>, vector<16xf32>
        %broadcast_in_dim3A_303 = vector.broadcast %select_n3A_280 : f32 to vector<16xf32>
        %select_n3A_304 = arith.select %eq3A_292, %broadcast_in_dim3A_303, %select_n3A_302 : vector<16xi1>, vector<16xf32>
        %eq3A_305 = arith.constant 0 : i32
        %eq3A_306 = vector.broadcast %eq3A_305 : i32 to vector<16xi32>
        %eq3A_307 = arith.cmpi eq, %iota3A, %eq3A_306 : vector<16xi32>
        %eq3A_308 = arith.constant 1 : i32
        %eq3A_309 = vector.broadcast %eq3A_308 : i32 to vector<16xi32>
        %eq3A_310 = arith.cmpi eq, %iota3A, %eq3A_309 : vector<16xi32>
        %eq3A_311 = arith.constant 2 : i32
        %eq3A_312 = vector.broadcast %eq3A_311 : i32 to vector<16xi32>
        %eq3A_313 = arith.cmpi eq, %iota3A, %eq3A_312 : vector<16xi32>
        %broadcast_in_dim3A_314 = vector.broadcast %select_n3A_289 : i32 to vector<16xi32>
        %select_n3A_315 = arith.select %eq3A_313, %broadcast_in_dim3A_314, %get3A_264 : vector<16xi1>, vector<16xi32>
        %broadcast_in_dim3A_316 = vector.broadcast %select_n3A_285 : i32 to vector<16xi32>
        %select_n3A_317 = arith.select %eq3A_310, %broadcast_in_dim3A_316, %select_n3A_315 : vector<16xi1>, vector<16xi32>
        %broadcast_in_dim3A_318 = vector.broadcast %select_n3A_281 : i32 to vector<16xi32>
        %select_n3A_319 = arith.select %eq3A_307, %broadcast_in_dim3A_318, %select_n3A_317 : vector<16xi1>, vector<16xi32>
        %swap3A_320 = arith.index_cast %squeeze3A_256 : i32 to index
        %swap3A_321 = arith.constant 0 : index
        %swap3A_322 = tpu.vector_load %arg8[%swap3A_320, %swap3A_321] {strides = array<i32>} : memref<64x16xf32, #tpu.memory_space<vmem>>, vector<16xf32>,
        tpu.vector_store %arg8[%swap3A_320, %swap3A_321], %select_n3A_304 {strides = array<i32>} : memref<64x16xf32, #tpu.memory_space<vmem>>, vector<16xf32>,
        %swap3A_323 = arith.index_cast %squeeze3A_256 : i32 to index
        %swap3A_324 = arith.constant 0 : index
        %swap3A_325 = tpu.vector_load %arg9[%swap3A_323, %swap3A_324] {strides = array<i32>} : memref<64x16xi32, #tpu.memory_space<vmem>>, vector<16xi32>,
        tpu.vector_store %arg9[%swap3A_323, %swap3A_324], %select_n3A_319 {strides = array<i32>} : memref<64x16xi32, #tpu.memory_space<vmem>>, vector<16xi32>,
        %slice3A_326 = vector.extract_strided_slice %select_n3A {offsets = [4], sizes = [1], strides = [1]} : vector<16xf32> to vector<1xf32>
        %squeeze3A_327 = vector.extract %slice3A_326[0] : f32 from vector<1xf32>
        %slice3A_328 = vector.extract_strided_slice %get3A_21 {offsets = [4], sizes = [1], strides = [1]} : vector<16xi32> to vector<1xi32>
        %squeeze3A_329 = vector.extract %slice3A_328[0] : i32 from vector<1xi32>
        %add3A_330 = arith.constant 4 : i32
        %add3A_331 = arith.addi %add3A_26, %add3A_330 : i32
        %get3A_332 = arith.index_cast %squeeze3A_329 : i32 to index
        %get3A_333 = arith.constant 0 : index
        %get3A_334 = tpu.vector_load %arg8[%get3A_332, %get3A_333] {strides = array<i32>} : memref<64x16xf32, #tpu.memory_space<vmem>>, vector<16xf32>,
        %get3A_335 = arith.index_cast %squeeze3A_329 : i32 to index
        %get3A_336 = arith.constant 0 : index
        %get3A_337 = tpu.vector_load %arg9[%get3A_335, %get3A_336] {strides = array<i32>} : memref<64x16xi32, #tpu.memory_space<vmem>>, vector<16xi32>,
        %slice3A_338 = vector.extract_strided_slice %get3A_334 {offsets = [0], sizes = [1], strides = [1]} : vector<16xf32> to vector<1xf32>
        %squeeze3A_339 = vector.extract %slice3A_338[0] : f32 from vector<1xf32>
        %slice3A_340 = vector.extract_strided_slice %get3A_334 {offsets = [1], sizes = [1], strides = [1]} : vector<16xf32> to vector<1xf32>
        %squeeze3A_341 = vector.extract %slice3A_340[0] : f32 from vector<1xf32>
        %slice3A_342 = vector.extract_strided_slice %get3A_334 {offsets = [2], sizes = [1], strides = [1]} : vector<16xf32> to vector<1xf32>
        %squeeze3A_343 = vector.extract %slice3A_342[0] : f32 from vector<1xf32>
        %slice3A_344 = vector.extract_strided_slice %get3A_337 {offsets = [0], sizes = [1], strides = [1]} : vector<16xi32> to vector<1xi32>
        %squeeze3A_345 = vector.extract %slice3A_344[0] : i32 from vector<1xi32>
        %slice3A_346 = vector.extract_strided_slice %get3A_337 {offsets = [1], sizes = [1], strides = [1]} : vector<16xi32> to vector<1xi32>
        %squeeze3A_347 = vector.extract %slice3A_346[0] : i32 from vector<1xi32>
        %slice3A_348 = vector.extract_strided_slice %get3A_337 {offsets = [2], sizes = [1], strides = [1]} : vector<16xi32> to vector<1xi32>
        %squeeze3A_349 = vector.extract %slice3A_348[0] : i32 from vector<1xi32>
        %gt3A_350 = arith.cmpf ogt, %squeeze3A_327, %squeeze3A_339 : f32
        %gt3A_351 = arith.cmpf ogt, %squeeze3A_327, %squeeze3A_341 : f32
        %gt3A_352 = arith.cmpf ogt, %squeeze3A_327, %squeeze3A_343 : f32
        %select_n3A_353 = arith.select %gt3A_350, %squeeze3A_327, %squeeze3A_339 : f32
        %select_n3A_354 = arith.select %gt3A_350, %add3A_331, %squeeze3A_345 : i32
        %select_n3A_355 = arith.select %gt3A_351, %squeeze3A_327, %squeeze3A_341 : f32
        %select_n3A_356 = arith.select %gt3A_350, %squeeze3A_339, %select_n3A_355 : f32
        %select_n3A_357 = arith.select %gt3A_351, %add3A_331, %squeeze3A_347 : i32
        %select_n3A_358 = arith.select %gt3A_350, %squeeze3A_345, %select_n3A_357 : i32
        %select_n3A_359 = arith.select %gt3A_352, %squeeze3A_327, %squeeze3A_343 : f32
        %select_n3A_360 = arith.select %gt3A_351, %squeeze3A_341, %select_n3A_359 : f32
        %select_n3A_361 = arith.select %gt3A_352, %add3A_331, %squeeze3A_349 : i32
        %select_n3A_362 = arith.select %gt3A_351, %squeeze3A_347, %select_n3A_361 : i32
        %eq3A_363 = arith.constant 0 : i32
        %eq3A_364 = vector.broadcast %eq3A_363 : i32 to vector<16xi32>
        %eq3A_365 = arith.cmpi eq, %iota3A, %eq3A_364 : vector<16xi32>
        %eq3A_366 = arith.constant 1 : i32
        %eq3A_367 = vector.broadcast %eq3A_366 : i32 to vector<16xi32>
        %eq3A_368 = arith.cmpi eq, %iota3A, %eq3A_367 : vector<16xi32>
        %eq3A_369 = arith.constant 2 : i32
        %eq3A_370 = vector.broadcast %eq3A_369 : i32 to vector<16xi32>
        %eq3A_371 = arith.cmpi eq, %iota3A, %eq3A_370 : vector<16xi32>
        %broadcast_in_dim3A_372 = vector.broadcast %select_n3A_360 : f32 to vector<16xf32>
        %select_n3A_373 = arith.select %eq3A_371, %broadcast_in_dim3A_372, %get3A_334 : vector<16xi1>, vector<16xf32>
        %broadcast_in_dim3A_374 = vector.broadcast %select_n3A_356 : f32 to vector<16xf32>
        %select_n3A_375 = arith.select %eq3A_368, %broadcast_in_dim3A_374, %select_n3A_373 : vector<16xi1>, vector<16xf32>
        %broadcast_in_dim3A_376 = vector.broadcast %select_n3A_353 : f32 to vector<16xf32>
        %select_n3A_377 = arith.select %eq3A_365, %broadcast_in_dim3A_376, %select_n3A_375 : vector<16xi1>, vector<16xf32>
        %eq3A_378 = arith.constant 0 : i32
        %eq3A_379 = vector.broadcast %eq3A_378 : i32 to vector<16xi32>
        %eq3A_380 = arith.cmpi eq, %iota3A, %eq3A_379 : vector<16xi32>
        %eq3A_381 = arith.constant 1 : i32
        %eq3A_382 = vector.broadcast %eq3A_381 : i32 to vector<16xi32>
        %eq3A_383 = arith.cmpi eq, %iota3A, %eq3A_382 : vector<16xi32>
        %eq3A_384 = arith.constant 2 : i32
        %eq3A_385 = vector.broadcast %eq3A_384 : i32 to vector<16xi32>
        %eq3A_386 = arith.cmpi eq, %iota3A, %eq3A_385 : vector<16xi32>
        %broadcast_in_dim3A_387 = vector.broadcast %select_n3A_362 : i32 to vector<16xi32>
        %select_n3A_388 = arith.select %eq3A_386, %broadcast_in_dim3A_387, %get3A_337 : vector<16xi1>, vector<16xi32>
        %broadcast_in_dim3A_389 = vector.broadcast %select_n3A_358 : i32 to vector<16xi32>
        %select_n3A_390 = arith.select %eq3A_383, %broadcast_in_dim3A_389, %select_n3A_388 : vector<16xi1>, vector<16xi32>
        %broadcast_in_dim3A_391 = vector.broadcast %select_n3A_354 : i32 to vector<16xi32>
        %select_n3A_392 = arith.select %eq3A_380, %broadcast_in_dim3A_391, %select_n3A_390 : vector<16xi1>, vector<16xi32>
        %swap3A_393 = arith.index_cast %squeeze3A_329 : i32 to index
        %swap3A_394 = arith.constant 0 : index
        %swap3A_395 = tpu.vector_load %arg8[%swap3A_393, %swap3A_394] {strides = array<i32>} : memref<64x16xf32, #tpu.memory_space<vmem>>, vector<16xf32>,
        tpu.vector_store %arg8[%swap3A_393, %swap3A_394], %select_n3A_377 {strides = array<i32>} : memref<64x16xf32, #tpu.memory_space<vmem>>, vector<16xf32>,
        %swap3A_396 = arith.index_cast %squeeze3A_329 : i32 to index
        %swap3A_397 = arith.constant 0 : index
        %swap3A_398 = tpu.vector_load %arg9[%swap3A_396, %swap3A_397] {strides = array<i32>} : memref<64x16xi32, #tpu.memory_space<vmem>>, vector<16xi32>,
        tpu.vector_store %arg9[%swap3A_396, %swap3A_397], %select_n3A_392 {strides = array<i32>} : memref<64x16xi32, #tpu.memory_space<vmem>>, vector<16xi32>,
        %slice3A_399 = vector.extract_strided_slice %select_n3A {offsets = [5], sizes = [1], strides = [1]} : vector<16xf32> to vector<1xf32>
        %squeeze3A_400 = vector.extract %slice3A_399[0] : f32 from vector<1xf32>
        %slice3A_401 = vector.extract_strided_slice %get3A_21 {offsets = [5], sizes = [1], strides = [1]} : vector<16xi32> to vector<1xi32>
        %squeeze3A_402 = vector.extract %slice3A_401[0] : i32 from vector<1xi32>
        %add3A_403 = arith.constant 5 : i32
        %add3A_404 = arith.addi %add3A_26, %add3A_403 : i32
        %get3A_405 = arith.index_cast %squeeze3A_402 : i32 to index
        %get3A_406 = arith.constant 0 : index
        %get3A_407 = tpu.vector_load %arg8[%get3A_405, %get3A_406] {strides = array<i32>} : memref<64x16xf32, #tpu.memory_space<vmem>>, vector<16xf32>,
        %get3A_408 = arith.index_cast %squeeze3A_402 : i32 to index
        %get3A_409 = arith.constant 0 : index
        %get3A_410 = tpu.vector_load %arg9[%get3A_408, %get3A_409] {strides = array<i32>} : memref<64x16xi32, #tpu.memory_space<vmem>>, vector<16xi32>,
        %slice3A_411 = vector.extract_strided_slice %get3A_407 {offsets = [0], sizes = [1], strides = [1]} : vector<16xf32> to vector<1xf32>
        %squeeze3A_412 = vector.extract %slice3A_411[0] : f32 from vector<1xf32>
        %slice3A_413 = vector.extract_strided_slice %get3A_407 {offsets = [1], sizes = [1], strides = [1]} : vector<16xf32> to vector<1xf32>
        %squeeze3A_414 = vector.extract %slice3A_413[0] : f32 from vector<1xf32>
        %slice3A_415 = vector.extract_strided_slice %get3A_407 {offsets = [2], sizes = [1], strides = [1]} : vector<16xf32> to vector<1xf32>
        %squeeze3A_416 = vector.extract %slice3A_415[0] : f32 from vector<1xf32>
        %slice3A_417 = vector.extract_strided_slice %get3A_410 {offsets = [0], sizes = [1], strides = [1]} : vector<16xi32> to vector<1xi32>
        %squeeze3A_418 = vector.extract %slice3A_417[0] : i32 from vector<1xi32>
        %slice3A_419 = vector.extract_strided_slice %get3A_410 {offsets = [1], sizes = [1], strides = [1]} : vector<16xi32> to vector<1xi32>
        %squeeze3A_420 = vector.extract %slice3A_419[0] : i32 from vector<1xi32>
        %slice3A_421 = vector.extract_strided_slice %get3A_410 {offsets = [2], sizes = [1], strides = [1]} : vector<16xi32> to vector<1xi32>
        %squeeze3A_422 = vector.extract %slice3A_421[0] : i32 from vector<1xi32>
        %gt3A_423 = arith.cmpf ogt, %squeeze3A_400, %squeeze3A_412 : f32
        %gt3A_424 = arith.cmpf ogt, %squeeze3A_400, %squeeze3A_414 : f32
        %gt3A_425 = arith.cmpf ogt, %squeeze3A_400, %squeeze3A_416 : f32
        %select_n3A_426 = arith.select %gt3A_423, %squeeze3A_400, %squeeze3A_412 : f32
        %select_n3A_427 = arith.select %gt3A_423, %add3A_404, %squeeze3A_418 : i32
        %select_n3A_428 = arith.select %gt3A_424, %squeeze3A_400, %squeeze3A_414 : f32
        %select_n3A_429 = arith.select %gt3A_423, %squeeze3A_412, %select_n3A_428 : f32
        %select_n3A_430 = arith.select %gt3A_424, %add3A_404, %squeeze3A_420 : i32
        %select_n3A_431 = arith.select %gt3A_423, %squeeze3A_418, %select_n3A_430 : i32
        %select_n3A_432 = arith.select %gt3A_425, %squeeze3A_400, %squeeze3A_416 : f32
        %select_n3A_433 = arith.select %gt3A_424, %squeeze3A_414, %select_n3A_432 : f32
        %select_n3A_434 = arith.select %gt3A_425, %add3A_404, %squeeze3A_422 : i32
        %select_n3A_435 = arith.select %gt3A_424, %squeeze3A_420, %select_n3A_434 : i32
        %eq3A_436 = arith.constant 0 : i32
        %eq3A_437 = vector.broadcast %eq3A_436 : i32 to vector<16xi32>
        %eq3A_438 = arith.cmpi eq, %iota3A, %eq3A_437 : vector<16xi32>
        %eq3A_439 = arith.constant 1 : i32
        %eq3A_440 = vector.broadcast %eq3A_439 : i32 to vector<16xi32>
        %eq3A_441 = arith.cmpi eq, %iota3A, %eq3A_440 : vector<16xi32>
        %eq3A_442 = arith.constant 2 : i32
        %eq3A_443 = vector.broadcast %eq3A_442 : i32 to vector<16xi32>
        %eq3A_444 = arith.cmpi eq, %iota3A, %eq3A_443 : vector<16xi32>
        %broadcast_in_dim3A_445 = vector.broadcast %select_n3A_433 : f32 to vector<16xf32>
        %select_n3A_446 = arith.select %eq3A_444, %broadcast_in_dim3A_445, %get3A_407 : vector<16xi1>, vector<16xf32>
        %broadcast_in_dim3A_447 = vector.broadcast %select_n3A_429 : f32 to vector<16xf32>
        %select_n3A_448 = arith.select %eq3A_441, %broadcast_in_dim3A_447, %select_n3A_446 : vector<16xi1>, vector<16xf32>
        %broadcast_in_dim3A_449 = vector.broadcast %select_n3A_426 : f32 to vector<16xf32>
        %select_n3A_450 = arith.select %eq3A_438, %broadcast_in_dim3A_449, %select_n3A_448 : vector<16xi1>, vector<16xf32>
        %eq3A_451 = arith.constant 0 : i32
        %eq3A_452 = vector.broadcast %eq3A_451 : i32 to vector<16xi32>
        %eq3A_453 = arith.cmpi eq, %iota3A, %eq3A_452 : vector<16xi32>
        %eq3A_454 = arith.constant 1 : i32
        %eq3A_455 = vector.broadcast %eq3A_454 : i32 to vector<16xi32>
        %eq3A_456 = arith.cmpi eq, %iota3A, %eq3A_455 : vector<16xi32>
        %eq3A_457 = arith.constant 2 : i32
        %eq3A_458 = vector.broadcast %eq3A_457 : i32 to vector<16xi32>
        %eq3A_459 = arith.cmpi eq, %iota3A, %eq3A_458 : vector<16xi32>
        %broadcast_in_dim3A_460 = vector.broadcast %select_n3A_435 : i32 to vector<16xi32>
        %select_n3A_461 = arith.select %eq3A_459, %broadcast_in_dim3A_460, %get3A_410 : vector<16xi1>, vector<16xi32>
        %broadcast_in_dim3A_462 = vector.broadcast %select_n3A_431 : i32 to vector<16xi32>
        %select_n3A_463 = arith.select %eq3A_456, %broadcast_in_dim3A_462, %select_n3A_461 : vector<16xi1>, vector<16xi32>
        %broadcast_in_dim3A_464 = vector.broadcast %select_n3A_427 : i32 to vector<16xi32>
        %select_n3A_465 = arith.select %eq3A_453, %broadcast_in_dim3A_464, %select_n3A_463 : vector<16xi1>, vector<16xi32>
        %swap3A_466 = arith.index_cast %squeeze3A_402 : i32 to index
        %swap3A_467 = arith.constant 0 : index
        %swap3A_468 = tpu.vector_load %arg8[%swap3A_466, %swap3A_467] {strides = array<i32>} : memref<64x16xf32, #tpu.memory_space<vmem>>, vector<16xf32>,
        tpu.vector_store %arg8[%swap3A_466, %swap3A_467], %select_n3A_450 {strides = array<i32>} : memref<64x16xf32, #tpu.memory_space<vmem>>, vector<16xf32>,
        %swap3A_469 = arith.index_cast %squeeze3A_402 : i32 to index
        %swap3A_470 = arith.constant 0 : index
        %swap3A_471 = tpu.vector_load %arg9[%swap3A_469, %swap3A_470] {strides = array<i32>} : memref<64x16xi32, #tpu.memory_space<vmem>>, vector<16xi32>,
        tpu.vector_store %arg9[%swap3A_469, %swap3A_470], %select_n3A_465 {strides = array<i32>} : memref<64x16xi32, #tpu.memory_space<vmem>>, vector<16xi32>,
        %slice3A_472 = vector.extract_strided_slice %select_n3A {offsets = [6], sizes = [1], strides = [1]} : vector<16xf32> to vector<1xf32>
        %squeeze3A_473 = vector.extract %slice3A_472[0] : f32 from vector<1xf32>
        %slice3A_474 = vector.extract_strided_slice %get3A_21 {offsets = [6], sizes = [1], strides = [1]} : vector<16xi32> to vector<1xi32>
        %squeeze3A_475 = vector.extract %slice3A_474[0] : i32 from vector<1xi32>
        %add3A_476 = arith.constant 6 : i32
        %add3A_477 = arith.addi %add3A_26, %add3A_476 : i32
        %get3A_478 = arith.index_cast %squeeze3A_475 : i32 to index
        %get3A_479 = arith.constant 0 : index
        %get3A_480 = tpu.vector_load %arg8[%get3A_478, %get3A_479] {strides = array<i32>} : memref<64x16xf32, #tpu.memory_space<vmem>>, vector<16xf32>,
        %get3A_481 = arith.index_cast %squeeze3A_475 : i32 to index
        %get3A_482 = arith.constant 0 : index
        %get3A_483 = tpu.vector_load %arg9[%get3A_481, %get3A_482] {strides = array<i32>} : memref<64x16xi32, #tpu.memory_space<vmem>>, vector<16xi32>,
        %slice3A_484 = vector.extract_strided_slice %get3A_480 {offsets = [0], sizes = [1], strides = [1]} : vector<16xf32> to vector<1xf32>
        %squeeze3A_485 = vector.extract %slice3A_484[0] : f32 from vector<1xf32>
        %slice3A_486 = vector.extract_strided_slice %get3A_480 {offsets = [1], sizes = [1], strides = [1]} : vector<16xf32> to vector<1xf32>
        %squeeze3A_487 = vector.extract %slice3A_486[0] : f32 from vector<1xf32>
        %slice3A_488 = vector.extract_strided_slice %get3A_480 {offsets = [2], sizes = [1], strides = [1]} : vector<16xf32> to vector<1xf32>
        %squeeze3A_489 = vector.extract %slice3A_488[0] : f32 from vector<1xf32>
        %slice3A_490 = vector.extract_strided_slice %get3A_483 {offsets = [0], sizes = [1], strides = [1]} : vector<16xi32> to vector<1xi32>
        %squeeze3A_491 = vector.extract %slice3A_490[0] : i32 from vector<1xi32>
        %slice3A_492 = vector.extract_strided_slice %get3A_483 {offsets = [1], sizes = [1], strides = [1]} : vector<16xi32> to vector<1xi32>
        %squeeze3A_493 = vector.extract %slice3A_492[0] : i32 from vector<1xi32>
        %slice3A_494 = vector.extract_strided_slice %get3A_483 {offsets = [2], sizes = [1], strides = [1]} : vector<16xi32> to vector<1xi32>
        %squeeze3A_495 = vector.extract %slice3A_494[0] : i32 from vector<1xi32>
        %gt3A_496 = arith.cmpf ogt, %squeeze3A_473, %squeeze3A_485 : f32
        %gt3A_497 = arith.cmpf ogt, %squeeze3A_473, %squeeze3A_487 : f32
        %gt3A_498 = arith.cmpf ogt, %squeeze3A_473, %squeeze3A_489 : f32
        %select_n3A_499 = arith.select %gt3A_496, %squeeze3A_473, %squeeze3A_485 : f32
        %select_n3A_500 = arith.select %gt3A_496, %add3A_477, %squeeze3A_491 : i32
        %select_n3A_501 = arith.select %gt3A_497, %squeeze3A_473, %squeeze3A_487 : f32
        %select_n3A_502 = arith.select %gt3A_496, %squeeze3A_485, %select_n3A_501 : f32
        %select_n3A_503 = arith.select %gt3A_497, %add3A_477, %squeeze3A_493 : i32
        %select_n3A_504 = arith.select %gt3A_496, %squeeze3A_491, %select_n3A_503 : i32
        %select_n3A_505 = arith.select %gt3A_498, %squeeze3A_473, %squeeze3A_489 : f32
        %select_n3A_506 = arith.select %gt3A_497, %squeeze3A_487, %select_n3A_505 : f32
        %select_n3A_507 = arith.select %gt3A_498, %add3A_477, %squeeze3A_495 : i32
        %select_n3A_508 = arith.select %gt3A_497, %squeeze3A_493, %select_n3A_507 : i32
        %eq3A_509 = arith.constant 0 : i32
        %eq3A_510 = vector.broadcast %eq3A_509 : i32 to vector<16xi32>
        %eq3A_511 = arith.cmpi eq, %iota3A, %eq3A_510 : vector<16xi32>
        %eq3A_512 = arith.constant 1 : i32
        %eq3A_513 = vector.broadcast %eq3A_512 : i32 to vector<16xi32>
        %eq3A_514 = arith.cmpi eq, %iota3A, %eq3A_513 : vector<16xi32>
        %eq3A_515 = arith.constant 2 : i32
        %eq3A_516 = vector.broadcast %eq3A_515 : i32 to vector<16xi32>
        %eq3A_517 = arith.cmpi eq, %iota3A, %eq3A_516 : vector<16xi32>
        %broadcast_in_dim3A_518 = vector.broadcast %select_n3A_506 : f32 to vector<16xf32>
        %select_n3A_519 = arith.select %eq3A_517, %broadcast_in_dim3A_518, %get3A_480 : vector<16xi1>, vector<16xf32>
        %broadcast_in_dim3A_520 = vector.broadcast %select_n3A_502 : f32 to vector<16xf32>
        %select_n3A_521 = arith.select %eq3A_514, %broadcast_in_dim3A_520, %select_n3A_519 : vector<16xi1>, vector<16xf32>
        %broadcast_in_dim3A_522 = vector.broadcast %select_n3A_499 : f32 to vector<16xf32>
        %select_n3A_523 = arith.select %eq3A_511, %broadcast_in_dim3A_522, %select_n3A_521 : vector<16xi1>, vector<16xf32>
        %eq3A_524 = arith.constant 0 : i32
        %eq3A_525 = vector.broadcast %eq3A_524 : i32 to vector<16xi32>
        %eq3A_526 = arith.cmpi eq, %iota3A, %eq3A_525 : vector<16xi32>
        %eq3A_527 = arith.constant 1 : i32
        %eq3A_528 = vector.broadcast %eq3A_527 : i32 to vector<16xi32>
        %eq3A_529 = arith.cmpi eq, %iota3A, %eq3A_528 : vector<16xi32>
        %eq3A_530 = arith.constant 2 : i32
        %eq3A_531 = vector.broadcast %eq3A_530 : i32 to vector<16xi32>
        %eq3A_532 = arith.cmpi eq, %iota3A, %eq3A_531 : vector<16xi32>
        %broadcast_in_dim3A_533 = vector.broadcast %select_n3A_508 : i32 to vector<16xi32>
        %select_n3A_534 = arith.select %eq3A_532, %broadcast_in_dim3A_533, %get3A_483 : vector<16xi1>, vector<16xi32>
        %broadcast_in_dim3A_535 = vector.broadcast %select_n3A_504 : i32 to vector<16xi32>
        %select_n3A_536 = arith.select %eq3A_529, %broadcast_in_dim3A_535, %select_n3A_534 : vector<16xi1>, vector<16xi32>
        %broadcast_in_dim3A_537 = vector.broadcast %select_n3A_500 : i32 to vector<16xi32>
        %select_n3A_538 = arith.select %eq3A_526, %broadcast_in_dim3A_537, %select_n3A_536 : vector<16xi1>, vector<16xi32>
        %swap3A_539 = arith.index_cast %squeeze3A_475 : i32 to index
        %swap3A_540 = arith.constant 0 : index
        %swap3A_541 = tpu.vector_load %arg8[%swap3A_539, %swap3A_540] {strides = array<i32>} : memref<64x16xf32, #tpu.memory_space<vmem>>, vector<16xf32>,
        tpu.vector_store %arg8[%swap3A_539, %swap3A_540], %select_n3A_523 {strides = array<i32>} : memref<64x16xf32, #tpu.memory_space<vmem>>, vector<16xf32>,
        %swap3A_542 = arith.index_cast %squeeze3A_475 : i32 to index
        %swap3A_543 = arith.constant 0 : index
        %swap3A_544 = tpu.vector_load %arg9[%swap3A_542, %swap3A_543] {strides = array<i32>} : memref<64x16xi32, #tpu.memory_space<vmem>>, vector<16xi32>,
        tpu.vector_store %arg9[%swap3A_542, %swap3A_543], %select_n3A_538 {strides = array<i32>} : memref<64x16xi32, #tpu.memory_space<vmem>>, vector<16xi32>,
        %slice3A_545 = vector.extract_strided_slice %select_n3A {offsets = [7], sizes = [1], strides = [1]} : vector<16xf32> to vector<1xf32>
        %squeeze3A_546 = vector.extract %slice3A_545[0] : f32 from vector<1xf32>
        %slice3A_547 = vector.extract_strided_slice %get3A_21 {offsets = [7], sizes = [1], strides = [1]} : vector<16xi32> to vector<1xi32>
        %squeeze3A_548 = vector.extract %slice3A_547[0] : i32 from vector<1xi32>
        %add3A_549 = arith.constant 7 : i32
        %add3A_550 = arith.addi %add3A_26, %add3A_549 : i32
        %get3A_551 = arith.index_cast %squeeze3A_548 : i32 to index
        %get3A_552 = arith.constant 0 : index
        %get3A_553 = tpu.vector_load %arg8[%get3A_551, %get3A_552] {strides = array<i32>} : memref<64x16xf32, #tpu.memory_space<vmem>>, vector<16xf32>,
        %get3A_554 = arith.index_cast %squeeze3A_548 : i32 to index
        %get3A_555 = arith.constant 0 : index
        %get3A_556 = tpu.vector_load %arg9[%get3A_554, %get3A_555] {strides = array<i32>} : memref<64x16xi32, #tpu.memory_space<vmem>>, vector<16xi32>,
        %slice3A_557 = vector.extract_strided_slice %get3A_553 {offsets = [0], sizes = [1], strides = [1]} : vector<16xf32> to vector<1xf32>
        %squeeze3A_558 = vector.extract %slice3A_557[0] : f32 from vector<1xf32>
        %slice3A_559 = vector.extract_strided_slice %get3A_553 {offsets = [1], sizes = [1], strides = [1]} : vector<16xf32> to vector<1xf32>
        %squeeze3A_560 = vector.extract %slice3A_559[0] : f32 from vector<1xf32>
        %slice3A_561 = vector.extract_strided_slice %get3A_553 {offsets = [2], sizes = [1], strides = [1]} : vector<16xf32> to vector<1xf32>
        %squeeze3A_562 = vector.extract %slice3A_561[0] : f32 from vector<1xf32>
        %slice3A_563 = vector.extract_strided_slice %get3A_556 {offsets = [0], sizes = [1], strides = [1]} : vector<16xi32> to vector<1xi32>
        %squeeze3A_564 = vector.extract %slice3A_563[0] : i32 from vector<1xi32>
        %slice3A_565 = vector.extract_strided_slice %get3A_556 {offsets = [1], sizes = [1], strides = [1]} : vector<16xi32> to vector<1xi32>
        %squeeze3A_566 = vector.extract %slice3A_565[0] : i32 from vector<1xi32>
        %slice3A_567 = vector.extract_strided_slice %get3A_556 {offsets = [2], sizes = [1], strides = [1]} : vector<16xi32> to vector<1xi32>
        %squeeze3A_568 = vector.extract %slice3A_567[0] : i32 from vector<1xi32>
        %gt3A_569 = arith.cmpf ogt, %squeeze3A_546, %squeeze3A_558 : f32
        %gt3A_570 = arith.cmpf ogt, %squeeze3A_546, %squeeze3A_560 : f32
        %gt3A_571 = arith.cmpf ogt, %squeeze3A_546, %squeeze3A_562 : f32
        %select_n3A_572 = arith.select %gt3A_569, %squeeze3A_546, %squeeze3A_558 : f32
        %select_n3A_573 = arith.select %gt3A_569, %add3A_550, %squeeze3A_564 : i32
        %select_n3A_574 = arith.select %gt3A_570, %squeeze3A_546, %squeeze3A_560 : f32
        %select_n3A_575 = arith.select %gt3A_569, %squeeze3A_558, %select_n3A_574 : f32
        %select_n3A_576 = arith.select %gt3A_570, %add3A_550, %squeeze3A_566 : i32
        %select_n3A_577 = arith.select %gt3A_569, %squeeze3A_564, %select_n3A_576 : i32
        %select_n3A_578 = arith.select %gt3A_571, %squeeze3A_546, %squeeze3A_562 : f32
        %select_n3A_579 = arith.select %gt3A_570, %squeeze3A_560, %select_n3A_578 : f32
        %select_n3A_580 = arith.select %gt3A_571, %add3A_550, %squeeze3A_568 : i32
        %select_n3A_581 = arith.select %gt3A_570, %squeeze3A_566, %select_n3A_580 : i32
        %eq3A_582 = arith.constant 0 : i32
        %eq3A_583 = vector.broadcast %eq3A_582 : i32 to vector<16xi32>
        %eq3A_584 = arith.cmpi eq, %iota3A, %eq3A_583 : vector<16xi32>
        %eq3A_585 = arith.constant 1 : i32
        %eq3A_586 = vector.broadcast %eq3A_585 : i32 to vector<16xi32>
        %eq3A_587 = arith.cmpi eq, %iota3A, %eq3A_586 : vector<16xi32>
        %eq3A_588 = arith.constant 2 : i32
        %eq3A_589 = vector.broadcast %eq3A_588 : i32 to vector<16xi32>
        %eq3A_590 = arith.cmpi eq, %iota3A, %eq3A_589 : vector<16xi32>
        %broadcast_in_dim3A_591 = vector.broadcast %select_n3A_579 : f32 to vector<16xf32>
        %select_n3A_592 = arith.select %eq3A_590, %broadcast_in_dim3A_591, %get3A_553 : vector<16xi1>, vector<16xf32>
        %broadcast_in_dim3A_593 = vector.broadcast %select_n3A_575 : f32 to vector<16xf32>
        %select_n3A_594 = arith.select %eq3A_587, %broadcast_in_dim3A_593, %select_n3A_592 : vector<16xi1>, vector<16xf32>
        %broadcast_in_dim3A_595 = vector.broadcast %select_n3A_572 : f32 to vector<16xf32>
        %select_n3A_596 = arith.select %eq3A_584, %broadcast_in_dim3A_595, %select_n3A_594 : vector<16xi1>, vector<16xf32>
        %eq3A_597 = arith.constant 0 : i32
        %eq3A_598 = vector.broadcast %eq3A_597 : i32 to vector<16xi32>
        %eq3A_599 = arith.cmpi eq, %iota3A, %eq3A_598 : vector<16xi32>
        %eq3A_600 = arith.constant 1 : i32
        %eq3A_601 = vector.broadcast %eq3A_600 : i32 to vector<16xi32>
        %eq3A_602 = arith.cmpi eq, %iota3A, %eq3A_601 : vector<16xi32>
        %eq3A_603 = arith.constant 2 : i32
        %eq3A_604 = vector.broadcast %eq3A_603 : i32 to vector<16xi32>
        %eq3A_605 = arith.cmpi eq, %iota3A, %eq3A_604 : vector<16xi32>
        %broadcast_in_dim3A_606 = vector.broadcast %select_n3A_581 : i32 to vector<16xi32>
        %select_n3A_607 = arith.select %eq3A_605, %broadcast_in_dim3A_606, %get3A_556 : vector<16xi1>, vector<16xi32>
        %broadcast_in_dim3A_608 = vector.broadcast %select_n3A_577 : i32 to vector<16xi32>
        %select_n3A_609 = arith.select %eq3A_602, %broadcast_in_dim3A_608, %select_n3A_607 : vector<16xi1>, vector<16xi32>
        %broadcast_in_dim3A_610 = vector.broadcast %select_n3A_573 : i32 to vector<16xi32>
        %select_n3A_611 = arith.select %eq3A_599, %broadcast_in_dim3A_610, %select_n3A_609 : vector<16xi1>, vector<16xi32>
        %swap3A_612 = arith.index_cast %squeeze3A_548 : i32 to index
        %swap3A_613 = arith.constant 0 : index
        %swap3A_614 = tpu.vector_load %arg8[%swap3A_612, %swap3A_613] {strides = array<i32>} : memref<64x16xf32, #tpu.memory_space<vmem>>, vector<16xf32>,
        tpu.vector_store %arg8[%swap3A_612, %swap3A_613], %select_n3A_596 {strides = array<i32>} : memref<64x16xf32, #tpu.memory_space<vmem>>, vector<16xf32>,
        %swap3A_615 = arith.index_cast %squeeze3A_548 : i32 to index
        %swap3A_616 = arith.constant 0 : index
        %swap3A_617 = tpu.vector_load %arg9[%swap3A_615, %swap3A_616] {strides = array<i32>} : memref<64x16xi32, #tpu.memory_space<vmem>>, vector<16xi32>,
        tpu.vector_store %arg9[%swap3A_615, %swap3A_616], %select_n3A_611 {strides = array<i32>} : memref<64x16xi32, #tpu.memory_space<vmem>>, vector<16xi32>,
        %slice3A_618 = vector.extract_strided_slice %select_n3A {offsets = [8], sizes = [1], strides = [1]} : vector<16xf32> to vector<1xf32>
        %squeeze3A_619 = vector.extract %slice3A_618[0] : f32 from vector<1xf32>
        %slice3A_620 = vector.extract_strided_slice %get3A_21 {offsets = [8], sizes = [1], strides = [1]} : vector<16xi32> to vector<1xi32>
        %squeeze3A_621 = vector.extract %slice3A_620[0] : i32 from vector<1xi32>
        %add3A_622 = arith.constant 8 : i32
        %add3A_623 = arith.addi %add3A_26, %add3A_622 : i32
        %get3A_624 = arith.index_cast %squeeze3A_621 : i32 to index
        %get3A_625 = arith.constant 0 : index
        %get3A_626 = tpu.vector_load %arg8[%get3A_624, %get3A_625] {strides = array<i32>} : memref<64x16xf32, #tpu.memory_space<vmem>>, vector<16xf32>,
        %get3A_627 = arith.index_cast %squeeze3A_621 : i32 to index
        %get3A_628 = arith.constant 0 : index
        %get3A_629 = tpu.vector_load %arg9[%get3A_627, %get3A_628] {strides = array<i32>} : memref<64x16xi32, #tpu.memory_space<vmem>>, vector<16xi32>,
        %slice3A_630 = vector.extract_strided_slice %get3A_626 {offsets = [0], sizes = [1], strides = [1]} : vector<16xf32> to vector<1xf32>
        %squeeze3A_631 = vector.extract %slice3A_630[0] : f32 from vector<1xf32>
        %slice3A_632 = vector.extract_strided_slice %get3A_626 {offsets = [1], sizes = [1], strides = [1]} : vector<16xf32> to vector<1xf32>
        %squeeze3A_633 = vector.extract %slice3A_632[0] : f32 from vector<1xf32>
        %slice3A_634 = vector.extract_strided_slice %get3A_626 {offsets = [2], sizes = [1], strides = [1]} : vector<16xf32> to vector<1xf32>
        %squeeze3A_635 = vector.extract %slice3A_634[0] : f32 from vector<1xf32>
        %slice3A_636 = vector.extract_strided_slice %get3A_629 {offsets = [0], sizes = [1], strides = [1]} : vector<16xi32> to vector<1xi32>
        %squeeze3A_637 = vector.extract %slice3A_636[0] : i32 from vector<1xi32>
        %slice3A_638 = vector.extract_strided_slice %get3A_629 {offsets = [1], sizes = [1], strides = [1]} : vector<16xi32> to vector<1xi32>
        %squeeze3A_639 = vector.extract %slice3A_638[0] : i32 from vector<1xi32>
        %slice3A_640 = vector.extract_strided_slice %get3A_629 {offsets = [2], sizes = [1], strides = [1]} : vector<16xi32> to vector<1xi32>
        %squeeze3A_641 = vector.extract %slice3A_640[0] : i32 from vector<1xi32>
        %gt3A_642 = arith.cmpf ogt, %squeeze3A_619, %squeeze3A_631 : f32
        %gt3A_643 = arith.cmpf ogt, %squeeze3A_619, %squeeze3A_633 : f32
        %gt3A_644 = arith.cmpf ogt, %squeeze3A_619, %squeeze3A_635 : f32
        %select_n3A_645 = arith.select %gt3A_642, %squeeze3A_619, %squeeze3A_631 : f32
        %select_n3A_646 = arith.select %gt3A_642, %add3A_623, %squeeze3A_637 : i32
        %select_n3A_647 = arith.select %gt3A_643, %squeeze3A_619, %squeeze3A_633 : f32
        %select_n3A_648 = arith.select %gt3A_642, %squeeze3A_631, %select_n3A_647 : f32
        %select_n3A_649 = arith.select %gt3A_643, %add3A_623, %squeeze3A_639 : i32
        %select_n3A_650 = arith.select %gt3A_642, %squeeze3A_637, %select_n3A_649 : i32
        %select_n3A_651 = arith.select %gt3A_644, %squeeze3A_619, %squeeze3A_635 : f32
        %select_n3A_652 = arith.select %gt3A_643, %squeeze3A_633, %select_n3A_651 : f32
        %select_n3A_653 = arith.select %gt3A_644, %add3A_623, %squeeze3A_641 : i32
        %select_n3A_654 = arith.select %gt3A_643, %squeeze3A_639, %select_n3A_653 : i32
        %eq3A_655 = arith.constant 0 : i32
        %eq3A_656 = vector.broadcast %eq3A_655 : i32 to vector<16xi32>
        %eq3A_657 = arith.cmpi eq, %iota3A, %eq3A_656 : vector<16xi32>
        %eq3A_658 = arith.constant 1 : i32
        %eq3A_659 = vector.broadcast %eq3A_658 : i32 to vector<16xi32>
        %eq3A_660 = arith.cmpi eq, %iota3A, %eq3A_659 : vector<16xi32>
        %eq3A_661 = arith.constant 2 : i32
        %eq3A_662 = vector.broadcast %eq3A_661 : i32 to vector<16xi32>
        %eq3A_663 = arith.cmpi eq, %iota3A, %eq3A_662 : vector<16xi32>
        %broadcast_in_dim3A_664 = vector.broadcast %select_n3A_652 : f32 to vector<16xf32>
        %select_n3A_665 = arith.select %eq3A_663, %broadcast_in_dim3A_664, %get3A_626 : vector<16xi1>, vector<16xf32>
        %broadcast_in_dim3A_666 = vector.broadcast %select_n3A_648 : f32 to vector<16xf32>
        %select_n3A_667 = arith.select %eq3A_660, %broadcast_in_dim3A_666, %select_n3A_665 : vector<16xi1>, vector<16xf32>
        %broadcast_in_dim3A_668 = vector.broadcast %select_n3A_645 : f32 to vector<16xf32>
        %select_n3A_669 = arith.select %eq3A_657, %broadcast_in_dim3A_668, %select_n3A_667 : vector<16xi1>, vector<16xf32>
        %eq3A_670 = arith.constant 0 : i32
        %eq3A_671 = vector.broadcast %eq3A_670 : i32 to vector<16xi32>
        %eq3A_672 = arith.cmpi eq, %iota3A, %eq3A_671 : vector<16xi32>
        %eq3A_673 = arith.constant 1 : i32
        %eq3A_674 = vector.broadcast %eq3A_673 : i32 to vector<16xi32>
        %eq3A_675 = arith.cmpi eq, %iota3A, %eq3A_674 : vector<16xi32>
        %eq3A_676 = arith.constant 2 : i32
        %eq3A_677 = vector.broadcast %eq3A_676 : i32 to vector<16xi32>
        %eq3A_678 = arith.cmpi eq, %iota3A, %eq3A_677 : vector<16xi32>
        %broadcast_in_dim3A_679 = vector.broadcast %select_n3A_654 : i32 to vector<16xi32>
        %select_n3A_680 = arith.select %eq3A_678, %broadcast_in_dim3A_679, %get3A_629 : vector<16xi1>, vector<16xi32>
        %broadcast_in_dim3A_681 = vector.broadcast %select_n3A_650 : i32 to vector<16xi32>
        %select_n3A_682 = arith.select %eq3A_675, %broadcast_in_dim3A_681, %select_n3A_680 : vector<16xi1>, vector<16xi32>
        %broadcast_in_dim3A_683 = vector.broadcast %select_n3A_646 : i32 to vector<16xi32>
        %select_n3A_684 = arith.select %eq3A_672, %broadcast_in_dim3A_683, %select_n3A_682 : vector<16xi1>, vector<16xi32>
        %swap3A_685 = arith.index_cast %squeeze3A_621 : i32 to index
        %swap3A_686 = arith.constant 0 : index
        %swap3A_687 = tpu.vector_load %arg8[%swap3A_685, %swap3A_686] {strides = array<i32>} : memref<64x16xf32, #tpu.memory_space<vmem>>, vector<16xf32>,
        tpu.vector_store %arg8[%swap3A_685, %swap3A_686], %select_n3A_669 {strides = array<i32>} : memref<64x16xf32, #tpu.memory_space<vmem>>, vector<16xf32>,
        %swap3A_688 = arith.index_cast %squeeze3A_621 : i32 to index
        %swap3A_689 = arith.constant 0 : index
        %swap3A_690 = tpu.vector_load %arg9[%swap3A_688, %swap3A_689] {strides = array<i32>} : memref<64x16xi32, #tpu.memory_space<vmem>>, vector<16xi32>,
        tpu.vector_store %arg9[%swap3A_688, %swap3A_689], %select_n3A_684 {strides = array<i32>} : memref<64x16xi32, #tpu.memory_space<vmem>>, vector<16xi32>,
        %slice3A_691 = vector.extract_strided_slice %select_n3A {offsets = [9], sizes = [1], strides = [1]} : vector<16xf32> to vector<1xf32>
        %squeeze3A_692 = vector.extract %slice3A_691[0] : f32 from vector<1xf32>
        %slice3A_693 = vector.extract_strided_slice %get3A_21 {offsets = [9], sizes = [1], strides = [1]} : vector<16xi32> to vector<1xi32>
        %squeeze3A_694 = vector.extract %slice3A_693[0] : i32 from vector<1xi32>
        %add3A_695 = arith.constant 9 : i32
        %add3A_696 = arith.addi %add3A_26, %add3A_695 : i32
        %get3A_697 = arith.index_cast %squeeze3A_694 : i32 to index
        %get3A_698 = arith.constant 0 : index
        %get3A_699 = tpu.vector_load %arg8[%get3A_697, %get3A_698] {strides = array<i32>} : memref<64x16xf32, #tpu.memory_space<vmem>>, vector<16xf32>,
        %get3A_700 = arith.index_cast %squeeze3A_694 : i32 to index
        %get3A_701 = arith.constant 0 : index
        %get3A_702 = tpu.vector_load %arg9[%get3A_700, %get3A_701] {strides = array<i32>} : memref<64x16xi32, #tpu.memory_space<vmem>>, vector<16xi32>,
        %slice3A_703 = vector.extract_strided_slice %get3A_699 {offsets = [0], sizes = [1], strides = [1]} : vector<16xf32> to vector<1xf32>
        %squeeze3A_704 = vector.extract %slice3A_703[0] : f32 from vector<1xf32>
        %slice3A_705 = vector.extract_strided_slice %get3A_699 {offsets = [1], sizes = [1], strides = [1]} : vector<16xf32> to vector<1xf32>
        %squeeze3A_706 = vector.extract %slice3A_705[0] : f32 from vector<1xf32>
        %slice3A_707 = vector.extract_strided_slice %get3A_699 {offsets = [2], sizes = [1], strides = [1]} : vector<16xf32> to vector<1xf32>
        %squeeze3A_708 = vector.extract %slice3A_707[0] : f32 from vector<1xf32>
        %slice3A_709 = vector.extract_strided_slice %get3A_702 {offsets = [0], sizes = [1], strides = [1]} : vector<16xi32> to vector<1xi32>
        %squeeze3A_710 = vector.extract %slice3A_709[0] : i32 from vector<1xi32>
        %slice3A_711 = vector.extract_strided_slice %get3A_702 {offsets = [1], sizes = [1], strides = [1]} : vector<16xi32> to vector<1xi32>
        %squeeze3A_712 = vector.extract %slice3A_711[0] : i32 from vector<1xi32>
        %slice3A_713 = vector.extract_strided_slice %get3A_702 {offsets = [2], sizes = [1], strides = [1]} : vector<16xi32> to vector<1xi32>
        %squeeze3A_714 = vector.extract %slice3A_713[0] : i32 from vector<1xi32>
        %gt3A_715 = arith.cmpf ogt, %squeeze3A_692, %squeeze3A_704 : f32
        %gt3A_716 = arith.cmpf ogt, %squeeze3A_692, %squeeze3A_706 : f32
        %gt3A_717 = arith.cmpf ogt, %squeeze3A_692, %squeeze3A_708 : f32
        %select_n3A_718 = arith.select %gt3A_715, %squeeze3A_692, %squeeze3A_704 : f32
        %select_n3A_719 = arith.select %gt3A_715, %add3A_696, %squeeze3A_710 : i32
        %select_n3A_720 = arith.select %gt3A_716, %squeeze3A_692, %squeeze3A_706 : f32
        %select_n3A_721 = arith.select %gt3A_715, %squeeze3A_704, %select_n3A_720 : f32
        %select_n3A_722 = arith.select %gt3A_716, %add3A_696, %squeeze3A_712 : i32
        %select_n3A_723 = arith.select %gt3A_715, %squeeze3A_710, %select_n3A_722 : i32
        %select_n3A_724 = arith.select %gt3A_717, %squeeze3A_692, %squeeze3A_708 : f32
        %select_n3A_725 = arith.select %gt3A_716, %squeeze3A_706, %select_n3A_724 : f32
        %select_n3A_726 = arith.select %gt3A_717, %add3A_696, %squeeze3A_714 : i32
        %select_n3A_727 = arith.select %gt3A_716, %squeeze3A_712, %select_n3A_726 : i32
        %eq3A_728 = arith.constant 0 : i32
        %eq3A_729 = vector.broadcast %eq3A_728 : i32 to vector<16xi32>
        %eq3A_730 = arith.cmpi eq, %iota3A, %eq3A_729 : vector<16xi32>
        %eq3A_731 = arith.constant 1 : i32
        %eq3A_732 = vector.broadcast %eq3A_731 : i32 to vector<16xi32>
        %eq3A_733 = arith.cmpi eq, %iota3A, %eq3A_732 : vector<16xi32>
        %eq3A_734 = arith.constant 2 : i32
        %eq3A_735 = vector.broadcast %eq3A_734 : i32 to vector<16xi32>
        %eq3A_736 = arith.cmpi eq, %iota3A, %eq3A_735 : vector<16xi32>
        %broadcast_in_dim3A_737 = vector.broadcast %select_n3A_725 : f32 to vector<16xf32>
        %select_n3A_738 = arith.select %eq3A_736, %broadcast_in_dim3A_737, %get3A_699 : vector<16xi1>, vector<16xf32>
        %broadcast_in_dim3A_739 = vector.broadcast %select_n3A_721 : f32 to vector<16xf32>
        %select_n3A_740 = arith.select %eq3A_733, %broadcast_in_dim3A_739, %select_n3A_738 : vector<16xi1>, vector<16xf32>
        %broadcast_in_dim3A_741 = vector.broadcast %select_n3A_718 : f32 to vector<16xf32>
        %select_n3A_742 = arith.select %eq3A_730, %broadcast_in_dim3A_741, %select_n3A_740 : vector<16xi1>, vector<16xf32>
        %eq3A_743 = arith.constant 0 : i32
        %eq3A_744 = vector.broadcast %eq3A_743 : i32 to vector<16xi32>
        %eq3A_745 = arith.cmpi eq, %iota3A, %eq3A_744 : vector<16xi32>
        %eq3A_746 = arith.constant 1 : i32
        %eq3A_747 = vector.broadcast %eq3A_746 : i32 to vector<16xi32>
        %eq3A_748 = arith.cmpi eq, %iota3A, %eq3A_747 : vector<16xi32>
        %eq3A_749 = arith.constant 2 : i32
        %eq3A_750 = vector.broadcast %eq3A_749 : i32 to vector<16xi32>
        %eq3A_751 = arith.cmpi eq, %iota3A, %eq3A_750 : vector<16xi32>
        %broadcast_in_dim3A_752 = vector.broadcast %select_n3A_727 : i32 to vector<16xi32>
        %select_n3A_753 = arith.select %eq3A_751, %broadcast_in_dim3A_752, %get3A_702 : vector<16xi1>, vector<16xi32>
        %broadcast_in_dim3A_754 = vector.broadcast %select_n3A_723 : i32 to vector<16xi32>
        %select_n3A_755 = arith.select %eq3A_748, %broadcast_in_dim3A_754, %select_n3A_753 : vector<16xi1>, vector<16xi32>
        %broadcast_in_dim3A_756 = vector.broadcast %select_n3A_719 : i32 to vector<16xi32>
        %select_n3A_757 = arith.select %eq3A_745, %broadcast_in_dim3A_756, %select_n3A_755 : vector<16xi1>, vector<16xi32>
        %swap3A_758 = arith.index_cast %squeeze3A_694 : i32 to index
        %swap3A_759 = arith.constant 0 : index
        %swap3A_760 = tpu.vector_load %arg8[%swap3A_758, %swap3A_759] {strides = array<i32>} : memref<64x16xf32, #tpu.memory_space<vmem>>, vector<16xf32>,
        tpu.vector_store %arg8[%swap3A_758, %swap3A_759], %select_n3A_742 {strides = array<i32>} : memref<64x16xf32, #tpu.memory_space<vmem>>, vector<16xf32>,
        %swap3A_761 = arith.index_cast %squeeze3A_694 : i32 to index
        %swap3A_762 = arith.constant 0 : index
        %swap3A_763 = tpu.vector_load %arg9[%swap3A_761, %swap3A_762] {strides = array<i32>} : memref<64x16xi32, #tpu.memory_space<vmem>>, vector<16xi32>,
        tpu.vector_store %arg9[%swap3A_761, %swap3A_762], %select_n3A_757 {strides = array<i32>} : memref<64x16xi32, #tpu.memory_space<vmem>>, vector<16xi32>,
        %slice3A_764 = vector.extract_strided_slice %select_n3A {offsets = [10], sizes = [1], strides = [1]} : vector<16xf32> to vector<1xf32>
        %squeeze3A_765 = vector.extract %slice3A_764[0] : f32 from vector<1xf32>
        %slice3A_766 = vector.extract_strided_slice %get3A_21 {offsets = [10], sizes = [1], strides = [1]} : vector<16xi32> to vector<1xi32>
        %squeeze3A_767 = vector.extract %slice3A_766[0] : i32 from vector<1xi32>
        %add3A_768 = arith.constant 10 : i32
        %add3A_769 = arith.addi %add3A_26, %add3A_768 : i32
        %get3A_770 = arith.index_cast %squeeze3A_767 : i32 to index
        %get3A_771 = arith.constant 0 : index
        %get3A_772 = tpu.vector_load %arg8[%get3A_770, %get3A_771] {strides = array<i32>} : memref<64x16xf32, #tpu.memory_space<vmem>>, vector<16xf32>,
        %get3A_773 = arith.index_cast %squeeze3A_767 : i32 to index
        %get3A_774 = arith.constant 0 : index
        %get3A_775 = tpu.vector_load %arg9[%get3A_773, %get3A_774] {strides = array<i32>} : memref<64x16xi32, #tpu.memory_space<vmem>>, vector<16xi32>,
        %slice3A_776 = vector.extract_strided_slice %get3A_772 {offsets = [0], sizes = [1], strides = [1]} : vector<16xf32> to vector<1xf32>
        %squeeze3A_777 = vector.extract %slice3A_776[0] : f32 from vector<1xf32>
        %slice3A_778 = vector.extract_strided_slice %get3A_772 {offsets = [1], sizes = [1], strides = [1]} : vector<16xf32> to vector<1xf32>
        %squeeze3A_779 = vector.extract %slice3A_778[0] : f32 from vector<1xf32>
        %slice3A_780 = vector.extract_strided_slice %get3A_772 {offsets = [2], sizes = [1], strides = [1]} : vector<16xf32> to vector<1xf32>
        %squeeze3A_781 = vector.extract %slice3A_780[0] : f32 from vector<1xf32>
        %slice3A_782 = vector.extract_strided_slice %get3A_775 {offsets = [0], sizes = [1], strides = [1]} : vector<16xi32> to vector<1xi32>
        %squeeze3A_783 = vector.extract %slice3A_782[0] : i32 from vector<1xi32>
        %slice3A_784 = vector.extract_strided_slice %get3A_775 {offsets = [1], sizes = [1], strides = [1]} : vector<16xi32> to vector<1xi32>
        %squeeze3A_785 = vector.extract %slice3A_784[0] : i32 from vector<1xi32>
        %slice3A_786 = vector.extract_strided_slice %get3A_775 {offsets = [2], sizes = [1], strides = [1]} : vector<16xi32> to vector<1xi32>
        %squeeze3A_787 = vector.extract %slice3A_786[0] : i32 from vector<1xi32>
        %gt3A_788 = arith.cmpf ogt, %squeeze3A_765, %squeeze3A_777 : f32
        %gt3A_789 = arith.cmpf ogt, %squeeze3A_765, %squeeze3A_779 : f32
        %gt3A_790 = arith.cmpf ogt, %squeeze3A_765, %squeeze3A_781 : f32
        %select_n3A_791 = arith.select %gt3A_788, %squeeze3A_765, %squeeze3A_777 : f32
        %select_n3A_792 = arith.select %gt3A_788, %add3A_769, %squeeze3A_783 : i32
        %select_n3A_793 = arith.select %gt3A_789, %squeeze3A_765, %squeeze3A_779 : f32
        %select_n3A_794 = arith.select %gt3A_788, %squeeze3A_777, %select_n3A_793 : f32
        %select_n3A_795 = arith.select %gt3A_789, %add3A_769, %squeeze3A_785 : i32
        %select_n3A_796 = arith.select %gt3A_788, %squeeze3A_783, %select_n3A_795 : i32
        %select_n3A_797 = arith.select %gt3A_790, %squeeze3A_765, %squeeze3A_781 : f32
        %select_n3A_798 = arith.select %gt3A_789, %squeeze3A_779, %select_n3A_797 : f32
        %select_n3A_799 = arith.select %gt3A_790, %add3A_769, %squeeze3A_787 : i32
        %select_n3A_800 = arith.select %gt3A_789, %squeeze3A_785, %select_n3A_799 : i32
        %eq3A_801 = arith.constant 0 : i32
        %eq3A_802 = vector.broadcast %eq3A_801 : i32 to vector<16xi32>
        %eq3A_803 = arith.cmpi eq, %iota3A, %eq3A_802 : vector<16xi32>
        %eq3A_804 = arith.constant 1 : i32
        %eq3A_805 = vector.broadcast %eq3A_804 : i32 to vector<16xi32>
        %eq3A_806 = arith.cmpi eq, %iota3A, %eq3A_805 : vector<16xi32>
        %eq3A_807 = arith.constant 2 : i32
        %eq3A_808 = vector.broadcast %eq3A_807 : i32 to vector<16xi32>
        %eq3A_809 = arith.cmpi eq, %iota3A, %eq3A_808 : vector<16xi32>
        %broadcast_in_dim3A_810 = vector.broadcast %select_n3A_798 : f32 to vector<16xf32>
        %select_n3A_811 = arith.select %eq3A_809, %broadcast_in_dim3A_810, %get3A_772 : vector<16xi1>, vector<16xf32>
        %broadcast_in_dim3A_812 = vector.broadcast %select_n3A_794 : f32 to vector<16xf32>
        %select_n3A_813 = arith.select %eq3A_806, %broadcast_in_dim3A_812, %select_n3A_811 : vector<16xi1>, vector<16xf32>
        %broadcast_in_dim3A_814 = vector.broadcast %select_n3A_791 : f32 to vector<16xf32>
        %select_n3A_815 = arith.select %eq3A_803, %broadcast_in_dim3A_814, %select_n3A_813 : vector<16xi1>, vector<16xf32>
        %eq3A_816 = arith.constant 0 : i32
        %eq3A_817 = vector.broadcast %eq3A_816 : i32 to vector<16xi32>
        %eq3A_818 = arith.cmpi eq, %iota3A, %eq3A_817 : vector<16xi32>
        %eq3A_819 = arith.constant 1 : i32
        %eq3A_820 = vector.broadcast %eq3A_819 : i32 to vector<16xi32>
        %eq3A_821 = arith.cmpi eq, %iota3A, %eq3A_820 : vector<16xi32>
        %eq3A_822 = arith.constant 2 : i32
        %eq3A_823 = vector.broadcast %eq3A_822 : i32 to vector<16xi32>
        %eq3A_824 = arith.cmpi eq, %iota3A, %eq3A_823 : vector<16xi32>
        %broadcast_in_dim3A_825 = vector.broadcast %select_n3A_800 : i32 to vector<16xi32>
        %select_n3A_826 = arith.select %eq3A_824, %broadcast_in_dim3A_825, %get3A_775 : vector<16xi1>, vector<16xi32>
        %broadcast_in_dim3A_827 = vector.broadcast %select_n3A_796 : i32 to vector<16xi32>
        %select_n3A_828 = arith.select %eq3A_821, %broadcast_in_dim3A_827, %select_n3A_826 : vector<16xi1>, vector<16xi32>
        %broadcast_in_dim3A_829 = vector.broadcast %select_n3A_792 : i32 to vector<16xi32>
        %select_n3A_830 = arith.select %eq3A_818, %broadcast_in_dim3A_829, %select_n3A_828 : vector<16xi1>, vector<16xi32>
        %swap3A_831 = arith.index_cast %squeeze3A_767 : i32 to index
        %swap3A_832 = arith.constant 0 : index
        %swap3A_833 = tpu.vector_load %arg8[%swap3A_831, %swap3A_832] {strides = array<i32>} : memref<64x16xf32, #tpu.memory_space<vmem>>, vector<16xf32>,
        tpu.vector_store %arg8[%swap3A_831, %swap3A_832], %select_n3A_815 {strides = array<i32>} : memref<64x16xf32, #tpu.memory_space<vmem>>, vector<16xf32>,
        %swap3A_834 = arith.index_cast %squeeze3A_767 : i32 to index
        %swap3A_835 = arith.constant 0 : index
        %swap3A_836 = tpu.vector_load %arg9[%swap3A_834, %swap3A_835] {strides = array<i32>} : memref<64x16xi32, #tpu.memory_space<vmem>>, vector<16xi32>,
        tpu.vector_store %arg9[%swap3A_834, %swap3A_835], %select_n3A_830 {strides = array<i32>} : memref<64x16xi32, #tpu.memory_space<vmem>>, vector<16xi32>,
        %slice3A_837 = vector.extract_strided_slice %select_n3A {offsets = [11], sizes = [1], strides = [1]} : vector<16xf32> to vector<1xf32>
        %squeeze3A_838 = vector.extract %slice3A_837[0] : f32 from vector<1xf32>
        %slice3A_839 = vector.extract_strided_slice %get3A_21 {offsets = [11], sizes = [1], strides = [1]} : vector<16xi32> to vector<1xi32>
        %squeeze3A_840 = vector.extract %slice3A_839[0] : i32 from vector<1xi32>
        %add3A_841 = arith.constant 11 : i32
        %add3A_842 = arith.addi %add3A_26, %add3A_841 : i32
        %get3A_843 = arith.index_cast %squeeze3A_840 : i32 to index
        %get3A_844 = arith.constant 0 : index
        %get3A_845 = tpu.vector_load %arg8[%get3A_843, %get3A_844] {strides = array<i32>} : memref<64x16xf32, #tpu.memory_space<vmem>>, vector<16xf32>,
        %get3A_846 = arith.index_cast %squeeze3A_840 : i32 to index
        %get3A_847 = arith.constant 0 : index
        %get3A_848 = tpu.vector_load %arg9[%get3A_846, %get3A_847] {strides = array<i32>} : memref<64x16xi32, #tpu.memory_space<vmem>>, vector<16xi32>,
        %slice3A_849 = vector.extract_strided_slice %get3A_845 {offsets = [0], sizes = [1], strides = [1]} : vector<16xf32> to vector<1xf32>
        %squeeze3A_850 = vector.extract %slice3A_849[0] : f32 from vector<1xf32>
        %slice3A_851 = vector.extract_strided_slice %get3A_845 {offsets = [1], sizes = [1], strides = [1]} : vector<16xf32> to vector<1xf32>
        %squeeze3A_852 = vector.extract %slice3A_851[0] : f32 from vector<1xf32>
        %slice3A_853 = vector.extract_strided_slice %get3A_845 {offsets = [2], sizes = [1], strides = [1]} : vector<16xf32> to vector<1xf32>
        %squeeze3A_854 = vector.extract %slice3A_853[0] : f32 from vector<1xf32>
        %slice3A_855 = vector.extract_strided_slice %get3A_848 {offsets = [0], sizes = [1], strides = [1]} : vector<16xi32> to vector<1xi32>
        %squeeze3A_856 = vector.extract %slice3A_855[0] : i32 from vector<1xi32>
        %slice3A_857 = vector.extract_strided_slice %get3A_848 {offsets = [1], sizes = [1], strides = [1]} : vector<16xi32> to vector<1xi32>
        %squeeze3A_858 = vector.extract %slice3A_857[0] : i32 from vector<1xi32>
        %slice3A_859 = vector.extract_strided_slice %get3A_848 {offsets = [2], sizes = [1], strides = [1]} : vector<16xi32> to vector<1xi32>
        %squeeze3A_860 = vector.extract %slice3A_859[0] : i32 from vector<1xi32>
        %gt3A_861 = arith.cmpf ogt, %squeeze3A_838, %squeeze3A_850 : f32
        %gt3A_862 = arith.cmpf ogt, %squeeze3A_838, %squeeze3A_852 : f32
        %gt3A_863 = arith.cmpf ogt, %squeeze3A_838, %squeeze3A_854 : f32
        %select_n3A_864 = arith.select %gt3A_861, %squeeze3A_838, %squeeze3A_850 : f32
        %select_n3A_865 = arith.select %gt3A_861, %add3A_842, %squeeze3A_856 : i32
        %select_n3A_866 = arith.select %gt3A_862, %squeeze3A_838, %squeeze3A_852 : f32
        %select_n3A_867 = arith.select %gt3A_861, %squeeze3A_850, %select_n3A_866 : f32
        %select_n3A_868 = arith.select %gt3A_862, %add3A_842, %squeeze3A_858 : i32
        %select_n3A_869 = arith.select %gt3A_861, %squeeze3A_856, %select_n3A_868 : i32
        %select_n3A_870 = arith.select %gt3A_863, %squeeze3A_838, %squeeze3A_854 : f32
        %select_n3A_871 = arith.select %gt3A_862, %squeeze3A_852, %select_n3A_870 : f32
        %select_n3A_872 = arith.select %gt3A_863, %add3A_842, %squeeze3A_860 : i32
        %select_n3A_873 = arith.select %gt3A_862, %squeeze3A_858, %select_n3A_872 : i32
        %eq3A_874 = arith.constant 0 : i32
        %eq3A_875 = vector.broadcast %eq3A_874 : i32 to vector<16xi32>
        %eq3A_876 = arith.cmpi eq, %iota3A, %eq3A_875 : vector<16xi32>
        %eq3A_877 = arith.constant 1 : i32
        %eq3A_878 = vector.broadcast %eq3A_877 : i32 to vector<16xi32>
        %eq3A_879 = arith.cmpi eq, %iota3A, %eq3A_878 : vector<16xi32>
        %eq3A_880 = arith.constant 2 : i32
        %eq3A_881 = vector.broadcast %eq3A_880 : i32 to vector<16xi32>
        %eq3A_882 = arith.cmpi eq, %iota3A, %eq3A_881 : vector<16xi32>
        %broadcast_in_dim3A_883 = vector.broadcast %select_n3A_871 : f32 to vector<16xf32>
        %select_n3A_884 = arith.select %eq3A_882, %broadcast_in_dim3A_883, %get3A_845 : vector<16xi1>, vector<16xf32>
        %broadcast_in_dim3A_885 = vector.broadcast %select_n3A_867 : f32 to vector<16xf32>
        %select_n3A_886 = arith.select %eq3A_879, %broadcast_in_dim3A_885, %select_n3A_884 : vector<16xi1>, vector<16xf32>
        %broadcast_in_dim3A_887 = vector.broadcast %select_n3A_864 : f32 to vector<16xf32>
        %select_n3A_888 = arith.select %eq3A_876, %broadcast_in_dim3A_887, %select_n3A_886 : vector<16xi1>, vector<16xf32>
        %eq3A_889 = arith.constant 0 : i32
        %eq3A_890 = vector.broadcast %eq3A_889 : i32 to vector<16xi32>
        %eq3A_891 = arith.cmpi eq, %iota3A, %eq3A_890 : vector<16xi32>
        %eq3A_892 = arith.constant 1 : i32
        %eq3A_893 = vector.broadcast %eq3A_892 : i32 to vector<16xi32>
        %eq3A_894 = arith.cmpi eq, %iota3A, %eq3A_893 : vector<16xi32>
        %eq3A_895 = arith.constant 2 : i32
        %eq3A_896 = vector.broadcast %eq3A_895 : i32 to vector<16xi32>
        %eq3A_897 = arith.cmpi eq, %iota3A, %eq3A_896 : vector<16xi32>
        %broadcast_in_dim3A_898 = vector.broadcast %select_n3A_873 : i32 to vector<16xi32>
        %select_n3A_899 = arith.select %eq3A_897, %broadcast_in_dim3A_898, %get3A_848 : vector<16xi1>, vector<16xi32>
        %broadcast_in_dim3A_900 = vector.broadcast %select_n3A_869 : i32 to vector<16xi32>
        %select_n3A_901 = arith.select %eq3A_894, %broadcast_in_dim3A_900, %select_n3A_899 : vector<16xi1>, vector<16xi32>
        %broadcast_in_dim3A_902 = vector.broadcast %select_n3A_865 : i32 to vector<16xi32>
        %select_n3A_903 = arith.select %eq3A_891, %broadcast_in_dim3A_902, %select_n3A_901 : vector<16xi1>, vector<16xi32>
        %swap3A_904 = arith.index_cast %squeeze3A_840 : i32 to index
        %swap3A_905 = arith.constant 0 : index
        %swap3A_906 = tpu.vector_load %arg8[%swap3A_904, %swap3A_905] {strides = array<i32>} : memref<64x16xf32, #tpu.memory_space<vmem>>, vector<16xf32>,
        tpu.vector_store %arg8[%swap3A_904, %swap3A_905], %select_n3A_888 {strides = array<i32>} : memref<64x16xf32, #tpu.memory_space<vmem>>, vector<16xf32>,
        %swap3A_907 = arith.index_cast %squeeze3A_840 : i32 to index
        %swap3A_908 = arith.constant 0 : index
        %swap3A_909 = tpu.vector_load %arg9[%swap3A_907, %swap3A_908] {strides = array<i32>} : memref<64x16xi32, #tpu.memory_space<vmem>>, vector<16xi32>,
        tpu.vector_store %arg9[%swap3A_907, %swap3A_908], %select_n3A_903 {strides = array<i32>} : memref<64x16xi32, #tpu.memory_space<vmem>>, vector<16xi32>,
        %slice3A_910 = vector.extract_strided_slice %select_n3A {offsets = [12], sizes = [1], strides = [1]} : vector<16xf32> to vector<1xf32>
        %squeeze3A_911 = vector.extract %slice3A_910[0] : f32 from vector<1xf32>
        %slice3A_912 = vector.extract_strided_slice %get3A_21 {offsets = [12], sizes = [1], strides = [1]} : vector<16xi32> to vector<1xi32>
        %squeeze3A_913 = vector.extract %slice3A_912[0] : i32 from vector<1xi32>
        %add3A_914 = arith.constant 12 : i32
        %add3A_915 = arith.addi %add3A_26, %add3A_914 : i32
        %get3A_916 = arith.index_cast %squeeze3A_913 : i32 to index
        %get3A_917 = arith.constant 0 : index
        %get3A_918 = tpu.vector_load %arg8[%get3A_916, %get3A_917] {strides = array<i32>} : memref<64x16xf32, #tpu.memory_space<vmem>>, vector<16xf32>,
        %get3A_919 = arith.index_cast %squeeze3A_913 : i32 to index
        %get3A_920 = arith.constant 0 : index
        %get3A_921 = tpu.vector_load %arg9[%get3A_919, %get3A_920] {strides = array<i32>} : memref<64x16xi32, #tpu.memory_space<vmem>>, vector<16xi32>,
        %slice3A_922 = vector.extract_strided_slice %get3A_918 {offsets = [0], sizes = [1], strides = [1]} : vector<16xf32> to vector<1xf32>
        %squeeze3A_923 = vector.extract %slice3A_922[0] : f32 from vector<1xf32>
        %slice3A_924 = vector.extract_strided_slice %get3A_918 {offsets = [1], sizes = [1], strides = [1]} : vector<16xf32> to vector<1xf32>
        %squeeze3A_925 = vector.extract %slice3A_924[0] : f32 from vector<1xf32>
        %slice3A_926 = vector.extract_strided_slice %get3A_918 {offsets = [2], sizes = [1], strides = [1]} : vector<16xf32> to vector<1xf32>
        %squeeze3A_927 = vector.extract %slice3A_926[0] : f32 from vector<1xf32>
        %slice3A_928 = vector.extract_strided_slice %get3A_921 {offsets = [0], sizes = [1], strides = [1]} : vector<16xi32> to vector<1xi32>
        %squeeze3A_929 = vector.extract %slice3A_928[0] : i32 from vector<1xi32>
        %slice3A_930 = vector.extract_strided_slice %get3A_921 {offsets = [1], sizes = [1], strides = [1]} : vector<16xi32> to vector<1xi32>
        %squeeze3A_931 = vector.extract %slice3A_930[0] : i32 from vector<1xi32>
        %slice3A_932 = vector.extract_strided_slice %get3A_921 {offsets = [2], sizes = [1], strides = [1]} : vector<16xi32> to vector<1xi32>
        %squeeze3A_933 = vector.extract %slice3A_932[0] : i32 from vector<1xi32>
        %gt3A_934 = arith.cmpf ogt, %squeeze3A_911, %squeeze3A_923 : f32
        %gt3A_935 = arith.cmpf ogt, %squeeze3A_911, %squeeze3A_925 : f32
        %gt3A_936 = arith.cmpf ogt, %squeeze3A_911, %squeeze3A_927 : f32
        %select_n3A_937 = arith.select %gt3A_934, %squeeze3A_911, %squeeze3A_923 : f32
        %select_n3A_938 = arith.select %gt3A_934, %add3A_915, %squeeze3A_929 : i32
        %select_n3A_939 = arith.select %gt3A_935, %squeeze3A_911, %squeeze3A_925 : f32
        %select_n3A_940 = arith.select %gt3A_934, %squeeze3A_923, %select_n3A_939 : f32
        %select_n3A_941 = arith.select %gt3A_935, %add3A_915, %squeeze3A_931 : i32
        %select_n3A_942 = arith.select %gt3A_934, %squeeze3A_929, %select_n3A_941 : i32
        %select_n3A_943 = arith.select %gt3A_936, %squeeze3A_911, %squeeze3A_927 : f32
        %select_n3A_944 = arith.select %gt3A_935, %squeeze3A_925, %select_n3A_943 : f32
        %select_n3A_945 = arith.select %gt3A_936, %add3A_915, %squeeze3A_933 : i32
        %select_n3A_946 = arith.select %gt3A_935, %squeeze3A_931, %select_n3A_945 : i32
        %eq3A_947 = arith.constant 0 : i32
        %eq3A_948 = vector.broadcast %eq3A_947 : i32 to vector<16xi32>
        %eq3A_949 = arith.cmpi eq, %iota3A, %eq3A_948 : vector<16xi32>
        %eq3A_950 = arith.constant 1 : i32
        %eq3A_951 = vector.broadcast %eq3A_950 : i32 to vector<16xi32>
        %eq3A_952 = arith.cmpi eq, %iota3A, %eq3A_951 : vector<16xi32>
        %eq3A_953 = arith.constant 2 : i32
        %eq3A_954 = vector.broadcast %eq3A_953 : i32 to vector<16xi32>
        %eq3A_955 = arith.cmpi eq, %iota3A, %eq3A_954 : vector<16xi32>
        %broadcast_in_dim3A_956 = vector.broadcast %select_n3A_944 : f32 to vector<16xf32>
        %select_n3A_957 = arith.select %eq3A_955, %broadcast_in_dim3A_956, %get3A_918 : vector<16xi1>, vector<16xf32>
        %broadcast_in_dim3A_958 = vector.broadcast %select_n3A_940 : f32 to vector<16xf32>
        %select_n3A_959 = arith.select %eq3A_952, %broadcast_in_dim3A_958, %select_n3A_957 : vector<16xi1>, vector<16xf32>
        %broadcast_in_dim3A_960 = vector.broadcast %select_n3A_937 : f32 to vector<16xf32>
        %select_n3A_961 = arith.select %eq3A_949, %broadcast_in_dim3A_960, %select_n3A_959 : vector<16xi1>, vector<16xf32>
        %eq3A_962 = arith.constant 0 : i32
        %eq3A_963 = vector.broadcast %eq3A_962 : i32 to vector<16xi32>
        %eq3A_964 = arith.cmpi eq, %iota3A, %eq3A_963 : vector<16xi32>
        %eq3A_965 = arith.constant 1 : i32
        %eq3A_966 = vector.broadcast %eq3A_965 : i32 to vector<16xi32>
        %eq3A_967 = arith.cmpi eq, %iota3A, %eq3A_966 : vector<16xi32>
        %eq3A_968 = arith.constant 2 : i32
        %eq3A_969 = vector.broadcast %eq3A_968 : i32 to vector<16xi32>
        %eq3A_970 = arith.cmpi eq, %iota3A, %eq3A_969 : vector<16xi32>
        %broadcast_in_dim3A_971 = vector.broadcast %select_n3A_946 : i32 to vector<16xi32>
        %select_n3A_972 = arith.select %eq3A_970, %broadcast_in_dim3A_971, %get3A_921 : vector<16xi1>, vector<16xi32>
        %broadcast_in_dim3A_973 = vector.broadcast %select_n3A_942 : i32 to vector<16xi32>
        %select_n3A_974 = arith.select %eq3A_967, %broadcast_in_dim3A_973, %select_n3A_972 : vector<16xi1>, vector<16xi32>
        %broadcast_in_dim3A_975 = vector.broadcast %select_n3A_938 : i32 to vector<16xi32>
        %select_n3A_976 = arith.select %eq3A_964, %broadcast_in_dim3A_975, %select_n3A_974 : vector<16xi1>, vector<16xi32>
        %swap3A_977 = arith.index_cast %squeeze3A_913 : i32 to index
        %swap3A_978 = arith.constant 0 : index
        %swap3A_979 = tpu.vector_load %arg8[%swap3A_977, %swap3A_978] {strides = array<i32>} : memref<64x16xf32, #tpu.memory_space<vmem>>, vector<16xf32>,
        tpu.vector_store %arg8[%swap3A_977, %swap3A_978], %select_n3A_961 {strides = array<i32>} : memref<64x16xf32, #tpu.memory_space<vmem>>, vector<16xf32>,
        %swap3A_980 = arith.index_cast %squeeze3A_913 : i32 to index
        %swap3A_981 = arith.constant 0 : index
        %swap3A_982 = tpu.vector_load %arg9[%swap3A_980, %swap3A_981] {strides = array<i32>} : memref<64x16xi32, #tpu.memory_space<vmem>>, vector<16xi32>,
        tpu.vector_store %arg9[%swap3A_980, %swap3A_981], %select_n3A_976 {strides = array<i32>} : memref<64x16xi32, #tpu.memory_space<vmem>>, vector<16xi32>,
        %slice3A_983 = vector.extract_strided_slice %select_n3A {offsets = [13], sizes = [1], strides = [1]} : vector<16xf32> to vector<1xf32>
        %squeeze3A_984 = vector.extract %slice3A_983[0] : f32 from vector<1xf32>
        %slice3A_985 = vector.extract_strided_slice %get3A_21 {offsets = [13], sizes = [1], strides = [1]} : vector<16xi32> to vector<1xi32>
        %squeeze3A_986 = vector.extract %slice3A_985[0] : i32 from vector<1xi32>
        %add3A_987 = arith.constant 13 : i32
        %add3A_988 = arith.addi %add3A_26, %add3A_987 : i32
        %get3A_989 = arith.index_cast %squeeze3A_986 : i32 to index
        %get3A_990 = arith.constant 0 : index
        %get3A_991 = tpu.vector_load %arg8[%get3A_989, %get3A_990] {strides = array<i32>} : memref<64x16xf32, #tpu.memory_space<vmem>>, vector<16xf32>,
        %get3A_992 = arith.index_cast %squeeze3A_986 : i32 to index
        %get3A_993 = arith.constant 0 : index
        %get3A_994 = tpu.vector_load %arg9[%get3A_992, %get3A_993] {strides = array<i32>} : memref<64x16xi32, #tpu.memory_space<vmem>>, vector<16xi32>,
        %slice3A_995 = vector.extract_strided_slice %get3A_991 {offsets = [0], sizes = [1], strides = [1]} : vector<16xf32> to vector<1xf32>
        %squeeze3A_996 = vector.extract %slice3A_995[0] : f32 from vector<1xf32>
        %slice3A_997 = vector.extract_strided_slice %get3A_991 {offsets = [1], sizes = [1], strides = [1]} : vector<16xf32> to vector<1xf32>
        %squeeze3A_998 = vector.extract %slice3A_997[0] : f32 from vector<1xf32>
        %slice3A_999 = vector.extract_strided_slice %get3A_991 {offsets = [2], sizes = [1], strides = [1]} : vector<16xf32> to vector<1xf32>
        %squeeze3A_1000 = vector.extract %slice3A_999[0] : f32 from vector<1xf32>
        %slice3A_1001 = vector.extract_strided_slice %get3A_994 {offsets = [0], sizes = [1], strides = [1]} : vector<16xi32> to vector<1xi32>
        %squeeze3A_1002 = vector.extract %slice3A_1001[0] : i32 from vector<1xi32>
        %slice3A_1003 = vector.extract_strided_slice %get3A_994 {offsets = [1], sizes = [1], strides = [1]} : vector<16xi32> to vector<1xi32>
        %squeeze3A_1004 = vector.extract %slice3A_1003[0] : i32 from vector<1xi32>
        %slice3A_1005 = vector.extract_strided_slice %get3A_994 {offsets = [2], sizes = [1], strides = [1]} : vector<16xi32> to vector<1xi32>
        %squeeze3A_1006 = vector.extract %slice3A_1005[0] : i32 from vector<1xi32>
        %gt3A_1007 = arith.cmpf ogt, %squeeze3A_984, %squeeze3A_996 : f32
        %gt3A_1008 = arith.cmpf ogt, %squeeze3A_984, %squeeze3A_998 : f32
        %gt3A_1009 = arith.cmpf ogt, %squeeze3A_984, %squeeze3A_1000 : f32
        %select_n3A_1010 = arith.select %gt3A_1007, %squeeze3A_984, %squeeze3A_996 : f32
        %select_n3A_1011 = arith.select %gt3A_1007, %add3A_988, %squeeze3A_1002 : i32
        %select_n3A_1012 = arith.select %gt3A_1008, %squeeze3A_984, %squeeze3A_998 : f32
        %select_n3A_1013 = arith.select %gt3A_1007, %squeeze3A_996, %select_n3A_1012 : f32
        %select_n3A_1014 = arith.select %gt3A_1008, %add3A_988, %squeeze3A_1004 : i32
        %select_n3A_1015 = arith.select %gt3A_1007, %squeeze3A_1002, %select_n3A_1014 : i32
        %select_n3A_1016 = arith.select %gt3A_1009, %squeeze3A_984, %squeeze3A_1000 : f32
        %select_n3A_1017 = arith.select %gt3A_1008, %squeeze3A_998, %select_n3A_1016 : f32
        %select_n3A_1018 = arith.select %gt3A_1009, %add3A_988, %squeeze3A_1006 : i32
        %select_n3A_1019 = arith.select %gt3A_1008, %squeeze3A_1004, %select_n3A_1018 : i32
        %eq3A_1020 = arith.constant 0 : i32
        %eq3A_1021 = vector.broadcast %eq3A_1020 : i32 to vector<16xi32>
        %eq3A_1022 = arith.cmpi eq, %iota3A, %eq3A_1021 : vector<16xi32>
        %eq3A_1023 = arith.constant 1 : i32
        %eq3A_1024 = vector.broadcast %eq3A_1023 : i32 to vector<16xi32>
        %eq3A_1025 = arith.cmpi eq, %iota3A, %eq3A_1024 : vector<16xi32>
        %eq3A_1026 = arith.constant 2 : i32
        %eq3A_1027 = vector.broadcast %eq3A_1026 : i32 to vector<16xi32>
        %eq3A_1028 = arith.cmpi eq, %iota3A, %eq3A_1027 : vector<16xi32>
        %broadcast_in_dim3A_1029 = vector.broadcast %select_n3A_1017 : f32 to vector<16xf32>
        %select_n3A_1030 = arith.select %eq3A_1028, %broadcast_in_dim3A_1029, %get3A_991 : vector<16xi1>, vector<16xf32>
        %broadcast_in_dim3A_1031 = vector.broadcast %select_n3A_1013 : f32 to vector<16xf32>
        %select_n3A_1032 = arith.select %eq3A_1025, %broadcast_in_dim3A_1031, %select_n3A_1030 : vector<16xi1>, vector<16xf32>
        %broadcast_in_dim3A_1033 = vector.broadcast %select_n3A_1010 : f32 to vector<16xf32>
        %select_n3A_1034 = arith.select %eq3A_1022, %broadcast_in_dim3A_1033, %select_n3A_1032 : vector<16xi1>, vector<16xf32>
        %eq3A_1035 = arith.constant 0 : i32
        %eq3A_1036 = vector.broadcast %eq3A_1035 : i32 to vector<16xi32>
        %eq3A_1037 = arith.cmpi eq, %iota3A, %eq3A_1036 : vector<16xi32>
        %eq3A_1038 = arith.constant 1 : i32
        %eq3A_1039 = vector.broadcast %eq3A_1038 : i32 to vector<16xi32>
        %eq3A_1040 = arith.cmpi eq, %iota3A, %eq3A_1039 : vector<16xi32>
        %eq3A_1041 = arith.constant 2 : i32
        %eq3A_1042 = vector.broadcast %eq3A_1041 : i32 to vector<16xi32>
        %eq3A_1043 = arith.cmpi eq, %iota3A, %eq3A_1042 : vector<16xi32>
        %broadcast_in_dim3A_1044 = vector.broadcast %select_n3A_1019 : i32 to vector<16xi32>
        %select_n3A_1045 = arith.select %eq3A_1043, %broadcast_in_dim3A_1044, %get3A_994 : vector<16xi1>, vector<16xi32>
        %broadcast_in_dim3A_1046 = vector.broadcast %select_n3A_1015 : i32 to vector<16xi32>
        %select_n3A_1047 = arith.select %eq3A_1040, %broadcast_in_dim3A_1046, %select_n3A_1045 : vector<16xi1>, vector<16xi32>
        %broadcast_in_dim3A_1048 = vector.broadcast %select_n3A_1011 : i32 to vector<16xi32>
        %select_n3A_1049 = arith.select %eq3A_1037, %broadcast_in_dim3A_1048, %select_n3A_1047 : vector<16xi1>, vector<16xi32>
        %swap3A_1050 = arith.index_cast %squeeze3A_986 : i32 to index
        %swap3A_1051 = arith.constant 0 : index
        %swap3A_1052 = tpu.vector_load %arg8[%swap3A_1050, %swap3A_1051] {strides = array<i32>} : memref<64x16xf32, #tpu.memory_space<vmem>>, vector<16xf32>,
        tpu.vector_store %arg8[%swap3A_1050, %swap3A_1051], %select_n3A_1034 {strides = array<i32>} : memref<64x16xf32, #tpu.memory_space<vmem>>, vector<16xf32>,
        %swap3A_1053 = arith.index_cast %squeeze3A_986 : i32 to index
        %swap3A_1054 = arith.constant 0 : index
        %swap3A_1055 = tpu.vector_load %arg9[%swap3A_1053, %swap3A_1054] {strides = array<i32>} : memref<64x16xi32, #tpu.memory_space<vmem>>, vector<16xi32>,
        tpu.vector_store %arg9[%swap3A_1053, %swap3A_1054], %select_n3A_1049 {strides = array<i32>} : memref<64x16xi32, #tpu.memory_space<vmem>>, vector<16xi32>,
        %slice3A_1056 = vector.extract_strided_slice %select_n3A {offsets = [14], sizes = [1], strides = [1]} : vector<16xf32> to vector<1xf32>
        %squeeze3A_1057 = vector.extract %slice3A_1056[0] : f32 from vector<1xf32>
        %slice3A_1058 = vector.extract_strided_slice %get3A_21 {offsets = [14], sizes = [1], strides = [1]} : vector<16xi32> to vector<1xi32>
        %squeeze3A_1059 = vector.extract %slice3A_1058[0] : i32 from vector<1xi32>
        %add3A_1060 = arith.constant 14 : i32
        %add3A_1061 = arith.addi %add3A_26, %add3A_1060 : i32
        %get3A_1062 = arith.index_cast %squeeze3A_1059 : i32 to index
        %get3A_1063 = arith.constant 0 : index
        %get3A_1064 = tpu.vector_load %arg8[%get3A_1062, %get3A_1063] {strides = array<i32>} : memref<64x16xf32, #tpu.memory_space<vmem>>, vector<16xf32>,
        %get3A_1065 = arith.index_cast %squeeze3A_1059 : i32 to index
        %get3A_1066 = arith.constant 0 : index
        %get3A_1067 = tpu.vector_load %arg9[%get3A_1065, %get3A_1066] {strides = array<i32>} : memref<64x16xi32, #tpu.memory_space<vmem>>, vector<16xi32>,
        %slice3A_1068 = vector.extract_strided_slice %get3A_1064 {offsets = [0], sizes = [1], strides = [1]} : vector<16xf32> to vector<1xf32>
        %squeeze3A_1069 = vector.extract %slice3A_1068[0] : f32 from vector<1xf32>
        %slice3A_1070 = vector.extract_strided_slice %get3A_1064 {offsets = [1], sizes = [1], strides = [1]} : vector<16xf32> to vector<1xf32>
        %squeeze3A_1071 = vector.extract %slice3A_1070[0] : f32 from vector<1xf32>
        %slice3A_1072 = vector.extract_strided_slice %get3A_1064 {offsets = [2], sizes = [1], strides = [1]} : vector<16xf32> to vector<1xf32>
        %squeeze3A_1073 = vector.extract %slice3A_1072[0] : f32 from vector<1xf32>
        %slice3A_1074 = vector.extract_strided_slice %get3A_1067 {offsets = [0], sizes = [1], strides = [1]} : vector<16xi32> to vector<1xi32>
        %squeeze3A_1075 = vector.extract %slice3A_1074[0] : i32 from vector<1xi32>
        %slice3A_1076 = vector.extract_strided_slice %get3A_1067 {offsets = [1], sizes = [1], strides = [1]} : vector<16xi32> to vector<1xi32>
        %squeeze3A_1077 = vector.extract %slice3A_1076[0] : i32 from vector<1xi32>
        %slice3A_1078 = vector.extract_strided_slice %get3A_1067 {offsets = [2], sizes = [1], strides = [1]} : vector<16xi32> to vector<1xi32>
        %squeeze3A_1079 = vector.extract %slice3A_1078[0] : i32 from vector<1xi32>
        %gt3A_1080 = arith.cmpf ogt, %squeeze3A_1057, %squeeze3A_1069 : f32
        %gt3A_1081 = arith.cmpf ogt, %squeeze3A_1057, %squeeze3A_1071 : f32
        %gt3A_1082 = arith.cmpf ogt, %squeeze3A_1057, %squeeze3A_1073 : f32
        %select_n3A_1083 = arith.select %gt3A_1080, %squeeze3A_1057, %squeeze3A_1069 : f32
        %select_n3A_1084 = arith.select %gt3A_1080, %add3A_1061, %squeeze3A_1075 : i32
        %select_n3A_1085 = arith.select %gt3A_1081, %squeeze3A_1057, %squeeze3A_1071 : f32
        %select_n3A_1086 = arith.select %gt3A_1080, %squeeze3A_1069, %select_n3A_1085 : f32
        %select_n3A_1087 = arith.select %gt3A_1081, %add3A_1061, %squeeze3A_1077 : i32
        %select_n3A_1088 = arith.select %gt3A_1080, %squeeze3A_1075, %select_n3A_1087 : i32
        %select_n3A_1089 = arith.select %gt3A_1082, %squeeze3A_1057, %squeeze3A_1073 : f32
        %select_n3A_1090 = arith.select %gt3A_1081, %squeeze3A_1071, %select_n3A_1089 : f32
        %select_n3A_1091 = arith.select %gt3A_1082, %add3A_1061, %squeeze3A_1079 : i32
        %select_n3A_1092 = arith.select %gt3A_1081, %squeeze3A_1077, %select_n3A_1091 : i32
        %eq3A_1093 = arith.constant 0 : i32
        %eq3A_1094 = vector.broadcast %eq3A_1093 : i32 to vector<16xi32>
        %eq3A_1095 = arith.cmpi eq, %iota3A, %eq3A_1094 : vector<16xi32>
        %eq3A_1096 = arith.constant 1 : i32
        %eq3A_1097 = vector.broadcast %eq3A_1096 : i32 to vector<16xi32>
        %eq3A_1098 = arith.cmpi eq, %iota3A, %eq3A_1097 : vector<16xi32>
        %eq3A_1099 = arith.constant 2 : i32
        %eq3A_1100 = vector.broadcast %eq3A_1099 : i32 to vector<16xi32>
        %eq3A_1101 = arith.cmpi eq, %iota3A, %eq3A_1100 : vector<16xi32>
        %broadcast_in_dim3A_1102 = vector.broadcast %select_n3A_1090 : f32 to vector<16xf32>
        %select_n3A_1103 = arith.select %eq3A_1101, %broadcast_in_dim3A_1102, %get3A_1064 : vector<16xi1>, vector<16xf32>
        %broadcast_in_dim3A_1104 = vector.broadcast %select_n3A_1086 : f32 to vector<16xf32>
        %select_n3A_1105 = arith.select %eq3A_1098, %broadcast_in_dim3A_1104, %select_n3A_1103 : vector<16xi1>, vector<16xf32>
        %broadcast_in_dim3A_1106 = vector.broadcast %select_n3A_1083 : f32 to vector<16xf32>
        %select_n3A_1107 = arith.select %eq3A_1095, %broadcast_in_dim3A_1106, %select_n3A_1105 : vector<16xi1>, vector<16xf32>
        %eq3A_1108 = arith.constant 0 : i32
        %eq3A_1109 = vector.broadcast %eq3A_1108 : i32 to vector<16xi32>
        %eq3A_1110 = arith.cmpi eq, %iota3A, %eq3A_1109 : vector<16xi32>
        %eq3A_1111 = arith.constant 1 : i32
        %eq3A_1112 = vector.broadcast %eq3A_1111 : i32 to vector<16xi32>
        %eq3A_1113 = arith.cmpi eq, %iota3A, %eq3A_1112 : vector<16xi32>
        %eq3A_1114 = arith.constant 2 : i32
        %eq3A_1115 = vector.broadcast %eq3A_1114 : i32 to vector<16xi32>
        %eq3A_1116 = arith.cmpi eq, %iota3A, %eq3A_1115 : vector<16xi32>
        %broadcast_in_dim3A_1117 = vector.broadcast %select_n3A_1092 : i32 to vector<16xi32>
        %select_n3A_1118 = arith.select %eq3A_1116, %broadcast_in_dim3A_1117, %get3A_1067 : vector<16xi1>, vector<16xi32>
        %broadcast_in_dim3A_1119 = vector.broadcast %select_n3A_1088 : i32 to vector<16xi32>
        %select_n3A_1120 = arith.select %eq3A_1113, %broadcast_in_dim3A_1119, %select_n3A_1118 : vector<16xi1>, vector<16xi32>
        %broadcast_in_dim3A_1121 = vector.broadcast %select_n3A_1084 : i32 to vector<16xi32>
        %select_n3A_1122 = arith.select %eq3A_1110, %broadcast_in_dim3A_1121, %select_n3A_1120 : vector<16xi1>, vector<16xi32>
        %swap3A_1123 = arith.index_cast %squeeze3A_1059 : i32 to index
        %swap3A_1124 = arith.constant 0 : index
        %swap3A_1125 = tpu.vector_load %arg8[%swap3A_1123, %swap3A_1124] {strides = array<i32>} : memref<64x16xf32, #tpu.memory_space<vmem>>, vector<16xf32>,
        tpu.vector_store %arg8[%swap3A_1123, %swap3A_1124], %select_n3A_1107 {strides = array<i32>} : memref<64x16xf32, #tpu.memory_space<vmem>>, vector<16xf32>,
        %swap3A_1126 = arith.index_cast %squeeze3A_1059 : i32 to index
        %swap3A_1127 = arith.constant 0 : index
        %swap3A_1128 = tpu.vector_load %arg9[%swap3A_1126, %swap3A_1127] {strides = array<i32>} : memref<64x16xi32, #tpu.memory_space<vmem>>, vector<16xi32>,
        tpu.vector_store %arg9[%swap3A_1126, %swap3A_1127], %select_n3A_1122 {strides = array<i32>} : memref<64x16xi32, #tpu.memory_space<vmem>>, vector<16xi32>,
        %slice3A_1129 = vector.extract_strided_slice %select_n3A {offsets = [15], sizes = [1], strides = [1]} : vector<16xf32> to vector<1xf32>
        %squeeze3A_1130 = vector.extract %slice3A_1129[0] : f32 from vector<1xf32>
        %slice3A_1131 = vector.extract_strided_slice %get3A_21 {offsets = [15], sizes = [1], strides = [1]} : vector<16xi32> to vector<1xi32>
        %squeeze3A_1132 = vector.extract %slice3A_1131[0] : i32 from vector<1xi32>
        %add3A_1133 = arith.constant 15 : i32
        %add3A_1134 = arith.addi %add3A_26, %add3A_1133 : i32
        %get3A_1135 = arith.index_cast %squeeze3A_1132 : i32 to index
        %get3A_1136 = arith.constant 0 : index
        %get3A_1137 = tpu.vector_load %arg8[%get3A_1135, %get3A_1136] {strides = array<i32>} : memref<64x16xf32, #tpu.memory_space<vmem>>, vector<16xf32>,
        %get3A_1138 = arith.index_cast %squeeze3A_1132 : i32 to index
        %get3A_1139 = arith.constant 0 : index
        %get3A_1140 = tpu.vector_load %arg9[%get3A_1138, %get3A_1139] {strides = array<i32>} : memref<64x16xi32, #tpu.memory_space<vmem>>, vector<16xi32>,
        %slice3A_1141 = vector.extract_strided_slice %get3A_1137 {offsets = [0], sizes = [1], strides = [1]} : vector<16xf32> to vector<1xf32>
        %squeeze3A_1142 = vector.extract %slice3A_1141[0] : f32 from vector<1xf32>
        %slice3A_1143 = vector.extract_strided_slice %get3A_1137 {offsets = [1], sizes = [1], strides = [1]} : vector<16xf32> to vector<1xf32>
        %squeeze3A_1144 = vector.extract %slice3A_1143[0] : f32 from vector<1xf32>
        %slice3A_1145 = vector.extract_strided_slice %get3A_1137 {offsets = [2], sizes = [1], strides = [1]} : vector<16xf32> to vector<1xf32>
        %squeeze3A_1146 = vector.extract %slice3A_1145[0] : f32 from vector<1xf32>
        %slice3A_1147 = vector.extract_strided_slice %get3A_1140 {offsets = [0], sizes = [1], strides = [1]} : vector<16xi32> to vector<1xi32>
        %squeeze3A_1148 = vector.extract %slice3A_1147[0] : i32 from vector<1xi32>
        %slice3A_1149 = vector.extract_strided_slice %get3A_1140 {offsets = [1], sizes = [1], strides = [1]} : vector<16xi32> to vector<1xi32>
        %squeeze3A_1150 = vector.extract %slice3A_1149[0] : i32 from vector<1xi32>
        %slice3A_1151 = vector.extract_strided_slice %get3A_1140 {offsets = [2], sizes = [1], strides = [1]} : vector<16xi32> to vector<1xi32>
        %squeeze3A_1152 = vector.extract %slice3A_1151[0] : i32 from vector<1xi32>
        %gt3A_1153 = arith.cmpf ogt, %squeeze3A_1130, %squeeze3A_1142 : f32
        %gt3A_1154 = arith.cmpf ogt, %squeeze3A_1130, %squeeze3A_1144 : f32
        %gt3A_1155 = arith.cmpf ogt, %squeeze3A_1130, %squeeze3A_1146 : f32
        %select_n3A_1156 = arith.select %gt3A_1153, %squeeze3A_1130, %squeeze3A_1142 : f32
        %select_n3A_1157 = arith.select %gt3A_1153, %add3A_1134, %squeeze3A_1148 : i32
        %select_n3A_1158 = arith.select %gt3A_1154, %squeeze3A_1130, %squeeze3A_1144 : f32
        %select_n3A_1159 = arith.select %gt3A_1153, %squeeze3A_1142, %select_n3A_1158 : f32
        %select_n3A_1160 = arith.select %gt3A_1154, %add3A_1134, %squeeze3A_1150 : i32
        %select_n3A_1161 = arith.select %gt3A_1153, %squeeze3A_1148, %select_n3A_1160 : i32
        %select_n3A_1162 = arith.select %gt3A_1155, %squeeze3A_1130, %squeeze3A_1146 : f32
        %select_n3A_1163 = arith.select %gt3A_1154, %squeeze3A_1144, %select_n3A_1162 : f32
        %select_n3A_1164 = arith.select %gt3A_1155, %add3A_1134, %squeeze3A_1152 : i32
        %select_n3A_1165 = arith.select %gt3A_1154, %squeeze3A_1150, %select_n3A_1164 : i32
        %eq3A_1166 = arith.constant 0 : i32
        %eq3A_1167 = vector.broadcast %eq3A_1166 : i32 to vector<16xi32>
        %eq3A_1168 = arith.cmpi eq, %iota3A, %eq3A_1167 : vector<16xi32>
        %eq3A_1169 = arith.constant 1 : i32
        %eq3A_1170 = vector.broadcast %eq3A_1169 : i32 to vector<16xi32>
        %eq3A_1171 = arith.cmpi eq, %iota3A, %eq3A_1170 : vector<16xi32>
        %eq3A_1172 = arith.constant 2 : i32
        %eq3A_1173 = vector.broadcast %eq3A_1172 : i32 to vector<16xi32>
        %eq3A_1174 = arith.cmpi eq, %iota3A, %eq3A_1173 : vector<16xi32>
        %broadcast_in_dim3A_1175 = vector.broadcast %select_n3A_1163 : f32 to vector<16xf32>
        %select_n3A_1176 = arith.select %eq3A_1174, %broadcast_in_dim3A_1175, %get3A_1137 : vector<16xi1>, vector<16xf32>
        %broadcast_in_dim3A_1177 = vector.broadcast %select_n3A_1159 : f32 to vector<16xf32>
        %select_n3A_1178 = arith.select %eq3A_1171, %broadcast_in_dim3A_1177, %select_n3A_1176 : vector<16xi1>, vector<16xf32>
        %broadcast_in_dim3A_1179 = vector.broadcast %select_n3A_1156 : f32 to vector<16xf32>
        %select_n3A_1180 = arith.select %eq3A_1168, %broadcast_in_dim3A_1179, %select_n3A_1178 : vector<16xi1>, vector<16xf32>
        %eq3A_1181 = arith.constant 0 : i32
        %eq3A_1182 = vector.broadcast %eq3A_1181 : i32 to vector<16xi32>
        %eq3A_1183 = arith.cmpi eq, %iota3A, %eq3A_1182 : vector<16xi32>
        %eq3A_1184 = arith.constant 1 : i32
        %eq3A_1185 = vector.broadcast %eq3A_1184 : i32 to vector<16xi32>
        %eq3A_1186 = arith.cmpi eq, %iota3A, %eq3A_1185 : vector<16xi32>
        %eq3A_1187 = arith.constant 2 : i32
        %eq3A_1188 = vector.broadcast %eq3A_1187 : i32 to vector<16xi32>
        %eq3A_1189 = arith.cmpi eq, %iota3A, %eq3A_1188 : vector<16xi32>
        %broadcast_in_dim3A_1190 = vector.broadcast %select_n3A_1165 : i32 to vector<16xi32>
        %select_n3A_1191 = arith.select %eq3A_1189, %broadcast_in_dim3A_1190, %get3A_1140 : vector<16xi1>, vector<16xi32>
        %broadcast_in_dim3A_1192 = vector.broadcast %select_n3A_1161 : i32 to vector<16xi32>
        %select_n3A_1193 = arith.select %eq3A_1186, %broadcast_in_dim3A_1192, %select_n3A_1191 : vector<16xi1>, vector<16xi32>
        %broadcast_in_dim3A_1194 = vector.broadcast %select_n3A_1157 : i32 to vector<16xi32>
        %select_n3A_1195 = arith.select %eq3A_1183, %broadcast_in_dim3A_1194, %select_n3A_1193 : vector<16xi1>, vector<16xi32>
        %swap3A_1196 = arith.index_cast %squeeze3A_1132 : i32 to index
        %swap3A_1197 = arith.constant 0 : index
        %swap3A_1198 = tpu.vector_load %arg8[%swap3A_1196, %swap3A_1197] {strides = array<i32>} : memref<64x16xf32, #tpu.memory_space<vmem>>, vector<16xf32>,
        tpu.vector_store %arg8[%swap3A_1196, %swap3A_1197], %select_n3A_1180 {strides = array<i32>} : memref<64x16xf32, #tpu.memory_space<vmem>>, vector<16xf32>,
        %swap3A_1199 = arith.index_cast %squeeze3A_1132 : i32 to index
        %swap3A_1200 = arith.constant 0 : index
        %swap3A_1201 = tpu.vector_load %arg9[%swap3A_1199, %swap3A_1200] {strides = array<i32>} : memref<64x16xi32, #tpu.memory_space<vmem>>, vector<16xi32>,
        tpu.vector_store %arg9[%swap3A_1199, %swap3A_1200], %select_n3A_1195 {strides = array<i32>} : memref<64x16xi32, #tpu.memory_space<vmem>>, vector<16xi32>,
      } else {
      }
      %scan3A_35 = arith.constant 0 : i32
      scf.yield %scan3A_35 : i32
    }
    %scan3A_16 = arith.constant 98 : i32
    "tpu.region"() ({
      %run_scoped3A = tpu.sem_alloc : memref<!tpu.dma_semaphore, #tpu.memory_space<semaphore_mem>>
      %dma_start3A = arith.constant 0 : i32
      %dma_start3A_17 = arith.constant 0 : i32
      %dma_start3A_18 = tpu.memref_slice %arg4[%add3A, %dma_start3A, %dma_start3A_17] : memref<32x64x16xf32, #tpu.memory_space<hbm>> -> memref<1x64x16xf32, #tpu.memory_space<hbm>>
      %dma_start3A_19 = tpu.memref_squeeze %dma_start3A_18 : memref<1x64x16xf32, #tpu.memory_space<hbm>> -> memref<64x16xf32, #tpu.memory_space<hbm>>
      %dma_start3A_20 = arith.constant 0 : i32
      %dma_start3A_21 = arith.constant 0 : i32
      %dma_start3A_22 = tpu.memref_slice %arg4[%add3A, %dma_start3A_20, %dma_start3A_21] : memref<32x64x16xf32, #tpu.memory_space<hbm>> -> memref<1x64x16xf32, #tpu.memory_space<hbm>>
      %dma_start3A_23 = tpu.memref_squeeze %dma_start3A_22 : memref<1x64x16xf32, #tpu.memory_space<hbm>> -> memref<64x16xf32, #tpu.memory_space<hbm>>
      tpu.enqueue_dma source(%arg8 : memref<64x16xf32, #tpu.memory_space<vmem>>) target(%dma_start3A_23 : memref<64x16xf32, #tpu.memory_space<hbm>>) target_semaphore(%run_scoped3A : memref<!tpu.dma_semaphore, #tpu.memory_space<semaphore_mem>>)
      %dma_wait3A = arith.constant 0 : i32
      %dma_wait3A_24 = arith.constant 0 : i32
      %dma_wait3A_25 = tpu.memref_slice %arg4[%add3A, %dma_wait3A, %dma_wait3A_24] : memref<32x64x16xf32, #tpu.memory_space<hbm>> -> memref<1x64x16xf32, #tpu.memory_space<hbm>>
      %dma_wait3A_26 = tpu.memref_squeeze %dma_wait3A_25 : memref<1x64x16xf32, #tpu.memory_space<hbm>> -> memref<64x16xf32, #tpu.memory_space<hbm>>
      %dma_wait3A_27 = arith.constant 0 : i32
      %dma_wait3A_28 = arith.constant 0 : i32
      %dma_wait3A_29 = tpu.memref_slice %arg4[%add3A, %dma_wait3A_27, %dma_wait3A_28] : memref<32x64x16xf32, #tpu.memory_space<hbm>> -> memref<1x64x16xf32, #tpu.memory_space<hbm>>
      %dma_wait3A_30 = tpu.memref_squeeze %dma_wait3A_29 : memref<1x64x16xf32, #tpu.memory_space<hbm>> -> memref<64x16xf32, #tpu.memory_space<hbm>>
      tpu.wait_dma2 semaphore(%run_scoped3A : memref<!tpu.dma_semaphore, #tpu.memory_space<semaphore_mem>>) src(%arg8 : memref<64x16xf32, #tpu.memory_space<vmem>>) dst(%dma_wait3A_30 : memref<64x16xf32, #tpu.memory_space<hbm>>)
      tpu.yield
    }) : () -> ()
    "tpu.region"() ({
      %run_scoped3A = tpu.sem_alloc : memref<!tpu.dma_semaphore, #tpu.memory_space<semaphore_mem>>
      %dma_start3A = arith.constant 0 : i32
      %dma_start3A_17 = arith.constant 0 : i32
      %dma_start3A_18 = tpu.memref_slice %arg5[%add3A, %dma_start3A, %dma_start3A_17] : memref<32x64x16xi32, #tpu.memory_space<hbm>> -> memref<1x64x16xi32, #tpu.memory_space<hbm>>
      %dma_start3A_19 = tpu.memref_squeeze %dma_start3A_18 : memref<1x64x16xi32, #tpu.memory_space<hbm>> -> memref<64x16xi32, #tpu.memory_space<hbm>>
      %dma_start3A_20 = arith.constant 0 : i32
      %dma_start3A_21 = arith.constant 0 : i32
      %dma_start3A_22 = tpu.memref_slice %arg5[%add3A, %dma_start3A_20, %dma_start3A_21] : memref<32x64x16xi32, #tpu.memory_space<hbm>> -> memref<1x64x16xi32, #tpu.memory_space<hbm>>
      %dma_start3A_23 = tpu.memref_squeeze %dma_start3A_22 : memref<1x64x16xi32, #tpu.memory_space<hbm>> -> memref<64x16xi32, #tpu.memory_space<hbm>>
      tpu.enqueue_dma source(%arg9 : memref<64x16xi32, #tpu.memory_space<vmem>>) target(%dma_start3A_23 : memref<64x16xi32, #tpu.memory_space<hbm>>) target_semaphore(%run_scoped3A : memref<!tpu.dma_semaphore, #tpu.memory_space<semaphore_mem>>)
      %dma_wait3A = arith.constant 0 : i32
      %dma_wait3A_24 = arith.constant 0 : i32
      %dma_wait3A_25 = tpu.memref_slice %arg5[%add3A, %dma_wait3A, %dma_wait3A_24] : memref<32x64x16xi32, #tpu.memory_space<hbm>> -> memref<1x64x16xi32, #tpu.memory_space<hbm>>
      %dma_wait3A_26 = tpu.memref_squeeze %dma_wait3A_25 : memref<1x64x16xi32, #tpu.memory_space<hbm>> -> memref<64x16xi32, #tpu.memory_space<hbm>>
      %dma_wait3A_27 = arith.constant 0 : i32
      %dma_wait3A_28 = arith.constant 0 : i32
      %dma_wait3A_29 = tpu.memref_slice %arg5[%add3A, %dma_wait3A_27, %dma_wait3A_28] : memref<32x64x16xi32, #tpu.memory_space<hbm>> -> memref<1x64x16xi32, #tpu.memory_space<hbm>>
      %dma_wait3A_30 = tpu.memref_squeeze %dma_wait3A_29 : memref<1x64x16xi32, #tpu.memory_space<hbm>> -> memref<64x16xi32, #tpu.memory_space<hbm>>
      tpu.wait_dma2 semaphore(%run_scoped3A : memref<!tpu.dma_semaphore, #tpu.memory_space<semaphore_mem>>) src(%arg9 : memref<64x16xi32, #tpu.memory_space<vmem>>) dst(%dma_wait3A_30 : memref<64x16xi32, #tpu.memory_space<hbm>>)
      tpu.yield
    }) : () -> ()
    return
  }
}

#map = affine_map<(d0, d1) -> (0, 0)>
#map1 = affine_map<(d0, d1) -> (0, 0, 0)>
module attributes {stable_mosaic.version = 14 : i64} {
  func.func @_ksc2(%arg0: i32, %arg1: i32, %arg2: memref<50000x512xf32, #tpu.memory_space<hbm>>, %arg3: memref<64x512xf32, #tpu.memory_space<hbm>>, %arg4: memref<64x128xf32, #tpu.memory_space<hbm>>, %arg5: memref<32x64x16xf32, #tpu.memory_space<hbm>>, %arg6: memref<32x64x16xi32, #tpu.memory_space<hbm>>, %arg7: memref<64x2560xf32, #tpu.memory_space<hbm>>, %arg8: memref<32x1x16xf32, #tpu.memory_space<vmem>>, %arg9: memref<32x1x16xi32, #tpu.memory_space<vmem>>, %arg10: memref<1x512xf32, #tpu.memory_space<vmem>>, %arg11: memref<1x128xf32, #tpu.memory_space<vmem>>, %arg12: memref<32x1x16xf32, #tpu.memory_space<vmem>>, %arg13: memref<32x1x16xi32, #tpu.memory_space<vmem>>, %arg14: memref<1x512xf32, #tpu.memory_space<vmem>>, %arg15: memref<1x128xf32, #tpu.memory_space<vmem>>, %arg16: memref<16xi32, #tpu.memory_space<vmem>>, %arg17: memref<16x512xf32, #tpu.memory_space<vmem>>, %arg18: memref<2560xf32, #tpu.memory_space<vmem>>, %arg19: memref<2560xf32, #tpu.memory_space<vmem>>, %arg20: memref<!tpu.dma_semaphore, #tpu.memory_space<semaphore_mem>>, %arg21: memref<!tpu.dma_semaphore, #tpu.memory_space<semaphore_mem>>, %arg22: memref<!tpu.dma_semaphore, #tpu.memory_space<semaphore_mem>>, %arg23: memref<!tpu.dma_semaphore, #tpu.memory_space<semaphore_mem>>) attributes {dimension_semantics = [#tpu.dimension_semantics<core_parallel>, #tpu.dimension_semantics<subcore_parallel>], iteration_bounds = array<i64: 2, 16>, scalar_prefetch = 0 : i64, scratch_operands = 16 : i64, tpu.core_type = #tpu.core_type<sc_vector_subcore>, window_params = [{transform_indices = #map}, {transform_indices = #map}, {transform_indices = #map}, {transform_indices = #map1}, {transform_indices = #map1}, {transform_indices = #map}]} {
    %mul3A = arith.constant 16 : i32
    %mul3A_0 = arith.muli %arg0, %mul3A : i32
    %add3A = arith.addi %mul3A_0, %arg1 : i32
    %iota3A = tpu.iota {dimensions = array<i32: 0>} : vector<16xi32>
    %broadcast_in_dim3A = arith.constant 0.000000e+00 : f32
    %broadcast_in_dim3A_1 = vector.broadcast %broadcast_in_dim3A : f32 to vector<16xf32>
    %mul3A_2 = arith.constant 2 : i32
    %mul3A_3 = arith.muli %add3A, %mul3A_2 : i32
    %add3A_4 = arith.constant 1 : i32
    %add3A_5 = arith.addi %mul3A_3, %add3A_4 : i32
    %dma_start3A = arith.constant 0 : i32
    %dma_start3A_6 = arith.constant 0 : i32
    %dma_start3A_7 = tpu.memref_slice %arg5[%dma_start3A, %mul3A_3, %dma_start3A_6] : memref<32x64x16xf32, #tpu.memory_space<hbm>> -> memref<32x1x16xf32, #tpu.memory_space<hbm>>
    %dma_start3A_8 = arith.constant 0 : i32
    %dma_start3A_9 = arith.constant 0 : i32
    %dma_start3A_10 = tpu.memref_slice %arg5[%dma_start3A_8, %mul3A_3, %dma_start3A_9] : memref<32x64x16xf32, #tpu.memory_space<hbm>> -> memref<32x1x16xf32, #tpu.memory_space<hbm>>
    tpu.enqueue_dma source(%dma_start3A_10 : memref<32x1x16xf32, #tpu.memory_space<hbm>>) target(%arg8 : memref<32x1x16xf32, #tpu.memory_space<vmem>>) target_semaphore(%arg20 : memref<!tpu.dma_semaphore, #tpu.memory_space<semaphore_mem>>)
    %dma_start3A_11 = arith.constant 0 : i32
    %dma_start3A_12 = arith.constant 0 : i32
    %dma_start3A_13 = tpu.memref_slice %arg6[%dma_start3A_11, %mul3A_3, %dma_start3A_12] : memref<32x64x16xi32, #tpu.memory_space<hbm>> -> memref<32x1x16xi32, #tpu.memory_space<hbm>>
    %dma_start3A_14 = arith.constant 0 : i32
    %dma_start3A_15 = arith.constant 0 : i32
    %dma_start3A_16 = tpu.memref_slice %arg6[%dma_start3A_14, %mul3A_3, %dma_start3A_15] : memref<32x64x16xi32, #tpu.memory_space<hbm>> -> memref<32x1x16xi32, #tpu.memory_space<hbm>>
    tpu.enqueue_dma source(%dma_start3A_16 : memref<32x1x16xi32, #tpu.memory_space<hbm>>) target(%arg9 : memref<32x1x16xi32, #tpu.memory_space<vmem>>) target_semaphore(%arg20 : memref<!tpu.dma_semaphore, #tpu.memory_space<semaphore_mem>>)
    %dma_start3A_17 = arith.constant 0 : i32
    %dma_start3A_18 = tpu.memref_slice %arg3[%mul3A_3, %dma_start3A_17] : memref<64x512xf32, #tpu.memory_space<hbm>> -> memref<1x512xf32, #tpu.memory_space<hbm>>
    %dma_start3A_19 = arith.constant 0 : i32
    %dma_start3A_20 = tpu.memref_slice %arg3[%mul3A_3, %dma_start3A_19] : memref<64x512xf32, #tpu.memory_space<hbm>> -> memref<1x512xf32, #tpu.memory_space<hbm>>
    tpu.enqueue_dma source(%dma_start3A_20 : memref<1x512xf32, #tpu.memory_space<hbm>>) target(%arg10 : memref<1x512xf32, #tpu.memory_space<vmem>>) target_semaphore(%arg20 : memref<!tpu.dma_semaphore, #tpu.memory_space<semaphore_mem>>)
    %dma_start3A_21 = arith.constant 0 : i32
    %dma_start3A_22 = tpu.memref_slice %arg4[%mul3A_3, %dma_start3A_21] : memref<64x128xf32, #tpu.memory_space<hbm>> -> memref<1x128xf32, #tpu.memory_space<hbm>>
    %dma_start3A_23 = arith.constant 0 : i32
    %dma_start3A_24 = tpu.memref_slice %arg4[%mul3A_3, %dma_start3A_23] : memref<64x128xf32, #tpu.memory_space<hbm>> -> memref<1x128xf32, #tpu.memory_space<hbm>>
    tpu.enqueue_dma source(%dma_start3A_24 : memref<1x128xf32, #tpu.memory_space<hbm>>) target(%arg11 : memref<1x128xf32, #tpu.memory_space<vmem>>) target_semaphore(%arg20 : memref<!tpu.dma_semaphore, #tpu.memory_space<semaphore_mem>>)
    %dma_start3A_25 = arith.constant 0 : i32
    %dma_start3A_26 = arith.constant 0 : i32
    %dma_start3A_27 = tpu.memref_slice %arg5[%dma_start3A_25, %add3A_5, %dma_start3A_26] : memref<32x64x16xf32, #tpu.memory_space<hbm>> -> memref<32x1x16xf32, #tpu.memory_space<hbm>>
    %dma_start3A_28 = arith.constant 0 : i32
    %dma_start3A_29 = arith.constant 0 : i32
    %dma_start3A_30 = tpu.memref_slice %arg5[%dma_start3A_28, %add3A_5, %dma_start3A_29] : memref<32x64x16xf32, #tpu.memory_space<hbm>> -> memref<32x1x16xf32, #tpu.memory_space<hbm>>
    tpu.enqueue_dma source(%dma_start3A_30 : memref<32x1x16xf32, #tpu.memory_space<hbm>>) target(%arg12 : memref<32x1x16xf32, #tpu.memory_space<vmem>>) target_semaphore(%arg21 : memref<!tpu.dma_semaphore, #tpu.memory_space<semaphore_mem>>)
    %dma_start3A_31 = arith.constant 0 : i32
    %dma_start3A_32 = arith.constant 0 : i32
    %dma_start3A_33 = tpu.memref_slice %arg6[%dma_start3A_31, %add3A_5, %dma_start3A_32] : memref<32x64x16xi32, #tpu.memory_space<hbm>> -> memref<32x1x16xi32, #tpu.memory_space<hbm>>
    %dma_start3A_34 = arith.constant 0 : i32
    %dma_start3A_35 = arith.constant 0 : i32
    %dma_start3A_36 = tpu.memref_slice %arg6[%dma_start3A_34, %add3A_5, %dma_start3A_35] : memref<32x64x16xi32, #tpu.memory_space<hbm>> -> memref<32x1x16xi32, #tpu.memory_space<hbm>>
    tpu.enqueue_dma source(%dma_start3A_36 : memref<32x1x16xi32, #tpu.memory_space<hbm>>) target(%arg13 : memref<32x1x16xi32, #tpu.memory_space<vmem>>) target_semaphore(%arg21 : memref<!tpu.dma_semaphore, #tpu.memory_space<semaphore_mem>>)
    %dma_start3A_37 = arith.constant 0 : i32
    %dma_start3A_38 = tpu.memref_slice %arg3[%add3A_5, %dma_start3A_37] : memref<64x512xf32, #tpu.memory_space<hbm>> -> memref<1x512xf32, #tpu.memory_space<hbm>>
    %dma_start3A_39 = arith.constant 0 : i32
    %dma_start3A_40 = tpu.memref_slice %arg3[%add3A_5, %dma_start3A_39] : memref<64x512xf32, #tpu.memory_space<hbm>> -> memref<1x512xf32, #tpu.memory_space<hbm>>
    tpu.enqueue_dma source(%dma_start3A_40 : memref<1x512xf32, #tpu.memory_space<hbm>>) target(%arg14 : memref<1x512xf32, #tpu.memory_space<vmem>>) target_semaphore(%arg21 : memref<!tpu.dma_semaphore, #tpu.memory_space<semaphore_mem>>)
    %dma_start3A_41 = arith.constant 0 : i32
    %dma_start3A_42 = tpu.memref_slice %arg4[%add3A_5, %dma_start3A_41] : memref<64x128xf32, #tpu.memory_space<hbm>> -> memref<1x128xf32, #tpu.memory_space<hbm>>
    %dma_start3A_43 = arith.constant 0 : i32
    %dma_start3A_44 = tpu.memref_slice %arg4[%add3A_5, %dma_start3A_43] : memref<64x128xf32, #tpu.memory_space<hbm>> -> memref<1x128xf32, #tpu.memory_space<hbm>>
    tpu.enqueue_dma source(%dma_start3A_44 : memref<1x128xf32, #tpu.memory_space<hbm>>) target(%arg15 : memref<1x128xf32, #tpu.memory_space<vmem>>) target_semaphore(%arg21 : memref<!tpu.dma_semaphore, #tpu.memory_space<semaphore_mem>>)
    %dma_wait3A = arith.constant 0 : i32
    %dma_wait3A_45 = arith.constant 0 : i32
    %dma_wait3A_46 = tpu.memref_slice %arg5[%dma_wait3A, %mul3A_3, %dma_wait3A_45] : memref<32x64x16xf32, #tpu.memory_space<hbm>> -> memref<32x1x16xf32, #tpu.memory_space<hbm>>
    %dma_wait3A_47 = arith.constant 0 : i32
    %dma_wait3A_48 = arith.constant 0 : i32
    %dma_wait3A_49 = tpu.memref_slice %arg5[%dma_wait3A_47, %mul3A_3, %dma_wait3A_48] : memref<32x64x16xf32, #tpu.memory_space<hbm>> -> memref<32x1x16xf32, #tpu.memory_space<hbm>>
    tpu.wait_dma2 semaphore(%arg20 : memref<!tpu.dma_semaphore, #tpu.memory_space<semaphore_mem>>) src(%dma_wait3A_49 : memref<32x1x16xf32, #tpu.memory_space<hbm>>) dst(%arg8 : memref<32x1x16xf32, #tpu.memory_space<vmem>>)
    %dma_wait3A_50 = arith.constant 0 : i32
    %dma_wait3A_51 = arith.constant 0 : i32
    %dma_wait3A_52 = tpu.memref_slice %arg6[%dma_wait3A_50, %mul3A_3, %dma_wait3A_51] : memref<32x64x16xi32, #tpu.memory_space<hbm>> -> memref<32x1x16xi32, #tpu.memory_space<hbm>>
    %dma_wait3A_53 = arith.constant 0 : i32
    %dma_wait3A_54 = arith.constant 0 : i32
    %dma_wait3A_55 = tpu.memref_slice %arg6[%dma_wait3A_53, %mul3A_3, %dma_wait3A_54] : memref<32x64x16xi32, #tpu.memory_space<hbm>> -> memref<32x1x16xi32, #tpu.memory_space<hbm>>
    tpu.wait_dma2 semaphore(%arg20 : memref<!tpu.dma_semaphore, #tpu.memory_space<semaphore_mem>>) src(%dma_wait3A_55 : memref<32x1x16xi32, #tpu.memory_space<hbm>>) dst(%arg9 : memref<32x1x16xi32, #tpu.memory_space<vmem>>)
    %dma_wait3A_56 = arith.constant 0 : i32
    %dma_wait3A_57 = tpu.memref_slice %arg3[%mul3A_3, %dma_wait3A_56] : memref<64x512xf32, #tpu.memory_space<hbm>> -> memref<1x512xf32, #tpu.memory_space<hbm>>
    %dma_wait3A_58 = arith.constant 0 : i32
    %dma_wait3A_59 = tpu.memref_slice %arg3[%mul3A_3, %dma_wait3A_58] : memref<64x512xf32, #tpu.memory_space<hbm>> -> memref<1x512xf32, #tpu.memory_space<hbm>>
    tpu.wait_dma2 semaphore(%arg20 : memref<!tpu.dma_semaphore, #tpu.memory_space<semaphore_mem>>) src(%dma_wait3A_59 : memref<1x512xf32, #tpu.memory_space<hbm>>) dst(%arg10 : memref<1x512xf32, #tpu.memory_space<vmem>>)
    %dma_wait3A_60 = arith.constant 0 : i32
    %dma_wait3A_61 = tpu.memref_slice %arg4[%mul3A_3, %dma_wait3A_60] : memref<64x128xf32, #tpu.memory_space<hbm>> -> memref<1x128xf32, #tpu.memory_space<hbm>>
    %dma_wait3A_62 = arith.constant 0 : i32
    %dma_wait3A_63 = tpu.memref_slice %arg4[%mul3A_3, %dma_wait3A_62] : memref<64x128xf32, #tpu.memory_space<hbm>> -> memref<1x128xf32, #tpu.memory_space<hbm>>
    tpu.wait_dma2 semaphore(%arg20 : memref<!tpu.dma_semaphore, #tpu.memory_space<semaphore_mem>>) src(%dma_wait3A_63 : memref<1x128xf32, #tpu.memory_space<hbm>>) dst(%arg11 : memref<1x128xf32, #tpu.memory_space<vmem>>)
    %scan3A = arith.constant -3.000000e+38 : f32
    %scan3A_64 = arith.constant -3.000000e+38 : f32
    %scan3A_65 = arith.constant -3.000000e+38 : f32
    %scan3A_66 = arith.constant 0 : i32
    %scan3A_67 = arith.constant 0 : i32
    %scan3A_68 = arith.constant 0 : i32
    %scan3A_69 = arith.constant 0 : i32
    %scan3A_70 = arith.constant 32 : i32
    %scan3A_71 = arith.addi %scan3A_69, %scan3A_70 : i32
    %scan3A_72 = arith.constant 1 : i32
    %scan3A_73:6 = scf.for %scan3A_230 = %scan3A_69 to %scan3A_71 step %scan3A_72 iter_args(%scan3A_231 = %scan3A, %scan3A_232 = %scan3A_64, %scan3A_233 = %scan3A_65, %scan3A_234 = %scan3A_66, %scan3A_235 = %scan3A_67, %scan3A_236 = %scan3A_68) -> (f32, f32, f32, i32, i32, i32)  : i32 {
      %get3A_237 = arith.constant 0 : i32
      %get3A_238 = arith.index_cast %scan3A_230 : i32 to index
      %get3A_239 = arith.index_cast %get3A_237 : i32 to index
      %get3A_240 = arith.constant 0 : index
      %get3A_241 = tpu.vector_load %arg8[%get3A_238, %get3A_239, %get3A_240] {strides = array<i32>} : memref<32x1x16xf32, #tpu.memory_space<vmem>>, vector<16xf32>,
      %get3A_242 = arith.constant 0 : i32
      %get3A_243 = arith.index_cast %scan3A_230 : i32 to index
      %get3A_244 = arith.index_cast %get3A_242 : i32 to index
      %get3A_245 = arith.constant 0 : index
      %get3A_246 = tpu.vector_load %arg9[%get3A_243, %get3A_244, %get3A_245] {strides = array<i32>} : memref<32x1x16xi32, #tpu.memory_space<vmem>>, vector<16xi32>,
      %slice3A = vector.extract_strided_slice %get3A_241 {offsets = [0], sizes = [1], strides = [1]} : vector<16xf32> to vector<1xf32>
      %squeeze3A = vector.extract %slice3A[0] : f32 from vector<1xf32>
      %slice3A_247 = vector.extract_strided_slice %get3A_246 {offsets = [0], sizes = [1], strides = [1]} : vector<16xi32> to vector<1xi32>
      %squeeze3A_248 = vector.extract %slice3A_247[0] : i32 from vector<1xi32>
      %gt3A_249 = arith.cmpf ogt, %squeeze3A, %scan3A_231 : f32
      %gt3A_250 = arith.cmpf ogt, %squeeze3A, %scan3A_232 : f32
      %gt3A_251 = arith.cmpf ogt, %squeeze3A, %scan3A_233 : f32
      %select_n3A_252 = arith.select %gt3A_249, %squeeze3A, %scan3A_231 : f32
      %select_n3A_253 = arith.select %gt3A_249, %squeeze3A_248, %scan3A_234 : i32
      %select_n3A_254 = arith.select %gt3A_250, %squeeze3A, %scan3A_232 : f32
      %select_n3A_255 = arith.select %gt3A_249, %scan3A_231, %select_n3A_254 : f32
      %select_n3A_256 = arith.select %gt3A_250, %squeeze3A_248, %scan3A_235 : i32
      %select_n3A_257 = arith.select %gt3A_249, %scan3A_234, %select_n3A_256 : i32
      %select_n3A_258 = arith.select %gt3A_251, %squeeze3A, %scan3A_233 : f32
      %select_n3A_259 = arith.select %gt3A_250, %scan3A_232, %select_n3A_258 : f32
      %select_n3A_260 = arith.select %gt3A_251, %squeeze3A_248, %scan3A_236 : i32
      %select_n3A_261 = arith.select %gt3A_250, %scan3A_235, %select_n3A_260 : i32
      %slice3A_262 = vector.extract_strided_slice %get3A_241 {offsets = [1], sizes = [1], strides = [1]} : vector<16xf32> to vector<1xf32>
      %squeeze3A_263 = vector.extract %slice3A_262[0] : f32 from vector<1xf32>
      %slice3A_264 = vector.extract_strided_slice %get3A_246 {offsets = [1], sizes = [1], strides = [1]} : vector<16xi32> to vector<1xi32>
      %squeeze3A_265 = vector.extract %slice3A_264[0] : i32 from vector<1xi32>
      %gt3A_266 = arith.cmpf ogt, %squeeze3A_263, %select_n3A_252 : f32
      %gt3A_267 = arith.cmpf ogt, %squeeze3A_263, %select_n3A_255 : f32
      %gt3A_268 = arith.cmpf ogt, %squeeze3A_263, %select_n3A_259 : f32
      %select_n3A_269 = arith.select %gt3A_266, %squeeze3A_263, %select_n3A_252 : f32
      %select_n3A_270 = arith.select %gt3A_266, %squeeze3A_265, %select_n3A_253 : i32
      %select_n3A_271 = arith.select %gt3A_267, %squeeze3A_263, %select_n3A_255 : f32
      %select_n3A_272 = arith.select %gt3A_266, %select_n3A_252, %select_n3A_271 : f32
      %select_n3A_273 = arith.select %gt3A_267, %squeeze3A_265, %select_n3A_257 : i32
      %select_n3A_274 = arith.select %gt3A_266, %select_n3A_253, %select_n3A_273 : i32
      %select_n3A_275 = arith.select %gt3A_268, %squeeze3A_263, %select_n3A_259 : f32
      %select_n3A_276 = arith.select %gt3A_267, %select_n3A_255, %select_n3A_275 : f32
      %select_n3A_277 = arith.select %gt3A_268, %squeeze3A_265, %select_n3A_261 : i32
      %select_n3A_278 = arith.select %gt3A_267, %select_n3A_257, %select_n3A_277 : i32
      %slice3A_279 = vector.extract_strided_slice %get3A_241 {offsets = [2], sizes = [1], strides = [1]} : vector<16xf32> to vector<1xf32>
      %squeeze3A_280 = vector.extract %slice3A_279[0] : f32 from vector<1xf32>
      %slice3A_281 = vector.extract_strided_slice %get3A_246 {offsets = [2], sizes = [1], strides = [1]} : vector<16xi32> to vector<1xi32>
      %squeeze3A_282 = vector.extract %slice3A_281[0] : i32 from vector<1xi32>
      %gt3A_283 = arith.cmpf ogt, %squeeze3A_280, %select_n3A_269 : f32
      %gt3A_284 = arith.cmpf ogt, %squeeze3A_280, %select_n3A_272 : f32
      %gt3A_285 = arith.cmpf ogt, %squeeze3A_280, %select_n3A_276 : f32
      %select_n3A_286 = arith.select %gt3A_283, %squeeze3A_280, %select_n3A_269 : f32
      %select_n3A_287 = arith.select %gt3A_283, %squeeze3A_282, %select_n3A_270 : i32
      %select_n3A_288 = arith.select %gt3A_284, %squeeze3A_280, %select_n3A_272 : f32
      %select_n3A_289 = arith.select %gt3A_283, %select_n3A_269, %select_n3A_288 : f32
      %select_n3A_290 = arith.select %gt3A_284, %squeeze3A_282, %select_n3A_274 : i32
      %select_n3A_291 = arith.select %gt3A_283, %select_n3A_270, %select_n3A_290 : i32
      %select_n3A_292 = arith.select %gt3A_285, %squeeze3A_280, %select_n3A_276 : f32
      %select_n3A_293 = arith.select %gt3A_284, %select_n3A_272, %select_n3A_292 : f32
      %select_n3A_294 = arith.select %gt3A_285, %squeeze3A_282, %select_n3A_278 : i32
      %select_n3A_295 = arith.select %gt3A_284, %select_n3A_274, %select_n3A_294 : i32
      scf.yield %select_n3A_286, %select_n3A_289, %select_n3A_293, %select_n3A_287, %select_n3A_291, %select_n3A_295 : f32, f32, f32, i32, i32, i32
    }
    %scan3A_74 = arith.constant 32 : i32
    %get3A = arith.constant 0 : i32
    %get3A_75 = arith.index_cast %get3A : i32 to index
    %get3A_76 = arith.constant 0 : index
    %get3A_77 = tpu.vector_load %arg11[%get3A_75, %get3A_76] {strides = array<i32>} : memref<1x128xf32, #tpu.memory_space<vmem>>, vector<16xf32>,
    %max3A = arith.constant 1.000000e+00 : f32
    %max3A_78 = vector.broadcast %max3A : f32 to vector<16xf32>
    %max3A_79 = arith.maximumf %get3A_77, %max3A_78 : vector<16xf32>
    %broadcast_in_dim3A_80 = arith.constant 1.000000e+00 : f32
    %broadcast_in_dim3A_81 = vector.broadcast %broadcast_in_dim3A_80 : f32 to vector<16xf32>
    %gt3A = arith.constant 5.000000e-01 : f32
    %gt3A_82 = vector.broadcast %gt3A : f32 to vector<16xf32>
    %gt3A_83 = arith.cmpf ogt, %get3A_77, %gt3A_82 : vector<16xf32>
    %select_n3A = arith.select %gt3A_83, %broadcast_in_dim3A_81, %broadcast_in_dim3A_1 : vector<16xi1>, vector<16xf32>
    %gt3A_84 = arith.constant 1.500000e+00 : f32
    %gt3A_85 = vector.broadcast %gt3A_84 : f32 to vector<16xf32>
    %gt3A_86 = arith.cmpf ogt, %get3A_77, %gt3A_85 : vector<16xf32>
    %select_n3A_87 = arith.select %gt3A_86, %broadcast_in_dim3A_81, %broadcast_in_dim3A_1 : vector<16xi1>, vector<16xf32>
    %gt3A_88 = arith.constant 2.500000e+00 : f32
    %gt3A_89 = vector.broadcast %gt3A_88 : f32 to vector<16xf32>
    %gt3A_90 = arith.cmpf ogt, %get3A_77, %gt3A_89 : vector<16xf32>
    %select_n3A_91 = arith.select %gt3A_90, %broadcast_in_dim3A_81, %broadcast_in_dim3A_1 : vector<16xi1>, vector<16xf32>
    %eq3A = arith.constant 0 : i32
    %eq3A_92 = vector.broadcast %eq3A : i32 to vector<16xi32>
    %eq3A_93 = arith.cmpi eq, %iota3A, %eq3A_92 : vector<16xi32>
    %eq3A_94 = arith.constant 1 : i32
    %eq3A_95 = vector.broadcast %eq3A_94 : i32 to vector<16xi32>
    %eq3A_96 = arith.cmpi eq, %iota3A, %eq3A_95 : vector<16xi32>
    %eq3A_97 = arith.constant 2 : i32
    %eq3A_98 = vector.broadcast %eq3A_97 : i32 to vector<16xi32>
    %eq3A_99 = arith.cmpi eq, %iota3A, %eq3A_98 : vector<16xi32>
    %jit3A = arith.constant 0 : i32
    %broadcast_in_dim3A_100 = vector.broadcast %scan3A_73#5 : i32 to vector<16xi32>
    %broadcast_in_dim3A_101 = vector.broadcast %jit3A : i32 to vector<16xi32>
    %select_n3A_102 = arith.select %eq3A_99, %broadcast_in_dim3A_100, %broadcast_in_dim3A_101 : vector<16xi1>, vector<16xi32>
    %broadcast_in_dim3A_103 = vector.broadcast %scan3A_73#4 : i32 to vector<16xi32>
    %select_n3A_104 = arith.select %eq3A_96, %broadcast_in_dim3A_103, %select_n3A_102 : vector<16xi1>, vector<16xi32>
    %broadcast_in_dim3A_105 = vector.broadcast %scan3A_73#3 : i32 to vector<16xi32>
    %select_n3A_106 = arith.select %eq3A_93, %broadcast_in_dim3A_105, %select_n3A_104 : vector<16xi1>, vector<16xi32>
    %swap3A = arith.constant 0 : index
    %swap3A_107 = tpu.vector_load %arg16[%swap3A] {strides = array<i32>} : memref<16xi32, #tpu.memory_space<vmem>>, vector<16xi32>,
    tpu.vector_store %arg16[%swap3A], %select_n3A_106 {strides = array<i32>} : memref<16xi32, #tpu.memory_space<vmem>>, vector<16xi32>,
    %dma_start3A_108 = arith.constant 0 : i32
    %dma_start3A_109 = arith.constant 0 : i32
    %dma_start3A_110 = tpu.memref_slice %arg2[%dma_start3A_108, %dma_start3A_109] : memref<50000x512xf32, #tpu.memory_space<hbm>> -> memref<50000x512xf32, #tpu.memory_space<hbm>>
    tpu.enqueue_indirect_dma source(%dma_start3A_110 : memref<50000x512xf32, #tpu.memory_space<hbm>>) target(%arg17 : memref<16x512xf32, #tpu.memory_space<vmem>>) offsets(%arg16 : memref<16xi32, #tpu.memory_space<vmem>>) semaphore(%arg22 : memref<!tpu.dma_semaphore, #tpu.memory_space<semaphore_mem>>)
    %dma_wait3A_111 = arith.constant 0 : i32
    %dma_wait3A_112 = arith.constant 0 : i32
    %dma_wait3A_113 = tpu.memref_slice %arg2[%dma_wait3A_111, %dma_wait3A_112] : memref<50000x512xf32, #tpu.memory_space<hbm>> -> memref<50000x512xf32, #tpu.memory_space<hbm>>
    tpu.wait_indirect_dma semaphore(%arg22 : memref<!tpu.dma_semaphore, #tpu.memory_space<semaphore_mem>>) src(%dma_wait3A_113 : memref<50000x512xf32, #tpu.memory_space<hbm>>) dst(%arg17 : memref<16x512xf32, #tpu.memory_space<vmem>>)
    %scan3A_114 = arith.constant 0 : i32
    %scan3A_115 = arith.constant 0 : i32
    %scan3A_116 = arith.constant 8 : i32
    %scan3A_117 = arith.addi %scan3A_115, %scan3A_116 : i32
    %scan3A_118 = arith.constant 1 : i32
    %scan3A_119 = scf.for %scan3A_230 = %scan3A_115 to %scan3A_117 step %scan3A_118 iter_args(%scan3A_231 = %scan3A_114) -> (i32)  : i32 {
      %mul3A_232 = arith.constant 64 : i32
      %mul3A_233 = arith.muli %scan3A_230, %mul3A_232 : i32
      %add3A_234 = arith.constant 0 : i32
      %add3A_235 = arith.addi %mul3A_233, %add3A_234 : i32
      %multiple_of3A = tpu.assume_multiple %add3A_235, 16 : i32
      %mul3A_236 = arith.constant 64 : i32
      %mul3A_237 = arith.muli %scan3A_230, %mul3A_236 : i32
      %add3A_238 = arith.constant 16 : i32
      %add3A_239 = arith.addi %mul3A_237, %add3A_238 : i32
      %multiple_of3A_240 = tpu.assume_multiple %add3A_239, 16 : i32
      %mul3A_241 = arith.constant 64 : i32
      %mul3A_242 = arith.muli %scan3A_230, %mul3A_241 : i32
      %add3A_243 = arith.constant 32 : i32
      %add3A_244 = arith.addi %mul3A_242, %add3A_243 : i32
      %multiple_of3A_245 = tpu.assume_multiple %add3A_244, 16 : i32
      %mul3A_246 = arith.constant 64 : i32
      %mul3A_247 = arith.muli %scan3A_230, %mul3A_246 : i32
      %add3A_248 = arith.constant 48 : i32
      %add3A_249 = arith.addi %mul3A_247, %add3A_248 : i32
      %multiple_of3A_250 = tpu.assume_multiple %add3A_249, 16 : i32
      %get3A_251 = arith.constant 0 : i32
      %get3A_252 = arith.index_cast %get3A_251 : i32 to index
      %get3A_253 = arith.index_cast %multiple_of3A : i32 to index
      %get3A_254 = tpu.vector_load %arg10[%get3A_252, %get3A_253] {strides = array<i32>} : memref<1x512xf32, #tpu.memory_space<vmem>>, vector<16xf32>,
      %div3A = arith.divf %get3A_254, %max3A_79 : vector<16xf32>
      %swap3A_255 = arith.index_cast %multiple_of3A : i32 to index
      %swap3A_256 = tpu.vector_load %arg18[%swap3A_255] {strides = array<i32>} : memref<2560xf32, #tpu.memory_space<vmem>>, vector<16xf32>,
      tpu.vector_store %arg18[%swap3A_255], %div3A {strides = array<i32>} : memref<2560xf32, #tpu.memory_space<vmem>>, vector<16xf32>,
      %add3A_257 = arith.constant 512 : i32
      %add3A_258 = arith.addi %add3A_257, %multiple_of3A : i32
      %swap3A_259 = arith.index_cast %add3A_258 : i32 to index
      %swap3A_260 = tpu.vector_load %arg18[%swap3A_259] {strides = array<i32>} : memref<2560xf32, #tpu.memory_space<vmem>>, vector<16xf32>,
      tpu.vector_store %arg18[%swap3A_259], %get3A_254 {strides = array<i32>} : memref<2560xf32, #tpu.memory_space<vmem>>, vector<16xf32>,
      %get3A_261 = arith.constant 0 : i32
      %get3A_262 = arith.index_cast %get3A_261 : i32 to index
      %get3A_263 = arith.index_cast %multiple_of3A : i32 to index
      %get3A_264 = tpu.vector_load %arg17[%get3A_262, %get3A_263] {strides = array<i32>} : memref<16x512xf32, #tpu.memory_space<vmem>>, vector<16xf32>,
      %mul3A_265 = arith.mulf %get3A_264, %select_n3A : vector<16xf32>
      %add3A_266 = arith.constant 1024 : i32
      %add3A_267 = arith.addi %add3A_266, %multiple_of3A : i32
      %swap3A_268 = arith.index_cast %add3A_267 : i32 to index
      %swap3A_269 = tpu.vector_load %arg18[%swap3A_268] {strides = array<i32>} : memref<2560xf32, #tpu.memory_space<vmem>>, vector<16xf32>,
      tpu.vector_store %arg18[%swap3A_268], %mul3A_265 {strides = array<i32>} : memref<2560xf32, #tpu.memory_space<vmem>>, vector<16xf32>,
      %get3A_270 = arith.constant 1 : i32
      %get3A_271 = arith.index_cast %get3A_270 : i32 to index
      %get3A_272 = arith.index_cast %multiple_of3A : i32 to index
      %get3A_273 = tpu.vector_load %arg17[%get3A_271, %get3A_272] {strides = array<i32>} : memref<16x512xf32, #tpu.memory_space<vmem>>, vector<16xf32>,
      %mul3A_274 = arith.mulf %get3A_273, %select_n3A_87 : vector<16xf32>
      %add3A_275 = arith.constant 1536 : i32
      %add3A_276 = arith.addi %add3A_275, %multiple_of3A : i32
      %swap3A_277 = arith.index_cast %add3A_276 : i32 to index
      %swap3A_278 = tpu.vector_load %arg18[%swap3A_277] {strides = array<i32>} : memref<2560xf32, #tpu.memory_space<vmem>>, vector<16xf32>,
      tpu.vector_store %arg18[%swap3A_277], %mul3A_274 {strides = array<i32>} : memref<2560xf32, #tpu.memory_space<vmem>>, vector<16xf32>,
      %get3A_279 = arith.constant 2 : i32
      %get3A_280 = arith.index_cast %get3A_279 : i32 to index
      %get3A_281 = arith.index_cast %multiple_of3A : i32 to index
      %get3A_282 = tpu.vector_load %arg17[%get3A_280, %get3A_281] {strides = array<i32>} : memref<16x512xf32, #tpu.memory_space<vmem>>, vector<16xf32>,
      %mul3A_283 = arith.mulf %get3A_282, %select_n3A_91 : vector<16xf32>
      %add3A_284 = arith.constant 2048 : i32
      %add3A_285 = arith.addi %add3A_284, %multiple_of3A : i32
      %swap3A_286 = arith.index_cast %add3A_285 : i32 to index
      %swap3A_287 = tpu.vector_load %arg18[%swap3A_286] {strides = array<i32>} : memref<2560xf32, #tpu.memory_space<vmem>>, vector<16xf32>,
      tpu.vector_store %arg18[%swap3A_286], %mul3A_283 {strides = array<i32>} : memref<2560xf32, #tpu.memory_space<vmem>>, vector<16xf32>,
      %get3A_288 = arith.constant 0 : i32
      %get3A_289 = arith.index_cast %get3A_288 : i32 to index
      %get3A_290 = arith.index_cast %multiple_of3A_240 : i32 to index
      %get3A_291 = tpu.vector_load %arg10[%get3A_289, %get3A_290] {strides = array<i32>} : memref<1x512xf32, #tpu.memory_space<vmem>>, vector<16xf32>,
      %div3A_292 = arith.divf %get3A_291, %max3A_79 : vector<16xf32>
      %swap3A_293 = arith.index_cast %multiple_of3A_240 : i32 to index
      %swap3A_294 = tpu.vector_load %arg18[%swap3A_293] {strides = array<i32>} : memref<2560xf32, #tpu.memory_space<vmem>>, vector<16xf32>,
      tpu.vector_store %arg18[%swap3A_293], %div3A_292 {strides = array<i32>} : memref<2560xf32, #tpu.memory_space<vmem>>, vector<16xf32>,
      %add3A_295 = arith.constant 512 : i32
      %add3A_296 = arith.addi %add3A_295, %multiple_of3A_240 : i32
      %swap3A_297 = arith.index_cast %add3A_296 : i32 to index
      %swap3A_298 = tpu.vector_load %arg18[%swap3A_297] {strides = array<i32>} : memref<2560xf32, #tpu.memory_space<vmem>>, vector<16xf32>,
      tpu.vector_store %arg18[%swap3A_297], %get3A_291 {strides = array<i32>} : memref<2560xf32, #tpu.memory_space<vmem>>, vector<16xf32>,
      %get3A_299 = arith.constant 0 : i32
      %get3A_300 = arith.index_cast %get3A_299 : i32 to index
      %get3A_301 = arith.index_cast %multiple_of3A_240 : i32 to index
      %get3A_302 = tpu.vector_load %arg17[%get3A_300, %get3A_301] {strides = array<i32>} : memref<16x512xf32, #tpu.memory_space<vmem>>, vector<16xf32>,
      %mul3A_303 = arith.mulf %get3A_302, %select_n3A : vector<16xf32>
      %add3A_304 = arith.constant 1024 : i32
      %add3A_305 = arith.addi %add3A_304, %multiple_of3A_240 : i32
      %swap3A_306 = arith.index_cast %add3A_305 : i32 to index
      %swap3A_307 = tpu.vector_load %arg18[%swap3A_306] {strides = array<i32>} : memref<2560xf32, #tpu.memory_space<vmem>>, vector<16xf32>,
      tpu.vector_store %arg18[%swap3A_306], %mul3A_303 {strides = array<i32>} : memref<2560xf32, #tpu.memory_space<vmem>>, vector<16xf32>,
      %get3A_308 = arith.constant 1 : i32
      %get3A_309 = arith.index_cast %get3A_308 : i32 to index
      %get3A_310 = arith.index_cast %multiple_of3A_240 : i32 to index
      %get3A_311 = tpu.vector_load %arg17[%get3A_309, %get3A_310] {strides = array<i32>} : memref<16x512xf32, #tpu.memory_space<vmem>>, vector<16xf32>,
      %mul3A_312 = arith.mulf %get3A_311, %select_n3A_87 : vector<16xf32>
      %add3A_313 = arith.constant 1536 : i32
      %add3A_314 = arith.addi %add3A_313, %multiple_of3A_240 : i32
      %swap3A_315 = arith.index_cast %add3A_314 : i32 to index
      %swap3A_316 = tpu.vector_load %arg18[%swap3A_315] {strides = array<i32>} : memref<2560xf32, #tpu.memory_space<vmem>>, vector<16xf32>,
      tpu.vector_store %arg18[%swap3A_315], %mul3A_312 {strides = array<i32>} : memref<2560xf32, #tpu.memory_space<vmem>>, vector<16xf32>,
      %get3A_317 = arith.constant 2 : i32
      %get3A_318 = arith.index_cast %get3A_317 : i32 to index
      %get3A_319 = arith.index_cast %multiple_of3A_240 : i32 to index
      %get3A_320 = tpu.vector_load %arg17[%get3A_318, %get3A_319] {strides = array<i32>} : memref<16x512xf32, #tpu.memory_space<vmem>>, vector<16xf32>,
      %mul3A_321 = arith.mulf %get3A_320, %select_n3A_91 : vector<16xf32>
      %add3A_322 = arith.constant 2048 : i32
      %add3A_323 = arith.addi %add3A_322, %multiple_of3A_240 : i32
      %swap3A_324 = arith.index_cast %add3A_323 : i32 to index
      %swap3A_325 = tpu.vector_load %arg18[%swap3A_324] {strides = array<i32>} : memref<2560xf32, #tpu.memory_space<vmem>>, vector<16xf32>,
      tpu.vector_store %arg18[%swap3A_324], %mul3A_321 {strides = array<i32>} : memref<2560xf32, #tpu.memory_space<vmem>>, vector<16xf32>,
      %get3A_326 = arith.constant 0 : i32
      %get3A_327 = arith.index_cast %get3A_326 : i32 to index
      %get3A_328 = arith.index_cast %multiple_of3A_245 : i32 to index
      %get3A_329 = tpu.vector_load %arg10[%get3A_327, %get3A_328] {strides = array<i32>} : memref<1x512xf32, #tpu.memory_space<vmem>>, vector<16xf32>,
      %div3A_330 = arith.divf %get3A_329, %max3A_79 : vector<16xf32>
      %swap3A_331 = arith.index_cast %multiple_of3A_245 : i32 to index
      %swap3A_332 = tpu.vector_load %arg18[%swap3A_331] {strides = array<i32>} : memref<2560xf32, #tpu.memory_space<vmem>>, vector<16xf32>,
      tpu.vector_store %arg18[%swap3A_331], %div3A_330 {strides = array<i32>} : memref<2560xf32, #tpu.memory_space<vmem>>, vector<16xf32>,
      %add3A_333 = arith.constant 512 : i32
      %add3A_334 = arith.addi %add3A_333, %multiple_of3A_245 : i32
      %swap3A_335 = arith.index_cast %add3A_334 : i32 to index
      %swap3A_336 = tpu.vector_load %arg18[%swap3A_335] {strides = array<i32>} : memref<2560xf32, #tpu.memory_space<vmem>>, vector<16xf32>,
      tpu.vector_store %arg18[%swap3A_335], %get3A_329 {strides = array<i32>} : memref<2560xf32, #tpu.memory_space<vmem>>, vector<16xf32>,
      %get3A_337 = arith.constant 0 : i32
      %get3A_338 = arith.index_cast %get3A_337 : i32 to index
      %get3A_339 = arith.index_cast %multiple_of3A_245 : i32 to index
      %get3A_340 = tpu.vector_load %arg17[%get3A_338, %get3A_339] {strides = array<i32>} : memref<16x512xf32, #tpu.memory_space<vmem>>, vector<16xf32>,
      %mul3A_341 = arith.mulf %get3A_340, %select_n3A : vector<16xf32>
      %add3A_342 = arith.constant 1024 : i32
      %add3A_343 = arith.addi %add3A_342, %multiple_of3A_245 : i32
      %swap3A_344 = arith.index_cast %add3A_343 : i32 to index
      %swap3A_345 = tpu.vector_load %arg18[%swap3A_344] {strides = array<i32>} : memref<2560xf32, #tpu.memory_space<vmem>>, vector<16xf32>,
      tpu.vector_store %arg18[%swap3A_344], %mul3A_341 {strides = array<i32>} : memref<2560xf32, #tpu.memory_space<vmem>>, vector<16xf32>,
      %get3A_346 = arith.constant 1 : i32
      %get3A_347 = arith.index_cast %get3A_346 : i32 to index
      %get3A_348 = arith.index_cast %multiple_of3A_245 : i32 to index
      %get3A_349 = tpu.vector_load %arg17[%get3A_347, %get3A_348] {strides = array<i32>} : memref<16x512xf32, #tpu.memory_space<vmem>>, vector<16xf32>,
      %mul3A_350 = arith.mulf %get3A_349, %select_n3A_87 : vector<16xf32>
      %add3A_351 = arith.constant 1536 : i32
      %add3A_352 = arith.addi %add3A_351, %multiple_of3A_245 : i32
      %swap3A_353 = arith.index_cast %add3A_352 : i32 to index
      %swap3A_354 = tpu.vector_load %arg18[%swap3A_353] {strides = array<i32>} : memref<2560xf32, #tpu.memory_space<vmem>>, vector<16xf32>,
      tpu.vector_store %arg18[%swap3A_353], %mul3A_350 {strides = array<i32>} : memref<2560xf32, #tpu.memory_space<vmem>>, vector<16xf32>,
      %get3A_355 = arith.constant 2 : i32
      %get3A_356 = arith.index_cast %get3A_355 : i32 to index
      %get3A_357 = arith.index_cast %multiple_of3A_245 : i32 to index
      %get3A_358 = tpu.vector_load %arg17[%get3A_356, %get3A_357] {strides = array<i32>} : memref<16x512xf32, #tpu.memory_space<vmem>>, vector<16xf32>,
      %mul3A_359 = arith.mulf %get3A_358, %select_n3A_91 : vector<16xf32>
      %add3A_360 = arith.constant 2048 : i32
      %add3A_361 = arith.addi %add3A_360, %multiple_of3A_245 : i32
      %swap3A_362 = arith.index_cast %add3A_361 : i32 to index
      %swap3A_363 = tpu.vector_load %arg18[%swap3A_362] {strides = array<i32>} : memref<2560xf32, #tpu.memory_space<vmem>>, vector<16xf32>,
      tpu.vector_store %arg18[%swap3A_362], %mul3A_359 {strides = array<i32>} : memref<2560xf32, #tpu.memory_space<vmem>>, vector<16xf32>,
      %get3A_364 = arith.constant 0 : i32
      %get3A_365 = arith.index_cast %get3A_364 : i32 to index
      %get3A_366 = arith.index_cast %multiple_of3A_250 : i32 to index
      %get3A_367 = tpu.vector_load %arg10[%get3A_365, %get3A_366] {strides = array<i32>} : memref<1x512xf32, #tpu.memory_space<vmem>>, vector<16xf32>,
      %div3A_368 = arith.divf %get3A_367, %max3A_79 : vector<16xf32>
      %swap3A_369 = arith.index_cast %multiple_of3A_250 : i32 to index
      %swap3A_370 = tpu.vector_load %arg18[%swap3A_369] {strides = array<i32>} : memref<2560xf32, #tpu.memory_space<vmem>>, vector<16xf32>,
      tpu.vector_store %arg18[%swap3A_369], %div3A_368 {strides = array<i32>} : memref<2560xf32, #tpu.memory_space<vmem>>, vector<16xf32>,
      %add3A_371 = arith.constant 512 : i32
      %add3A_372 = arith.addi %add3A_371, %multiple_of3A_250 : i32
      %swap3A_373 = arith.index_cast %add3A_372 : i32 to index
      %swap3A_374 = tpu.vector_load %arg18[%swap3A_373] {strides = array<i32>} : memref<2560xf32, #tpu.memory_space<vmem>>, vector<16xf32>,
      tpu.vector_store %arg18[%swap3A_373], %get3A_367 {strides = array<i32>} : memref<2560xf32, #tpu.memory_space<vmem>>, vector<16xf32>,
      %get3A_375 = arith.constant 0 : i32
      %get3A_376 = arith.index_cast %get3A_375 : i32 to index
      %get3A_377 = arith.index_cast %multiple_of3A_250 : i32 to index
      %get3A_378 = tpu.vector_load %arg17[%get3A_376, %get3A_377] {strides = array<i32>} : memref<16x512xf32, #tpu.memory_space<vmem>>, vector<16xf32>,
      %mul3A_379 = arith.mulf %get3A_378, %select_n3A : vector<16xf32>
      %add3A_380 = arith.constant 1024 : i32
      %add3A_381 = arith.addi %add3A_380, %multiple_of3A_250 : i32
      %swap3A_382 = arith.index_cast %add3A_381 : i32 to index
      %swap3A_383 = tpu.vector_load %arg18[%swap3A_382] {strides = array<i32>} : memref<2560xf32, #tpu.memory_space<vmem>>, vector<16xf32>,
      tpu.vector_store %arg18[%swap3A_382], %mul3A_379 {strides = array<i32>} : memref<2560xf32, #tpu.memory_space<vmem>>, vector<16xf32>,
      %get3A_384 = arith.constant 1 : i32
      %get3A_385 = arith.index_cast %get3A_384 : i32 to index
      %get3A_386 = arith.index_cast %multiple_of3A_250 : i32 to index
      %get3A_387 = tpu.vector_load %arg17[%get3A_385, %get3A_386] {strides = array<i32>} : memref<16x512xf32, #tpu.memory_space<vmem>>, vector<16xf32>,
      %mul3A_388 = arith.mulf %get3A_387, %select_n3A_87 : vector<16xf32>
      %add3A_389 = arith.constant 1536 : i32
      %add3A_390 = arith.addi %add3A_389, %multiple_of3A_250 : i32
      %swap3A_391 = arith.index_cast %add3A_390 : i32 to index
      %swap3A_392 = tpu.vector_load %arg18[%swap3A_391] {strides = array<i32>} : memref<2560xf32, #tpu.memory_space<vmem>>, vector<16xf32>,
      tpu.vector_store %arg18[%swap3A_391], %mul3A_388 {strides = array<i32>} : memref<2560xf32, #tpu.memory_space<vmem>>, vector<16xf32>,
      %get3A_393 = arith.constant 2 : i32
      %get3A_394 = arith.index_cast %get3A_393 : i32 to index
      %get3A_395 = arith.index_cast %multiple_of3A_250 : i32 to index
      %get3A_396 = tpu.vector_load %arg17[%get3A_394, %get3A_395] {strides = array<i32>} : memref<16x512xf32, #tpu.memory_space<vmem>>, vector<16xf32>,
      %mul3A_397 = arith.mulf %get3A_396, %select_n3A_91 : vector<16xf32>
      %add3A_398 = arith.constant 2048 : i32
      %add3A_399 = arith.addi %add3A_398, %multiple_of3A_250 : i32
      %swap3A_400 = arith.index_cast %add3A_399 : i32 to index
      %swap3A_401 = tpu.vector_load %arg18[%swap3A_400] {strides = array<i32>} : memref<2560xf32, #tpu.memory_space<vmem>>, vector<16xf32>,
      tpu.vector_store %arg18[%swap3A_400], %mul3A_397 {strides = array<i32>} : memref<2560xf32, #tpu.memory_space<vmem>>, vector<16xf32>,
      %scan3A_402 = arith.constant 0 : i32
      scf.yield %scan3A_402 : i32
    }
    %scan3A_120 = arith.constant 8 : i32
    %dma_start3A_121 = arith.constant 0 : i32
    %dma_start3A_122 = tpu.memref_slice %arg7[%mul3A_3, %dma_start3A_121] : memref<64x2560xf32, #tpu.memory_space<hbm>> -> memref<1x2560xf32, #tpu.memory_space<hbm>>
    %dma_start3A_123 = tpu.memref_squeeze %dma_start3A_122 : memref<1x2560xf32, #tpu.memory_space<hbm>> -> memref<2560xf32, #tpu.memory_space<hbm>>
    %dma_start3A_124 = arith.constant 0 : i32
    %dma_start3A_125 = tpu.memref_slice %arg7[%mul3A_3, %dma_start3A_124] : memref<64x2560xf32, #tpu.memory_space<hbm>> -> memref<1x2560xf32, #tpu.memory_space<hbm>>
    %dma_start3A_126 = tpu.memref_squeeze %dma_start3A_125 : memref<1x2560xf32, #tpu.memory_space<hbm>> -> memref<2560xf32, #tpu.memory_space<hbm>>
    tpu.enqueue_dma source(%arg18 : memref<2560xf32, #tpu.memory_space<vmem>>) target(%dma_start3A_126 : memref<2560xf32, #tpu.memory_space<hbm>>) target_semaphore(%arg23 : memref<!tpu.dma_semaphore, #tpu.memory_space<semaphore_mem>>)
    %dma_wait3A_127 = arith.constant 0 : i32
    %dma_wait3A_128 = arith.constant 0 : i32
    %dma_wait3A_129 = tpu.memref_slice %arg5[%dma_wait3A_127, %add3A_5, %dma_wait3A_128] : memref<32x64x16xf32, #tpu.memory_space<hbm>> -> memref<32x1x16xf32, #tpu.memory_space<hbm>>
    %dma_wait3A_130 = arith.constant 0 : i32
    %dma_wait3A_131 = arith.constant 0 : i32
    %dma_wait3A_132 = tpu.memref_slice %arg5[%dma_wait3A_130, %add3A_5, %dma_wait3A_131] : memref<32x64x16xf32, #tpu.memory_space<hbm>> -> memref<32x1x16xf32, #tpu.memory_space<hbm>>
    tpu.wait_dma2 semaphore(%arg21 : memref<!tpu.dma_semaphore, #tpu.memory_space<semaphore_mem>>) src(%dma_wait3A_132 : memref<32x1x16xf32, #tpu.memory_space<hbm>>) dst(%arg12 : memref<32x1x16xf32, #tpu.memory_space<vmem>>)
    %dma_wait3A_133 = arith.constant 0 : i32
    %dma_wait3A_134 = arith.constant 0 : i32
    %dma_wait3A_135 = tpu.memref_slice %arg6[%dma_wait3A_133, %add3A_5, %dma_wait3A_134] : memref<32x64x16xi32, #tpu.memory_space<hbm>> -> memref<32x1x16xi32, #tpu.memory_space<hbm>>
    %dma_wait3A_136 = arith.constant 0 : i32
    %dma_wait3A_137 = arith.constant 0 : i32
    %dma_wait3A_138 = tpu.memref_slice %arg6[%dma_wait3A_136, %add3A_5, %dma_wait3A_137] : memref<32x64x16xi32, #tpu.memory_space<hbm>> -> memref<32x1x16xi32, #tpu.memory_space<hbm>>
    tpu.wait_dma2 semaphore(%arg21 : memref<!tpu.dma_semaphore, #tpu.memory_space<semaphore_mem>>) src(%dma_wait3A_138 : memref<32x1x16xi32, #tpu.memory_space<hbm>>) dst(%arg13 : memref<32x1x16xi32, #tpu.memory_space<vmem>>)
    %dma_wait3A_139 = arith.constant 0 : i32
    %dma_wait3A_140 = tpu.memref_slice %arg3[%add3A_5, %dma_wait3A_139] : memref<64x512xf32, #tpu.memory_space<hbm>> -> memref<1x512xf32, #tpu.memory_space<hbm>>
    %dma_wait3A_141 = arith.constant 0 : i32
    %dma_wait3A_142 = tpu.memref_slice %arg3[%add3A_5, %dma_wait3A_141] : memref<64x512xf32, #tpu.memory_space<hbm>> -> memref<1x512xf32, #tpu.memory_space<hbm>>
    tpu.wait_dma2 semaphore(%arg21 : memref<!tpu.dma_semaphore, #tpu.memory_space<semaphore_mem>>) src(%dma_wait3A_142 : memref<1x512xf32, #tpu.memory_space<hbm>>) dst(%arg14 : memref<1x512xf32, #tpu.memory_space<vmem>>)
    %dma_wait3A_143 = arith.constant 0 : i32
    %dma_wait3A_144 = tpu.memref_slice %arg4[%add3A_5, %dma_wait3A_143] : memref<64x128xf32, #tpu.memory_space<hbm>> -> memref<1x128xf32, #tpu.memory_space<hbm>>
    %dma_wait3A_145 = arith.constant 0 : i32
    %dma_wait3A_146 = tpu.memref_slice %arg4[%add3A_5, %dma_wait3A_145] : memref<64x128xf32, #tpu.memory_space<hbm>> -> memref<1x128xf32, #tpu.memory_space<hbm>>
    tpu.wait_dma2 semaphore(%arg21 : memref<!tpu.dma_semaphore, #tpu.memory_space<semaphore_mem>>) src(%dma_wait3A_146 : memref<1x128xf32, #tpu.memory_space<hbm>>) dst(%arg15 : memref<1x128xf32, #tpu.memory_space<vmem>>)
    %scan3A_147 = arith.constant -3.000000e+38 : f32
    %scan3A_148 = arith.constant -3.000000e+38 : f32
    %scan3A_149 = arith.constant -3.000000e+38 : f32
    %scan3A_150 = arith.constant 0 : i32
    %scan3A_151 = arith.constant 0 : i32
    %scan3A_152 = arith.constant 0 : i32
    %scan3A_153 = arith.constant 0 : i32
    %scan3A_154 = arith.constant 32 : i32
    %scan3A_155 = arith.addi %scan3A_153, %scan3A_154 : i32
    %scan3A_156 = arith.constant 1 : i32
    %scan3A_157:6 = scf.for %scan3A_230 = %scan3A_153 to %scan3A_155 step %scan3A_156 iter_args(%scan3A_231 = %scan3A_147, %scan3A_232 = %scan3A_148, %scan3A_233 = %scan3A_149, %scan3A_234 = %scan3A_150, %scan3A_235 = %scan3A_151, %scan3A_236 = %scan3A_152) -> (f32, f32, f32, i32, i32, i32)  : i32 {
      %get3A_237 = arith.constant 0 : i32
      %get3A_238 = arith.index_cast %scan3A_230 : i32 to index
      %get3A_239 = arith.index_cast %get3A_237 : i32 to index
      %get3A_240 = arith.constant 0 : index
      %get3A_241 = tpu.vector_load %arg12[%get3A_238, %get3A_239, %get3A_240] {strides = array<i32>} : memref<32x1x16xf32, #tpu.memory_space<vmem>>, vector<16xf32>,
      %get3A_242 = arith.constant 0 : i32
      %get3A_243 = arith.index_cast %scan3A_230 : i32 to index
      %get3A_244 = arith.index_cast %get3A_242 : i32 to index
      %get3A_245 = arith.constant 0 : index
      %get3A_246 = tpu.vector_load %arg13[%get3A_243, %get3A_244, %get3A_245] {strides = array<i32>} : memref<32x1x16xi32, #tpu.memory_space<vmem>>, vector<16xi32>,
      %slice3A = vector.extract_strided_slice %get3A_241 {offsets = [0], sizes = [1], strides = [1]} : vector<16xf32> to vector<1xf32>
      %squeeze3A = vector.extract %slice3A[0] : f32 from vector<1xf32>
      %slice3A_247 = vector.extract_strided_slice %get3A_246 {offsets = [0], sizes = [1], strides = [1]} : vector<16xi32> to vector<1xi32>
      %squeeze3A_248 = vector.extract %slice3A_247[0] : i32 from vector<1xi32>
      %gt3A_249 = arith.cmpf ogt, %squeeze3A, %scan3A_231 : f32
      %gt3A_250 = arith.cmpf ogt, %squeeze3A, %scan3A_232 : f32
      %gt3A_251 = arith.cmpf ogt, %squeeze3A, %scan3A_233 : f32
      %select_n3A_252 = arith.select %gt3A_249, %squeeze3A, %scan3A_231 : f32
      %select_n3A_253 = arith.select %gt3A_249, %squeeze3A_248, %scan3A_234 : i32
      %select_n3A_254 = arith.select %gt3A_250, %squeeze3A, %scan3A_232 : f32
      %select_n3A_255 = arith.select %gt3A_249, %scan3A_231, %select_n3A_254 : f32
      %select_n3A_256 = arith.select %gt3A_250, %squeeze3A_248, %scan3A_235 : i32
      %select_n3A_257 = arith.select %gt3A_249, %scan3A_234, %select_n3A_256 : i32
      %select_n3A_258 = arith.select %gt3A_251, %squeeze3A, %scan3A_233 : f32
      %select_n3A_259 = arith.select %gt3A_250, %scan3A_232, %select_n3A_258 : f32
      %select_n3A_260 = arith.select %gt3A_251, %squeeze3A_248, %scan3A_236 : i32
      %select_n3A_261 = arith.select %gt3A_250, %scan3A_235, %select_n3A_260 : i32
      %slice3A_262 = vector.extract_strided_slice %get3A_241 {offsets = [1], sizes = [1], strides = [1]} : vector<16xf32> to vector<1xf32>
      %squeeze3A_263 = vector.extract %slice3A_262[0] : f32 from vector<1xf32>
      %slice3A_264 = vector.extract_strided_slice %get3A_246 {offsets = [1], sizes = [1], strides = [1]} : vector<16xi32> to vector<1xi32>
      %squeeze3A_265 = vector.extract %slice3A_264[0] : i32 from vector<1xi32>
      %gt3A_266 = arith.cmpf ogt, %squeeze3A_263, %select_n3A_252 : f32
      %gt3A_267 = arith.cmpf ogt, %squeeze3A_263, %select_n3A_255 : f32
      %gt3A_268 = arith.cmpf ogt, %squeeze3A_263, %select_n3A_259 : f32
      %select_n3A_269 = arith.select %gt3A_266, %squeeze3A_263, %select_n3A_252 : f32
      %select_n3A_270 = arith.select %gt3A_266, %squeeze3A_265, %select_n3A_253 : i32
      %select_n3A_271 = arith.select %gt3A_267, %squeeze3A_263, %select_n3A_255 : f32
      %select_n3A_272 = arith.select %gt3A_266, %select_n3A_252, %select_n3A_271 : f32
      %select_n3A_273 = arith.select %gt3A_267, %squeeze3A_265, %select_n3A_257 : i32
      %select_n3A_274 = arith.select %gt3A_266, %select_n3A_253, %select_n3A_273 : i32
      %select_n3A_275 = arith.select %gt3A_268, %squeeze3A_263, %select_n3A_259 : f32
      %select_n3A_276 = arith.select %gt3A_267, %select_n3A_255, %select_n3A_275 : f32
      %select_n3A_277 = arith.select %gt3A_268, %squeeze3A_265, %select_n3A_261 : i32
      %select_n3A_278 = arith.select %gt3A_267, %select_n3A_257, %select_n3A_277 : i32
      %slice3A_279 = vector.extract_strided_slice %get3A_241 {offsets = [2], sizes = [1], strides = [1]} : vector<16xf32> to vector<1xf32>
      %squeeze3A_280 = vector.extract %slice3A_279[0] : f32 from vector<1xf32>
      %slice3A_281 = vector.extract_strided_slice %get3A_246 {offsets = [2], sizes = [1], strides = [1]} : vector<16xi32> to vector<1xi32>
      %squeeze3A_282 = vector.extract %slice3A_281[0] : i32 from vector<1xi32>
      %gt3A_283 = arith.cmpf ogt, %squeeze3A_280, %select_n3A_269 : f32
      %gt3A_284 = arith.cmpf ogt, %squeeze3A_280, %select_n3A_272 : f32
      %gt3A_285 = arith.cmpf ogt, %squeeze3A_280, %select_n3A_276 : f32
      %select_n3A_286 = arith.select %gt3A_283, %squeeze3A_280, %select_n3A_269 : f32
      %select_n3A_287 = arith.select %gt3A_283, %squeeze3A_282, %select_n3A_270 : i32
      %select_n3A_288 = arith.select %gt3A_284, %squeeze3A_280, %select_n3A_272 : f32
      %select_n3A_289 = arith.select %gt3A_283, %select_n3A_269, %select_n3A_288 : f32
      %select_n3A_290 = arith.select %gt3A_284, %squeeze3A_282, %select_n3A_274 : i32
      %select_n3A_291 = arith.select %gt3A_283, %select_n3A_270, %select_n3A_290 : i32
      %select_n3A_292 = arith.select %gt3A_285, %squeeze3A_280, %select_n3A_276 : f32
      %select_n3A_293 = arith.select %gt3A_284, %select_n3A_272, %select_n3A_292 : f32
      %select_n3A_294 = arith.select %gt3A_285, %squeeze3A_282, %select_n3A_278 : i32
      %select_n3A_295 = arith.select %gt3A_284, %select_n3A_274, %select_n3A_294 : i32
      scf.yield %select_n3A_286, %select_n3A_289, %select_n3A_293, %select_n3A_287, %select_n3A_291, %select_n3A_295 : f32, f32, f32, i32, i32, i32
    }
    %scan3A_158 = arith.constant 32 : i32
    %get3A_159 = arith.constant 0 : i32
    %get3A_160 = arith.index_cast %get3A_159 : i32 to index
    %get3A_161 = arith.constant 0 : index
    %get3A_162 = tpu.vector_load %arg15[%get3A_160, %get3A_161] {strides = array<i32>} : memref<1x128xf32, #tpu.memory_space<vmem>>, vector<16xf32>,
    %max3A_163 = arith.constant 1.000000e+00 : f32
    %max3A_164 = vector.broadcast %max3A_163 : f32 to vector<16xf32>
    %max3A_165 = arith.maximumf %get3A_162, %max3A_164 : vector<16xf32>
    %broadcast_in_dim3A_166 = arith.constant 1.000000e+00 : f32
    %broadcast_in_dim3A_167 = vector.broadcast %broadcast_in_dim3A_166 : f32 to vector<16xf32>
    %gt3A_168 = arith.constant 5.000000e-01 : f32
    %gt3A_169 = vector.broadcast %gt3A_168 : f32 to vector<16xf32>
    %gt3A_170 = arith.cmpf ogt, %get3A_162, %gt3A_169 : vector<16xf32>
    %select_n3A_171 = arith.select %gt3A_170, %broadcast_in_dim3A_167, %broadcast_in_dim3A_1 : vector<16xi1>, vector<16xf32>
    %gt3A_172 = arith.constant 1.500000e+00 : f32
    %gt3A_173 = vector.broadcast %gt3A_172 : f32 to vector<16xf32>
    %gt3A_174 = arith.cmpf ogt, %get3A_162, %gt3A_173 : vector<16xf32>
    %select_n3A_175 = arith.select %gt3A_174, %broadcast_in_dim3A_167, %broadcast_in_dim3A_1 : vector<16xi1>, vector<16xf32>
    %gt3A_176 = arith.constant 2.500000e+00 : f32
    %gt3A_177 = vector.broadcast %gt3A_176 : f32 to vector<16xf32>
    %gt3A_178 = arith.cmpf ogt, %get3A_162, %gt3A_177 : vector<16xf32>
    %select_n3A_179 = arith.select %gt3A_178, %broadcast_in_dim3A_167, %broadcast_in_dim3A_1 : vector<16xi1>, vector<16xf32>
    %eq3A_180 = arith.constant 0 : i32
    %eq3A_181 = vector.broadcast %eq3A_180 : i32 to vector<16xi32>
    %eq3A_182 = arith.cmpi eq, %iota3A, %eq3A_181 : vector<16xi32>
    %eq3A_183 = arith.constant 1 : i32
    %eq3A_184 = vector.broadcast %eq3A_183 : i32 to vector<16xi32>
    %eq3A_185 = arith.cmpi eq, %iota3A, %eq3A_184 : vector<16xi32>
    %eq3A_186 = arith.constant 2 : i32
    %eq3A_187 = vector.broadcast %eq3A_186 : i32 to vector<16xi32>
    %eq3A_188 = arith.cmpi eq, %iota3A, %eq3A_187 : vector<16xi32>
    %jit3A_189 = arith.constant 0 : i32
    %broadcast_in_dim3A_190 = vector.broadcast %scan3A_157#5 : i32 to vector<16xi32>
    %broadcast_in_dim3A_191 = vector.broadcast %jit3A_189 : i32 to vector<16xi32>
    %select_n3A_192 = arith.select %eq3A_188, %broadcast_in_dim3A_190, %broadcast_in_dim3A_191 : vector<16xi1>, vector<16xi32>
    %broadcast_in_dim3A_193 = vector.broadcast %scan3A_157#4 : i32 to vector<16xi32>
    %select_n3A_194 = arith.select %eq3A_185, %broadcast_in_dim3A_193, %select_n3A_192 : vector<16xi1>, vector<16xi32>
    %broadcast_in_dim3A_195 = vector.broadcast %scan3A_157#3 : i32 to vector<16xi32>
    %select_n3A_196 = arith.select %eq3A_182, %broadcast_in_dim3A_195, %select_n3A_194 : vector<16xi1>, vector<16xi32>
    %swap3A_197 = arith.constant 0 : index
    %swap3A_198 = tpu.vector_load %arg16[%swap3A_197] {strides = array<i32>} : memref<16xi32, #tpu.memory_space<vmem>>, vector<16xi32>,
    tpu.vector_store %arg16[%swap3A_197], %select_n3A_196 {strides = array<i32>} : memref<16xi32, #tpu.memory_space<vmem>>, vector<16xi32>,
    %dma_start3A_199 = arith.constant 0 : i32
    %dma_start3A_200 = arith.constant 0 : i32
    %dma_start3A_201 = tpu.memref_slice %arg2[%dma_start3A_199, %dma_start3A_200] : memref<50000x512xf32, #tpu.memory_space<hbm>> -> memref<50000x512xf32, #tpu.memory_space<hbm>>
    tpu.enqueue_indirect_dma source(%dma_start3A_201 : memref<50000x512xf32, #tpu.memory_space<hbm>>) target(%arg17 : memref<16x512xf32, #tpu.memory_space<vmem>>) offsets(%arg16 : memref<16xi32, #tpu.memory_space<vmem>>) semaphore(%arg22 : memref<!tpu.dma_semaphore, #tpu.memory_space<semaphore_mem>>)
    %dma_wait3A_202 = arith.constant 0 : i32
    %dma_wait3A_203 = arith.constant 0 : i32
    %dma_wait3A_204 = tpu.memref_slice %arg2[%dma_wait3A_202, %dma_wait3A_203] : memref<50000x512xf32, #tpu.memory_space<hbm>> -> memref<50000x512xf32, #tpu.memory_space<hbm>>
    tpu.wait_indirect_dma semaphore(%arg22 : memref<!tpu.dma_semaphore, #tpu.memory_space<semaphore_mem>>) src(%dma_wait3A_204 : memref<50000x512xf32, #tpu.memory_space<hbm>>) dst(%arg17 : memref<16x512xf32, #tpu.memory_space<vmem>>)
    %scan3A_205 = arith.constant 0 : i32
    %scan3A_206 = arith.constant 0 : i32
    %scan3A_207 = arith.constant 8 : i32
    %scan3A_208 = arith.addi %scan3A_206, %scan3A_207 : i32
    %scan3A_209 = arith.constant 1 : i32
    %scan3A_210 = scf.for %scan3A_230 = %scan3A_206 to %scan3A_208 step %scan3A_209 iter_args(%scan3A_231 = %scan3A_205) -> (i32)  : i32 {
      %mul3A_232 = arith.constant 64 : i32
      %mul3A_233 = arith.muli %scan3A_230, %mul3A_232 : i32
      %add3A_234 = arith.constant 0 : i32
      %add3A_235 = arith.addi %mul3A_233, %add3A_234 : i32
      %multiple_of3A = tpu.assume_multiple %add3A_235, 16 : i32
      %mul3A_236 = arith.constant 64 : i32
      %mul3A_237 = arith.muli %scan3A_230, %mul3A_236 : i32
      %add3A_238 = arith.constant 16 : i32
      %add3A_239 = arith.addi %mul3A_237, %add3A_238 : i32
      %multiple_of3A_240 = tpu.assume_multiple %add3A_239, 16 : i32
      %mul3A_241 = arith.constant 64 : i32
      %mul3A_242 = arith.muli %scan3A_230, %mul3A_241 : i32
      %add3A_243 = arith.constant 32 : i32
      %add3A_244 = arith.addi %mul3A_242, %add3A_243 : i32
      %multiple_of3A_245 = tpu.assume_multiple %add3A_244, 16 : i32
      %mul3A_246 = arith.constant 64 : i32
      %mul3A_247 = arith.muli %scan3A_230, %mul3A_246 : i32
      %add3A_248 = arith.constant 48 : i32
      %add3A_249 = arith.addi %mul3A_247, %add3A_248 : i32
      %multiple_of3A_250 = tpu.assume_multiple %add3A_249, 16 : i32
      %get3A_251 = arith.constant 0 : i32
      %get3A_252 = arith.index_cast %get3A_251 : i32 to index
      %get3A_253 = arith.index_cast %multiple_of3A : i32 to index
      %get3A_254 = tpu.vector_load %arg14[%get3A_252, %get3A_253] {strides = array<i32>} : memref<1x512xf32, #tpu.memory_space<vmem>>, vector<16xf32>,
      %div3A = arith.divf %get3A_254, %max3A_165 : vector<16xf32>
      %swap3A_255 = arith.index_cast %multiple_of3A : i32 to index
      %swap3A_256 = tpu.vector_load %arg19[%swap3A_255] {strides = array<i32>} : memref<2560xf32, #tpu.memory_space<vmem>>, vector<16xf32>,
      tpu.vector_store %arg19[%swap3A_255], %div3A {strides = array<i32>} : memref<2560xf32, #tpu.memory_space<vmem>>, vector<16xf32>,
      %add3A_257 = arith.constant 512 : i32
      %add3A_258 = arith.addi %add3A_257, %multiple_of3A : i32
      %swap3A_259 = arith.index_cast %add3A_258 : i32 to index
      %swap3A_260 = tpu.vector_load %arg19[%swap3A_259] {strides = array<i32>} : memref<2560xf32, #tpu.memory_space<vmem>>, vector<16xf32>,
      tpu.vector_store %arg19[%swap3A_259], %get3A_254 {strides = array<i32>} : memref<2560xf32, #tpu.memory_space<vmem>>, vector<16xf32>,
      %get3A_261 = arith.constant 0 : i32
      %get3A_262 = arith.index_cast %get3A_261 : i32 to index
      %get3A_263 = arith.index_cast %multiple_of3A : i32 to index
      %get3A_264 = tpu.vector_load %arg17[%get3A_262, %get3A_263] {strides = array<i32>} : memref<16x512xf32, #tpu.memory_space<vmem>>, vector<16xf32>,
      %mul3A_265 = arith.mulf %get3A_264, %select_n3A_171 : vector<16xf32>
      %add3A_266 = arith.constant 1024 : i32
      %add3A_267 = arith.addi %add3A_266, %multiple_of3A : i32
      %swap3A_268 = arith.index_cast %add3A_267 : i32 to index
      %swap3A_269 = tpu.vector_load %arg19[%swap3A_268] {strides = array<i32>} : memref<2560xf32, #tpu.memory_space<vmem>>, vector<16xf32>,
      tpu.vector_store %arg19[%swap3A_268], %mul3A_265 {strides = array<i32>} : memref<2560xf32, #tpu.memory_space<vmem>>, vector<16xf32>,
      %get3A_270 = arith.constant 1 : i32
      %get3A_271 = arith.index_cast %get3A_270 : i32 to index
      %get3A_272 = arith.index_cast %multiple_of3A : i32 to index
      %get3A_273 = tpu.vector_load %arg17[%get3A_271, %get3A_272] {strides = array<i32>} : memref<16x512xf32, #tpu.memory_space<vmem>>, vector<16xf32>,
      %mul3A_274 = arith.mulf %get3A_273, %select_n3A_175 : vector<16xf32>
      %add3A_275 = arith.constant 1536 : i32
      %add3A_276 = arith.addi %add3A_275, %multiple_of3A : i32
      %swap3A_277 = arith.index_cast %add3A_276 : i32 to index
      %swap3A_278 = tpu.vector_load %arg19[%swap3A_277] {strides = array<i32>} : memref<2560xf32, #tpu.memory_space<vmem>>, vector<16xf32>,
      tpu.vector_store %arg19[%swap3A_277], %mul3A_274 {strides = array<i32>} : memref<2560xf32, #tpu.memory_space<vmem>>, vector<16xf32>,
      %get3A_279 = arith.constant 2 : i32
      %get3A_280 = arith.index_cast %get3A_279 : i32 to index
      %get3A_281 = arith.index_cast %multiple_of3A : i32 to index
      %get3A_282 = tpu.vector_load %arg17[%get3A_280, %get3A_281] {strides = array<i32>} : memref<16x512xf32, #tpu.memory_space<vmem>>, vector<16xf32>,
      %mul3A_283 = arith.mulf %get3A_282, %select_n3A_179 : vector<16xf32>
      %add3A_284 = arith.constant 2048 : i32
      %add3A_285 = arith.addi %add3A_284, %multiple_of3A : i32
      %swap3A_286 = arith.index_cast %add3A_285 : i32 to index
      %swap3A_287 = tpu.vector_load %arg19[%swap3A_286] {strides = array<i32>} : memref<2560xf32, #tpu.memory_space<vmem>>, vector<16xf32>,
      tpu.vector_store %arg19[%swap3A_286], %mul3A_283 {strides = array<i32>} : memref<2560xf32, #tpu.memory_space<vmem>>, vector<16xf32>,
      %get3A_288 = arith.constant 0 : i32
      %get3A_289 = arith.index_cast %get3A_288 : i32 to index
      %get3A_290 = arith.index_cast %multiple_of3A_240 : i32 to index
      %get3A_291 = tpu.vector_load %arg14[%get3A_289, %get3A_290] {strides = array<i32>} : memref<1x512xf32, #tpu.memory_space<vmem>>, vector<16xf32>,
      %div3A_292 = arith.divf %get3A_291, %max3A_165 : vector<16xf32>
      %swap3A_293 = arith.index_cast %multiple_of3A_240 : i32 to index
      %swap3A_294 = tpu.vector_load %arg19[%swap3A_293] {strides = array<i32>} : memref<2560xf32, #tpu.memory_space<vmem>>, vector<16xf32>,
      tpu.vector_store %arg19[%swap3A_293], %div3A_292 {strides = array<i32>} : memref<2560xf32, #tpu.memory_space<vmem>>, vector<16xf32>,
      %add3A_295 = arith.constant 512 : i32
      %add3A_296 = arith.addi %add3A_295, %multiple_of3A_240 : i32
      %swap3A_297 = arith.index_cast %add3A_296 : i32 to index
      %swap3A_298 = tpu.vector_load %arg19[%swap3A_297] {strides = array<i32>} : memref<2560xf32, #tpu.memory_space<vmem>>, vector<16xf32>,
      tpu.vector_store %arg19[%swap3A_297], %get3A_291 {strides = array<i32>} : memref<2560xf32, #tpu.memory_space<vmem>>, vector<16xf32>,
      %get3A_299 = arith.constant 0 : i32
      %get3A_300 = arith.index_cast %get3A_299 : i32 to index
      %get3A_301 = arith.index_cast %multiple_of3A_240 : i32 to index
      %get3A_302 = tpu.vector_load %arg17[%get3A_300, %get3A_301] {strides = array<i32>} : memref<16x512xf32, #tpu.memory_space<vmem>>, vector<16xf32>,
      %mul3A_303 = arith.mulf %get3A_302, %select_n3A_171 : vector<16xf32>
      %add3A_304 = arith.constant 1024 : i32
      %add3A_305 = arith.addi %add3A_304, %multiple_of3A_240 : i32
      %swap3A_306 = arith.index_cast %add3A_305 : i32 to index
      %swap3A_307 = tpu.vector_load %arg19[%swap3A_306] {strides = array<i32>} : memref<2560xf32, #tpu.memory_space<vmem>>, vector<16xf32>,
      tpu.vector_store %arg19[%swap3A_306], %mul3A_303 {strides = array<i32>} : memref<2560xf32, #tpu.memory_space<vmem>>, vector<16xf32>,
      %get3A_308 = arith.constant 1 : i32
      %get3A_309 = arith.index_cast %get3A_308 : i32 to index
      %get3A_310 = arith.index_cast %multiple_of3A_240 : i32 to index
      %get3A_311 = tpu.vector_load %arg17[%get3A_309, %get3A_310] {strides = array<i32>} : memref<16x512xf32, #tpu.memory_space<vmem>>, vector<16xf32>,
      %mul3A_312 = arith.mulf %get3A_311, %select_n3A_175 : vector<16xf32>
      %add3A_313 = arith.constant 1536 : i32
      %add3A_314 = arith.addi %add3A_313, %multiple_of3A_240 : i32
      %swap3A_315 = arith.index_cast %add3A_314 : i32 to index
      %swap3A_316 = tpu.vector_load %arg19[%swap3A_315] {strides = array<i32>} : memref<2560xf32, #tpu.memory_space<vmem>>, vector<16xf32>,
      tpu.vector_store %arg19[%swap3A_315], %mul3A_312 {strides = array<i32>} : memref<2560xf32, #tpu.memory_space<vmem>>, vector<16xf32>,
      %get3A_317 = arith.constant 2 : i32
      %get3A_318 = arith.index_cast %get3A_317 : i32 to index
      %get3A_319 = arith.index_cast %multiple_of3A_240 : i32 to index
      %get3A_320 = tpu.vector_load %arg17[%get3A_318, %get3A_319] {strides = array<i32>} : memref<16x512xf32, #tpu.memory_space<vmem>>, vector<16xf32>,
      %mul3A_321 = arith.mulf %get3A_320, %select_n3A_179 : vector<16xf32>
      %add3A_322 = arith.constant 2048 : i32
      %add3A_323 = arith.addi %add3A_322, %multiple_of3A_240 : i32
      %swap3A_324 = arith.index_cast %add3A_323 : i32 to index
      %swap3A_325 = tpu.vector_load %arg19[%swap3A_324] {strides = array<i32>} : memref<2560xf32, #tpu.memory_space<vmem>>, vector<16xf32>,
      tpu.vector_store %arg19[%swap3A_324], %mul3A_321 {strides = array<i32>} : memref<2560xf32, #tpu.memory_space<vmem>>, vector<16xf32>,
      %get3A_326 = arith.constant 0 : i32
      %get3A_327 = arith.index_cast %get3A_326 : i32 to index
      %get3A_328 = arith.index_cast %multiple_of3A_245 : i32 to index
      %get3A_329 = tpu.vector_load %arg14[%get3A_327, %get3A_328] {strides = array<i32>} : memref<1x512xf32, #tpu.memory_space<vmem>>, vector<16xf32>,
      %div3A_330 = arith.divf %get3A_329, %max3A_165 : vector<16xf32>
      %swap3A_331 = arith.index_cast %multiple_of3A_245 : i32 to index
      %swap3A_332 = tpu.vector_load %arg19[%swap3A_331] {strides = array<i32>} : memref<2560xf32, #tpu.memory_space<vmem>>, vector<16xf32>,
      tpu.vector_store %arg19[%swap3A_331], %div3A_330 {strides = array<i32>} : memref<2560xf32, #tpu.memory_space<vmem>>, vector<16xf32>,
      %add3A_333 = arith.constant 512 : i32
      %add3A_334 = arith.addi %add3A_333, %multiple_of3A_245 : i32
      %swap3A_335 = arith.index_cast %add3A_334 : i32 to index
      %swap3A_336 = tpu.vector_load %arg19[%swap3A_335] {strides = array<i32>} : memref<2560xf32, #tpu.memory_space<vmem>>, vector<16xf32>,
      tpu.vector_store %arg19[%swap3A_335], %get3A_329 {strides = array<i32>} : memref<2560xf32, #tpu.memory_space<vmem>>, vector<16xf32>,
      %get3A_337 = arith.constant 0 : i32
      %get3A_338 = arith.index_cast %get3A_337 : i32 to index
      %get3A_339 = arith.index_cast %multiple_of3A_245 : i32 to index
      %get3A_340 = tpu.vector_load %arg17[%get3A_338, %get3A_339] {strides = array<i32>} : memref<16x512xf32, #tpu.memory_space<vmem>>, vector<16xf32>,
      %mul3A_341 = arith.mulf %get3A_340, %select_n3A_171 : vector<16xf32>
      %add3A_342 = arith.constant 1024 : i32
      %add3A_343 = arith.addi %add3A_342, %multiple_of3A_245 : i32
      %swap3A_344 = arith.index_cast %add3A_343 : i32 to index
      %swap3A_345 = tpu.vector_load %arg19[%swap3A_344] {strides = array<i32>} : memref<2560xf32, #tpu.memory_space<vmem>>, vector<16xf32>,
      tpu.vector_store %arg19[%swap3A_344], %mul3A_341 {strides = array<i32>} : memref<2560xf32, #tpu.memory_space<vmem>>, vector<16xf32>,
      %get3A_346 = arith.constant 1 : i32
      %get3A_347 = arith.index_cast %get3A_346 : i32 to index
      %get3A_348 = arith.index_cast %multiple_of3A_245 : i32 to index
      %get3A_349 = tpu.vector_load %arg17[%get3A_347, %get3A_348] {strides = array<i32>} : memref<16x512xf32, #tpu.memory_space<vmem>>, vector<16xf32>,
      %mul3A_350 = arith.mulf %get3A_349, %select_n3A_175 : vector<16xf32>
      %add3A_351 = arith.constant 1536 : i32
      %add3A_352 = arith.addi %add3A_351, %multiple_of3A_245 : i32
      %swap3A_353 = arith.index_cast %add3A_352 : i32 to index
      %swap3A_354 = tpu.vector_load %arg19[%swap3A_353] {strides = array<i32>} : memref<2560xf32, #tpu.memory_space<vmem>>, vector<16xf32>,
      tpu.vector_store %arg19[%swap3A_353], %mul3A_350 {strides = array<i32>} : memref<2560xf32, #tpu.memory_space<vmem>>, vector<16xf32>,
      %get3A_355 = arith.constant 2 : i32
      %get3A_356 = arith.index_cast %get3A_355 : i32 to index
      %get3A_357 = arith.index_cast %multiple_of3A_245 : i32 to index
      %get3A_358 = tpu.vector_load %arg17[%get3A_356, %get3A_357] {strides = array<i32>} : memref<16x512xf32, #tpu.memory_space<vmem>>, vector<16xf32>,
      %mul3A_359 = arith.mulf %get3A_358, %select_n3A_179 : vector<16xf32>
      %add3A_360 = arith.constant 2048 : i32
      %add3A_361 = arith.addi %add3A_360, %multiple_of3A_245 : i32
      %swap3A_362 = arith.index_cast %add3A_361 : i32 to index
      %swap3A_363 = tpu.vector_load %arg19[%swap3A_362] {strides = array<i32>} : memref<2560xf32, #tpu.memory_space<vmem>>, vector<16xf32>,
      tpu.vector_store %arg19[%swap3A_362], %mul3A_359 {strides = array<i32>} : memref<2560xf32, #tpu.memory_space<vmem>>, vector<16xf32>,
      %get3A_364 = arith.constant 0 : i32
      %get3A_365 = arith.index_cast %get3A_364 : i32 to index
      %get3A_366 = arith.index_cast %multiple_of3A_250 : i32 to index
      %get3A_367 = tpu.vector_load %arg14[%get3A_365, %get3A_366] {strides = array<i32>} : memref<1x512xf32, #tpu.memory_space<vmem>>, vector<16xf32>,
      %div3A_368 = arith.divf %get3A_367, %max3A_165 : vector<16xf32>
      %swap3A_369 = arith.index_cast %multiple_of3A_250 : i32 to index
      %swap3A_370 = tpu.vector_load %arg19[%swap3A_369] {strides = array<i32>} : memref<2560xf32, #tpu.memory_space<vmem>>, vector<16xf32>,
      tpu.vector_store %arg19[%swap3A_369], %div3A_368 {strides = array<i32>} : memref<2560xf32, #tpu.memory_space<vmem>>, vector<16xf32>,
      %add3A_371 = arith.constant 512 : i32
      %add3A_372 = arith.addi %add3A_371, %multiple_of3A_250 : i32
      %swap3A_373 = arith.index_cast %add3A_372 : i32 to index
      %swap3A_374 = tpu.vector_load %arg19[%swap3A_373] {strides = array<i32>} : memref<2560xf32, #tpu.memory_space<vmem>>, vector<16xf32>,
      tpu.vector_store %arg19[%swap3A_373], %get3A_367 {strides = array<i32>} : memref<2560xf32, #tpu.memory_space<vmem>>, vector<16xf32>,
      %get3A_375 = arith.constant 0 : i32
      %get3A_376 = arith.index_cast %get3A_375 : i32 to index
      %get3A_377 = arith.index_cast %multiple_of3A_250 : i32 to index
      %get3A_378 = tpu.vector_load %arg17[%get3A_376, %get3A_377] {strides = array<i32>} : memref<16x512xf32, #tpu.memory_space<vmem>>, vector<16xf32>,
      %mul3A_379 = arith.mulf %get3A_378, %select_n3A_171 : vector<16xf32>
      %add3A_380 = arith.constant 1024 : i32
      %add3A_381 = arith.addi %add3A_380, %multiple_of3A_250 : i32
      %swap3A_382 = arith.index_cast %add3A_381 : i32 to index
      %swap3A_383 = tpu.vector_load %arg19[%swap3A_382] {strides = array<i32>} : memref<2560xf32, #tpu.memory_space<vmem>>, vector<16xf32>,
      tpu.vector_store %arg19[%swap3A_382], %mul3A_379 {strides = array<i32>} : memref<2560xf32, #tpu.memory_space<vmem>>, vector<16xf32>,
      %get3A_384 = arith.constant 1 : i32
      %get3A_385 = arith.index_cast %get3A_384 : i32 to index
      %get3A_386 = arith.index_cast %multiple_of3A_250 : i32 to index
      %get3A_387 = tpu.vector_load %arg17[%get3A_385, %get3A_386] {strides = array<i32>} : memref<16x512xf32, #tpu.memory_space<vmem>>, vector<16xf32>,
      %mul3A_388 = arith.mulf %get3A_387, %select_n3A_175 : vector<16xf32>
      %add3A_389 = arith.constant 1536 : i32
      %add3A_390 = arith.addi %add3A_389, %multiple_of3A_250 : i32
      %swap3A_391 = arith.index_cast %add3A_390 : i32 to index
      %swap3A_392 = tpu.vector_load %arg19[%swap3A_391] {strides = array<i32>} : memref<2560xf32, #tpu.memory_space<vmem>>, vector<16xf32>,
      tpu.vector_store %arg19[%swap3A_391], %mul3A_388 {strides = array<i32>} : memref<2560xf32, #tpu.memory_space<vmem>>, vector<16xf32>,
      %get3A_393 = arith.constant 2 : i32
      %get3A_394 = arith.index_cast %get3A_393 : i32 to index
      %get3A_395 = arith.index_cast %multiple_of3A_250 : i32 to index
      %get3A_396 = tpu.vector_load %arg17[%get3A_394, %get3A_395] {strides = array<i32>} : memref<16x512xf32, #tpu.memory_space<vmem>>, vector<16xf32>,
      %mul3A_397 = arith.mulf %get3A_396, %select_n3A_179 : vector<16xf32>
      %add3A_398 = arith.constant 2048 : i32
      %add3A_399 = arith.addi %add3A_398, %multiple_of3A_250 : i32
      %swap3A_400 = arith.index_cast %add3A_399 : i32 to index
      %swap3A_401 = tpu.vector_load %arg19[%swap3A_400] {strides = array<i32>} : memref<2560xf32, #tpu.memory_space<vmem>>, vector<16xf32>,
      tpu.vector_store %arg19[%swap3A_400], %mul3A_397 {strides = array<i32>} : memref<2560xf32, #tpu.memory_space<vmem>>, vector<16xf32>,
      %scan3A_402 = arith.constant 0 : i32
      scf.yield %scan3A_402 : i32
    }
    %scan3A_211 = arith.constant 8 : i32
    %dma_start3A_212 = arith.constant 0 : i32
    %dma_start3A_213 = tpu.memref_slice %arg7[%add3A_5, %dma_start3A_212] : memref<64x2560xf32, #tpu.memory_space<hbm>> -> memref<1x2560xf32, #tpu.memory_space<hbm>>
    %dma_start3A_214 = tpu.memref_squeeze %dma_start3A_213 : memref<1x2560xf32, #tpu.memory_space<hbm>> -> memref<2560xf32, #tpu.memory_space<hbm>>
    %dma_start3A_215 = arith.constant 0 : i32
    %dma_start3A_216 = tpu.memref_slice %arg7[%add3A_5, %dma_start3A_215] : memref<64x2560xf32, #tpu.memory_space<hbm>> -> memref<1x2560xf32, #tpu.memory_space<hbm>>
    %dma_start3A_217 = tpu.memref_squeeze %dma_start3A_216 : memref<1x2560xf32, #tpu.memory_space<hbm>> -> memref<2560xf32, #tpu.memory_space<hbm>>
    tpu.enqueue_dma source(%arg19 : memref<2560xf32, #tpu.memory_space<vmem>>) target(%dma_start3A_217 : memref<2560xf32, #tpu.memory_space<hbm>>) target_semaphore(%arg23 : memref<!tpu.dma_semaphore, #tpu.memory_space<semaphore_mem>>)
    %dma_wait3A_218 = arith.constant 0 : i32
    %dma_wait3A_219 = tpu.memref_slice %arg7[%mul3A_3, %dma_wait3A_218] : memref<64x2560xf32, #tpu.memory_space<hbm>> -> memref<1x2560xf32, #tpu.memory_space<hbm>>
    %dma_wait3A_220 = tpu.memref_squeeze %dma_wait3A_219 : memref<1x2560xf32, #tpu.memory_space<hbm>> -> memref<2560xf32, #tpu.memory_space<hbm>>
    %dma_wait3A_221 = arith.constant 0 : i32
    %dma_wait3A_222 = tpu.memref_slice %arg7[%mul3A_3, %dma_wait3A_221] : memref<64x2560xf32, #tpu.memory_space<hbm>> -> memref<1x2560xf32, #tpu.memory_space<hbm>>
    %dma_wait3A_223 = tpu.memref_squeeze %dma_wait3A_222 : memref<1x2560xf32, #tpu.memory_space<hbm>> -> memref<2560xf32, #tpu.memory_space<hbm>>
    tpu.wait_dma2 semaphore(%arg23 : memref<!tpu.dma_semaphore, #tpu.memory_space<semaphore_mem>>) src(%arg18 : memref<2560xf32, #tpu.memory_space<vmem>>) dst(%dma_wait3A_223 : memref<2560xf32, #tpu.memory_space<hbm>>)
    %dma_wait3A_224 = arith.constant 0 : i32
    %dma_wait3A_225 = tpu.memref_slice %arg7[%add3A_5, %dma_wait3A_224] : memref<64x2560xf32, #tpu.memory_space<hbm>> -> memref<1x2560xf32, #tpu.memory_space<hbm>>
    %dma_wait3A_226 = tpu.memref_squeeze %dma_wait3A_225 : memref<1x2560xf32, #tpu.memory_space<hbm>> -> memref<2560xf32, #tpu.memory_space<hbm>>
    %dma_wait3A_227 = arith.constant 0 : i32
    %dma_wait3A_228 = tpu.memref_slice %arg7[%add3A_5, %dma_wait3A_227] : memref<64x2560xf32, #tpu.memory_space<hbm>> -> memref<1x2560xf32, #tpu.memory_space<hbm>>
    %dma_wait3A_229 = tpu.memref_squeeze %dma_wait3A_228 : memref<1x2560xf32, #tpu.memory_space<hbm>> -> memref<2560xf32, #tpu.memory_space<hbm>>
    tpu.wait_dma2 semaphore(%arg23 : memref<!tpu.dma_semaphore, #tpu.memory_space<semaphore_mem>>) src(%arg19 : memref<2560xf32, #tpu.memory_space<vmem>>) dst(%dma_wait3A_229 : memref<2560xf32, #tpu.memory_space<hbm>>)
    return
  }
}

module attributes {stable_mosaic.version = 14 : i64} {
  func.func @_ktc_body(%arg0: i32, %arg1: memref<1024x512xf32, #tpu.memory_space<vmem>>, %arg2: memref<1024xi32, #tpu.memory_space<vmem>>, %arg3: memref<64x512xf32, #tpu.memory_space<vmem>>, %arg4: memref<64x128xf32, #tpu.memory_space<vmem>>, %arg5: memref<1024xf32, #tpu.memory_space<vmem>>) attributes {dimension_semantics = [#tpu.dimension_semantics<arbitrary>], iteration_bounds = array<i64: 49>, scalar_prefetch = 0 : i64, scratch_operands = 0 : i64, tpu.core_type = #tpu.core_type<tc>, window_params = [{transform_indices = @transform_0, window_bounds = array<i64: 1024, 512>}, {transform_indices = @transform_1, window_bounds = array<i64: 1024>}, {pipeline_mode = #tpu.pipeline_mode<synchronous>, transform_indices = @transform_2, window_bounds = array<i64: 64, 512>}, {pipeline_mode = #tpu.pipeline_mode<synchronous>, transform_indices = @transform_3, window_bounds = array<i64: 64, 128>}, {transform_indices = @transform_4, window_bounds = array<i64: 1024>}]} {
    %get3A = arith.constant 0 : index
    %get3A_0 = arith.constant 0 : index
    %get3A_1 = vector.load %arg1[%get3A, %get3A_0] : memref<1024x512xf32, #tpu.memory_space<vmem>>, vector<1024x512xf32>
    %get3A_2 = arith.constant 0 : index
    %get3A_3 = vector.load %arg2[%get3A_2] : memref<1024xi32, #tpu.memory_space<vmem>>, vector<1024xi32>
    %iota3A = tpu.iota {dimensions = array<i32: 0>} : vector<1024x512xi32>
    %mul3A = arith.constant 1024 : i32
    %mul3A_4 = arith.muli %arg0, %mul3A : i32
    %add3A = vector.broadcast %mul3A_4 : i32 to vector<1024x512xi32>
    %add3A_5 = arith.addi %iota3A, %add3A : vector<1024x512xi32>
    %lt3A = arith.constant 50000 : i32
    %lt3A_6 = vector.broadcast %lt3A : i32 to vector<1024x512xi32>
    %lt3A_7 = arith.cmpi slt, %add3A_5, %lt3A_6 : vector<1024x512xi32>
    %jit3A = arith.constant 0.000000e+00 : f32
    %broadcast_in_dim3A = vector.broadcast %jit3A : f32 to vector<1024x512xf32>
    %select_n3A = arith.select %lt3A_7, %get3A_1, %broadcast_in_dim3A : vector<1024x512xi1>, vector<1024x512xf32>
    %iota3A_8 = tpu.iota {dimensions = array<i32: 0>} : vector<64x1024xi32>
    %iota3A_9 = tpu.iota {dimensions = array<i32: 1>} : vector<64x1024xi32>
    %mul3A_10 = arith.constant 1024 : i32
    %mul3A_11 = arith.muli %arg0, %mul3A_10 : i32
    %add3A_12 = vector.broadcast %mul3A_11 : i32 to vector<64x1024xi32>
    %add3A_13 = arith.addi %iota3A_9, %add3A_12 : vector<64x1024xi32>
    %broadcast_in_dim3A_14 = vector.shape_cast %get3A_3 : vector<1024xi32> to vector<1x1024xi32>
    %eq3A = vector.broadcast %broadcast_in_dim3A_14 : vector<1x1024xi32> to vector<64x1024xi32>
    %eq3A_15 = arith.cmpi eq, %iota3A_8, %eq3A : vector<64x1024xi32>
    %lt3A_16 = arith.constant 50000 : i32
    %lt3A_17 = vector.broadcast %lt3A_16 : i32 to vector<64x1024xi32>
    %lt3A_18 = arith.cmpi slt, %add3A_13, %lt3A_17 : vector<64x1024xi32>
    %and3A = arith.andi %eq3A_15, %lt3A_18 : vector<64x1024xi1>
    %jit3A_19 = arith.constant 1.000000e+00 : f32
    %jit3A_20 = arith.constant 0.000000e+00 : f32
    %broadcast_in_dim3A_21 = vector.broadcast %jit3A_19 : f32 to vector<64x1024xf32>
    %broadcast_in_dim3A_22 = vector.broadcast %jit3A_20 : f32 to vector<64x1024xf32>
    %select_n3A_23 = arith.select %and3A, %broadcast_in_dim3A_21, %broadcast_in_dim3A_22 : vector<64x1024xi1>, vector<64x1024xf32>
    %convert_element_type3A = arith.truncf %select_n3A : vector<1024x512xf32> to vector<1024x512xbf16>
    %convert_element_type3A_24 = arith.extf %convert_element_type3A : vector<1024x512xbf16> to vector<1024x512xf32>
    %sub3A = arith.subf %select_n3A, %convert_element_type3A_24 : vector<1024x512xf32>
    %dot_general3A = arith.constant dense<0.000000e+00> : vector<64x512xf32>
    %dot_general3A_25 = tpu.matmul %select_n3A_23, %convert_element_type3A_24, %dot_general3A {dimension_numbers = #tpu.dot_dimension_numbers<[1], [0], [0], [1], [0, 0, 1, 1], [], []>, transpose_lhs_hint = false} : vector<64x1024xf32>, vector<1024x512xf32>, vector<64x512xf32> -> vector<64x512xf32>
    %dot_general3A_26 = arith.constant dense<0.000000e+00> : vector<64x512xf32>
    %dot_general3A_27 = tpu.matmul %select_n3A_23, %sub3A, %dot_general3A_26 {dimension_numbers = #tpu.dot_dimension_numbers<[1], [0], [0], [1], [0, 0, 1, 1], [], []>, transpose_lhs_hint = false} : vector<64x1024xf32>, vector<1024x512xf32>, vector<64x512xf32> -> vector<64x512xf32>
    %add3A_28 = arith.addf %dot_general3A_25, %dot_general3A_27 : vector<64x512xf32>
    %reduce_sum3A = arith.constant dense<0.000000e+00> : vector<64xf32>
    %reduce_sum3A_29 = vector.multi_reduction <add>, %select_n3A_23, %reduce_sum3A [1] : vector<64x1024xf32> to vector<64xf32>
    %broadcast_in_dim3A_30 = vector.shape_cast %reduce_sum3A_29 : vector<64xf32> to vector<64x1xf32>
    %broadcast_in_dim3A_31 = vector.shape_cast %broadcast_in_dim3A_30 : vector<64x1xf32> to vector<64x1xf32>
    %broadcast_in_dim3A_32 = vector.broadcast %broadcast_in_dim3A_31 : vector<64x1xf32> to vector<64x128xf32>
    %eq3A_33 = arith.constant 0 : i32
    %eq3A_34 = arith.cmpi eq, %arg0, %eq3A_33 : i32
    %convert_element_type3A_35 = arith.extui %eq3A_34 : i1 to i32
    %cond3A = arith.constant 0 : i32
    %cond3A_36 = arith.cmpi ne, %convert_element_type3A_35, %cond3A : i32
    scf.if %cond3A_36 {
      %swap3A_42 = arith.constant 0 : index
      %swap3A_43 = arith.constant 0 : index
      %swap3A_44 = vector.load %arg3[%swap3A_42, %swap3A_43] : memref<64x512xf32, #tpu.memory_space<vmem>>, vector<64x512xf32>
      tpu.vector_store %arg3[%swap3A_42, %swap3A_43], %add3A_28 {strides = array<i32>} : memref<64x512xf32, #tpu.memory_space<vmem>>, vector<64x512xf32>,
      %swap3A_45 = arith.constant 0 : index
      %swap3A_46 = arith.constant 0 : index
      %swap3A_47 = vector.load %arg4[%swap3A_45, %swap3A_46] : memref<64x128xf32, #tpu.memory_space<vmem>>, vector<64x128xf32>
      tpu.vector_store %arg4[%swap3A_45, %swap3A_46], %broadcast_in_dim3A_32 {strides = array<i32>} : memref<64x128xf32, #tpu.memory_space<vmem>>, vector<64x128xf32>,
    } else {
    }
    %gt3A = arith.constant 0 : i32
    %gt3A_37 = arith.cmpi sgt, %arg0, %gt3A : i32
    %convert_element_type3A_38 = arith.extui %gt3A_37 : i1 to i32
    %cond3A_39 = arith.constant 0 : i32
    %cond3A_40 = arith.cmpi ne, %convert_element_type3A_38, %cond3A_39 : i32
    scf.if %cond3A_40 {
      %get3A_42 = arith.constant 0 : index
      %get3A_43 = arith.constant 0 : index
      %get3A_44 = vector.load %arg3[%get3A_42, %get3A_43] : memref<64x512xf32, #tpu.memory_space<vmem>>, vector<64x512xf32>
      %add3A_45 = arith.addf %get3A_44, %add3A_28 : vector<64x512xf32>
      %swap3A_46 = arith.constant 0 : index
      %swap3A_47 = arith.constant 0 : index
      %swap3A_48 = vector.load %arg3[%swap3A_46, %swap3A_47] : memref<64x512xf32, #tpu.memory_space<vmem>>, vector<64x512xf32>
      tpu.vector_store %arg3[%swap3A_46, %swap3A_47], %add3A_45 {strides = array<i32>} : memref<64x512xf32, #tpu.memory_space<vmem>>, vector<64x512xf32>,
      %get3A_49 = arith.constant 0 : index
      %get3A_50 = arith.constant 0 : index
      %get3A_51 = vector.load %arg4[%get3A_49, %get3A_50] : memref<64x128xf32, #tpu.memory_space<vmem>>, vector<64x128xf32>
      %add3A_52 = arith.addf %get3A_51, %broadcast_in_dim3A_32 : vector<64x128xf32>
      %swap3A_53 = arith.constant 0 : index
      %swap3A_54 = arith.constant 0 : index
      %swap3A_55 = vector.load %arg4[%swap3A_53, %swap3A_54] : memref<64x128xf32, #tpu.memory_space<vmem>>, vector<64x128xf32>
      tpu.vector_store %arg4[%swap3A_53, %swap3A_54], %add3A_52 {strides = array<i32>} : memref<64x128xf32, #tpu.memory_space<vmem>>, vector<64x128xf32>,
    } else {
    }
    %slice3A = vector.extract_strided_slice %select_n3A {offsets = [0, 511], sizes = [1024, 1], strides = [1, 1]} : vector<1024x512xf32> to vector<1024x1xf32>
    %squeeze3A = vector.shape_cast %slice3A : vector<1024x1xf32> to vector<1024xf32>
    %swap3A = arith.constant 0 : index
    %swap3A_41 = vector.load %arg5[%swap3A] : memref<1024xf32, #tpu.memory_space<vmem>>, vector<1024xf32>
    tpu.vector_store %arg5[%swap3A], %squeeze3A {strides = array<i32>} : memref<1024xf32, #tpu.memory_space<vmem>>, vector<1024xf32>,
    return
  }
  func.func @transform_0(%arg0: i32) -> (i32, i32) {
    %c0_i32 = arith.constant 0 : i32
    %c0_i32_0 = arith.constant 0 : i32
    return %arg0, %c0_i32 : i32, i32
  }
  func.func @transform_1(%arg0: i32) -> i32 {
    %c0_i32 = arith.constant 0 : i32
    return %arg0 : i32
  }
  func.func @transform_2(%arg0: i32) -> (i32, i32) {
    %c0_i32 = arith.constant 0 : i32
    %c0_i32_0 = arith.constant 0 : i32
    %c0_i32_1 = arith.constant 0 : i32
    return %c0_i32, %c0_i32_0 : i32, i32
  }
  func.func @transform_3(%arg0: i32) -> (i32, i32) {
    %c0_i32 = arith.constant 0 : i32
    %c0_i32_0 = arith.constant 0 : i32
    %c0_i32_1 = arith.constant 0 : i32
    return %c0_i32, %c0_i32_0 : i32, i32
  }
  func.func @transform_4(%arg0: i32) -> i32 {
    %c0_i32 = arith.constant 0 : i32
    return %arg0 : i32
  }
}

</mosaic_0001>

<sc_bundles>
// kernel: kernel.5.cloned.1.call-start
scs
__scs_entry_jumppad:
0x0: {  	(pc) =	sbr.rel $0x88, $3  }
0x1: {  	(tag) =	ssettag $0x0;
	lr =	simm.s32 $0x1  }
0x2: {  	[smem:$0x3F9F] =	sst lr;
	_ =	strace $0xD0000000  }
0x3: {  	_ = 	snop  }
0x4: {  	_ = 	snop  }
0x5: {  	_ = 	snop  }
0x6: {  	_ = 	snop  }
0x7: {  	_ = 	snop  }
__scs_overlays_trampoline_lowered:
0x8: {  	[smem:$0x3FAE] =	sst s0  }
0x9: {  	[smem:$0x3FAF] =	sst s1  }
0xa: {  	[smem:$0x3FB0] =	sst s2  }
0xb: {  	[smem:$0x3FB1] =	sst s3  }
0xc: {  	[smem:$0x3FB2] =	sst s4  }
0xd: {  	[smem:$0x3FB3] =	sst s5  }
0xe: {  	[smem:$0x3FB4] =	sst s6  }
0xf: {  	[smem:$0x3FB5] =	sst s7  }
0x10: {  	[smem:$0x3FB6] =	sst s8  }
0x11: {  	[smem:$0x3FB7] =	sst s9;
	s0 =	simm.s32 @!p0 $0x0  }
0x12: {  	s1 =	sld [smem:$0x3F9D];
	s0 =	simm.s32 @p0 $0x1  }
0x13: {  	[smem:$0x3FB8] =	sst s0;
	s0 =	simm.s32 @!p1 $0x0  }
0x14: {  	s2 =	sld [smem:$0x3F9C];
	s0 =	simm.s32 @p1 $0x1  }
0x15: {  	[smem:$0x3FB9] =	sst s0;
	s0 =	simm.s32 @!p2 $0x0  }
0x16: {  	s3 =	sld [smem:$0x3FDB];
	s0 =	simm.s32 @p2 $0x1  }
0x17: {  	s4 =	simm.s32 $0x1BF5;
	[smem:$0x3FBB] =	sst s0  }
0x18: {  	s0 =	sld [smem:$0x3F9E];
	_ =	swait.ge [sflag:s4], $0x0  }
0x19: {  	s7 =	sld [smem:$0x3F9F]  }
0x1a: {  	s8 =	sadd.s32 $0xFFFFE003, lr  }
0x1b: {  	s9 =	sadd.s32 $0xFFFFFEF7, lr;
	s5 =	simm.s32 $0xFFFFFFFF;
	p2 =	slt.u32 s8, $0xFFFFF086  }
0x1c: {  	p1 =	slt.u32 s9, $0xF7A;
	s5 =	simm.s32 @!p2 $0x0  }
0x1d: {  	s5 =	simm.s32 @p1 $0x1;
	p0 =	seq.s32 s7, s2  }
0x1e: {  	s7 =	smul.u32 @!p0 $0xF7A, s2;
	p2 =	seq.s32 @!p0 s5, $0x0  }
0x1f: {  	s9 =	smul.u32 $0xF7A, s1;
	s8 =	simm.s32 @!p0 $0x1BF5;
	p2 =	por !p2, p0  }
0x20: {  	[sflag:s8] =	ssyncset.s32 @!p0 $0xFFFFF086;
	s6 =	sadd.s32 @!p0 s3, s7;
	s7 =	simm.s32 @!p0 $0x108  }
0x21: {  	s3 =	sadd.s32 s3, s9;
	s6 =	sadd.s32 @!p0 $0x88, s6;
	s7 =	simm.s32 @p2 $0x1082  }
0x22: {  	[simem:s7], [sflag:s8] =	dma.local @!p0 [hbm:s6], $0xF7A  }
0x23: {  	s9 =	sor.u32 $0xD0000000, s2;
	s6 =	simm.s32 $0x108;
	_ =	swait.ge @!p0 [sflag:s8], $0x0  }
0x24: {  	s3 =	sadd.s32 $0x88, s3;
	s6 =	simm.s32 @!p1 $0x1082;
	[sflag:s4] =	ssyncset.s32 $0xFFFFF086  }
0x25: {  	[simem:s6], [sflag:s4] =	dma.local [hbm:s3], $0xF7A  }
0x26: {  	[smem:$0x3F9F] =	sst s1;
	(tag) =	ssettag s2;
	_ =	strace s9  }
0x27: {  	s1 =	sld [smem:$0x3FAF]  }
0x28: {  	s2 =	sld [smem:$0x3FB0]  }
0x29: {  	s4 =	sld [smem:$0x3FB2]  }
0x2a: {  	p0 =	seq.s32 s5, $0x0;
	s5 =	sld [smem:$0x3FB3]  }
0x2b: {  	s6 =	sld [smem:$0x3FB4]  }
0x2c: {  	s7 =	sld [smem:$0x3FB5]  }
0x2d: {  	s3 =	simm.s32 $0x108;
	s8 =	sld [smem:$0x3FB6]  }
0x2e: {  	s3 =	simm.s32 @!p0 $0x1082;
	s9 =	sld [smem:$0x3FB7]  }
0x2f: {  	lr =	sadd.s32 s0, s3;
	s0 =	sld [smem:$0x3FAE]  }
0x30: {  	s3 =	sld [smem:$0x3FB1]  }
0x31: {  	[smem:$0x3FBA] =	sst s10  }
0x32: {  	s10 =	sld [smem:$0x3FB8];
	_ =	sdelay $0x3  }
0x33: {  	p0 =	seq.s32 s10, $0x1;
	s10 =	sld [smem:$0x3FBA];
	_ =	sdelay $0x3  }
0x34: {  	[smem:$0x3FBA] =	sst s10  }
0x35: {  	s10 =	sld [smem:$0x3FB9];
	_ =	sdelay $0x3  }
0x36: {  	p1 =	seq.s32 s10, $0x1;
	s10 =	sld [smem:$0x3FBA];
	_ =	sdelay $0x3  }
0x37: {  	[smem:$0x3FBA] =	sst s10  }
0x38: {  	s10 =	sld [smem:$0x3FBB]  }
0x39: {  	_ = 	snop;
	(pc) =	sbr.ind lr, $3  }
0x3a: {  	_ = 	snop  }
0x3b: {  	_ = 	snop  }
0x3c: {  	p2 =	seq.s32 s10, $0x1;
	s10 =	sld [smem:$0x3FBA]  }
0x3d: {  	_ =	shalt  }
0x3e: {  	_ =	shalt  }
0x3f: {  	_ =	shalt  }
0x40: {  	_ =	shalt  }
0x41: {  	_ =	shalt  }
0x42: {  	_ =	shalt  }
0x43: {  	_ =	shalt  }
0x44: {  	_ =	shalt  }
0x45: {  	_ =	shalt  }
0x46: {  	_ =	shalt  }
0x47: {  	_ =	shalt  }
0x48: {  	_ =	shalt  }
0x49: {  	_ =	shalt  }
0x4a: {  	_ =	shalt  }
0x4b: {  	_ =	shalt  }
0x4c: {  	_ =	shalt  }
0x4d: {  	_ =	shalt  }
0x4e: {  	_ =	shalt  }
0x4f: {  	_ =	shalt  }
0x50: {  	_ =	shalt  }
0x51: {  	_ =	shalt  }
0x52: {  	_ =	shalt  }
0x53: {  	_ =	shalt  }
0x54: {  	_ =	shalt  }
0x55: {  	_ =	shalt  }
0x56: {  	_ =	shalt  }
0x57: {  	_ =	shalt  }
0x58: {  	_ =	shalt  }
0x59: {  	_ =	shalt  }
0x5a: {  	_ =	shalt  }
0x5b: {  	_ =	shalt  }
0x5c: {  	_ =	shalt  }
0x5d: {  	_ =	shalt  }
0x5e: {  	_ =	shalt  }
0x5f: {  	_ =	shalt  }
0x60: {  	_ =	shalt  }
0x61: {  	_ =	shalt  }
0x62: {  	_ =	shalt  }
0x63: {  	_ =	shalt  }
0x64: {  	_ =	shalt  }
0x65: {  	_ =	shalt  }
0x66: {  	_ =	shalt  }
0x67: {  	_ =	shalt  }
0x68: {  	_ =	shalt  }
0x69: {  	_ =	shalt  }
0x6a: {  	_ =	shalt  }
0x6b: {  	_ =	shalt  }
0x6c: {  	_ =	shalt  }
0x6d: {  	_ =	shalt  }
0x6e: {  	_ =	shalt  }
0x6f: {  	_ =	shalt  }
0x70: {  	_ =	shalt  }
0x71: {  	_ =	shalt  }
0x72: {  	_ =	shalt  }
0x73: {  	_ =	shalt  }
0x74: {  	_ =	shalt  }
0x75: {  	_ =	shalt  }
0x76: {  	_ =	shalt  }
0x77: {  	_ =	shalt  }
0x78: {  	_ =	shalt  }
0x79: {  	_ =	shalt  }
0x7a: {  	_ =	shalt  }
0x7b: {  	_ =	shalt  }
0x7c: {  	_ =	shalt  }
0x7d: {  	_ =	shalt  }
0x7e: {  	_ =	shalt  }
0x7f: {  	_ =	shalt  }
0x80: {  	_ =	shalt  }
0x81: {  	_ =	shalt  }
0x82: {  	_ =	shalt  }
0x83: {  	_ =	shalt  }
0x84: {  	_ =	shalt  }
0x85: {  	_ =	shalt  }
0x86: {  	_ =	shalt  }
0x87: {  	_ =	shalt  }
.Lfunc_end0:
.L_simem_size_0:
called_computation_lowered:
.L_overlay_start_0:
0x88: {  	s2 =	sld [smem:$0x3FD9]  }
0x89: {  	s3 =	sld [smem:$0x3FFE];
	_ =	sdelay $0x1  }
0x8a: {  	s1 =	srdreg.scid  }
0x8b: {  	s0 =	sand.u32 $0x1, s1  }
0x8c: {  	s17 =	sshll.u32 s0, $0xA;
	s2 =	sadd.s32 s3, s2  }
0x8d: {  	s2 =	sadd.s32 s2, s17  }
0x8e: {  	[smem:$0x3FC6] =	sst s2  }
0x8f: {  	_ = 	snop  }
0x90: {  	s2 =	sld [smem:$0x3FC8]  }
0x91: {  	s18 =	sld [smem:$0x3FD0];
	(tm) =	ssettm $0x1  }
0x92: {  	s4 =	sld [smem:$0x3FFB];
	_ =	sdelay $0x3  }
0x93: {  	_ =	strace s4  }
0x94: {  	s4 =	sld [smem:$0x3FFC];
	_ =	sdelay $0x3  }
0x95: {  	_ =	strace s4  }
0x96: {  	s4 =	sld [smem:$0x3FFD];
	_ =	sdelay $0x3  }
0x97: {  	_ =	strace s4  }
0x98: {  	_ =	strace $0x8FFFFFFF  }
0x99: {  	s19 =	sld [smem:$0x3FDB];
	_ =	sdelay $0x1  }
0x9a: {  	s5 =	simm.s32 $_scs_section_size  }
0x9b: {  	s6 =	simm.s32 $_size__tile_overlayer_lowered;
	s7 =	simm.s32 $_tile_overlayer_lowered  }
0x9c: {  	s22 =	simm.s32 $0x1BFF;
	s21 =	sshll.u32 s7, $0x1;
	s4 =	sadd.s32 s5, s19  }
0x9d: {  	s8 =	simm.s32 $0x0;
	s20 =	sshll.u32 s6, $0x1;
	s6 =	sadd.s32 s21, s4  }
0x9e: {  	[timem:s8], [sflag:s22] =	dma.local [hbm:s6], s20  }
0x9f: {  	_ =	swait.ge [sflag:s22], s20  }
0xa0: {  	s5 =	ssub.s32 $0x0, s20;
	[sflag:s22] =	ssyncset.done $0x0  }
0xa1: {  	[sflag:s22] =	ssyncadd.s32 s5;
	_ =	sdelay $0x1  }
0xa2: {  	s23 =	simm.s32 $0x1B8B  }
0xa3: {  	_ =	swait.ge [sflag:s23], $0x1  }
0xa4: {  	[sflag:s23] =	ssyncset.done $0x0  }
0xa5: {  	s25 =	simm.s32 $0x1B8E;
	s24 =	sld [smem:$0x3FFE];
	[sflag:s23] =	ssyncadd.s32 $0xFFFFFFFF  }
0xa6: {  	s26 =	simm.s32 $execute0_lowered;
	[smem:$0x3FD2] =	sst s25  }
0xa7: {  	s6 =	sshll.u32 s26, $0x1;
	_ =	strace $0x80000046;
	[dreg:$0x1] =	wrdreg $0xFFFFFFFF  }
0xa8: {  	s28 =	simm.s32 $_size_execute0_lowered;
	s4 =	sadd.s32 s4, s6;
	[dreg:$0x0] =	wrdreg $0x0  }
0xa9: {  	s6 =	sshll.u32 s28, $0x1;
	[dreg:$0x2] =	wrdreg s4  }
0xaa: {  	[dreg:$0x3] =	wrdreg s6  }
0xab: {  	[dreg:$0x4] =	wrdreg $0xC0  }
0xac: {  	_ =	task [dreg:s8], $0x5FFFF  }
0xad: {  	[dreg:$0x1] =	wrdreg $0xFFFFFFFF  }
0xae: {  	[dreg:$0x0] =	wrdreg $0x60  }
0xaf: {  	[dreg:$0x2] =	wrdreg s18  }
0xb0: {  	[dreg:$0x3] =	wrdreg s2  }
0xb1: {  	[dreg:$0x4] =	wrdreg s24  }
0xb2: {  	[dreg:$0x5] =	wrdreg $0x9  }
0xb3: {  	_ =	task.clear_ibuf [dreg:s8], $0x6FFFF;
	_ =	strace $0x90000046  }
0xb4: {  	s29 =	simm.s32 $0x9;
	_ =	strace $0x80000048  }
0xb5: {  	_ =	swait.ge [sflag:s29], $0x1  }
0xb6: {  	[sflag:s29] =	ssyncadd.s32 $0xFFFFFFFF  }
0xb7: {  	_ =	strace $0x90000048  }
0xb8: {  	_ =	sfence  }
0xb9: {  	s30 =	sld [smem:$0x0];
	_ =	sdelay $0x2  }
0xba: {  	s31 =	sshll.u32 s1, $0xD;
	s1 =	sshrl.u32 s1, $0x2  }
0xbb: {  	s3 =	sand.u32 $0x4000, s31;
	s1 =	sadd.s32 s1, s30  }
0xbc: {  	s0 =	sor.u32 s3, s0;
	s1 =	sshll.u32 s1, $0x11  }
0xbd: {  	s0 =	sor.u32 s1, s0  }
0xbe: {  	s0 =	sadd.s32 $0x8F2B, s0  }
0xbf: {  	[sflag:s0] =	ssyncadd.remote.s32 $0x1  }
0xc0: {  	_ =	sfence.sel $0xFFFF  }
0xc1: {  	[dreg:$0x0] =	wrdreg $0xFFFFFFFF;
	(pc) =	sbr.abs _section_cstart, $3  }
0xc2: {  	[dreg:$0x1] =	wrdreg $0xFFFFFFFF  }
0xc3: {  	_ =	task.clear_ibuf [dreg:s8], $0x2FFFF;
	_ =	strace $0x9FFFFFFF  }
0xc4: {  	(tm) =	ssettm $0x7FFFFFFF  }
0xc5: {  	_ =	shalt  }
tec
execute0_lowered:
.L_overlay_start_1:
0x0: {  	(tag) =	ssettag $0x1  }
0x1: {  	s3 =	rddreg [dreg:$0x0]  }
0x2: {  	s4 =	rddreg [dreg:$0x1]  }
0x3: {  	s0 =	srdreg.scid;
	s6 =	rddreg [dreg:$0x2]  }
0x4: {  	s2 =	simm.s32 $0x0;
	s5 =	sand.u32 $0x1, s0;
	s0 =	rddreg [dreg:$0x3]  }
0x5: {  	s1 =	stileid.u32;
	s12 =	simm.s32 $0x0;
	[smem:$0x7FF] =	sst s2  }
0x6: {  	s11 =	smul.u32 $0x620, s1;
	s7 =	sshll.u32 s5, $0x4;
	_ =	strace $0x80000047  }
0x7: {  	s29 =	ssub.s32 $0x2, s5;
	s10 =	smul.u32 $0x6200, s5;
	s7 =	sor.u32 s1, s7  }
0x8: {  	s30 =	sshrl.u32 s29, $0x1;
	s8 =	sshll.u32 s7, $0xA;
	s7 =	smul.u32 $0x620, s7  }
.Ltmp0:
0x9: {  	s31 =	sadd.s32 s11, s10;
	s10 =	simm.s32 $0xD00;
	(pc) =	sbr.rel .LBB2_1-.Ltmp0, $4  }
0xa: {  	s11 =	simm.s32 $0x2D00;
	s6 =	sadd.s32 s8, s6;
	s8 =	ssub.s32 s29, s30  }
0xb: {  	s9 =	smin.u32 s7, $0xBD30;
	s5 =	sadd.s32 $0x2A00, s6;
	s6 =	sadd.s32 $0xAA00, s6  }
0xc: {  	v0 =	vmov s7;
	s7 =	smax.u32 s8, $0x1;
	s8 =	smin.u32 s31, $0xBD30;
	s9 =	sshrl.u32 s9, $0x3  }
0xd: {  	v1 =	vimm.f32 $-3.000000010e+38;
	v2 =	vimm.s32 $0x0;
	v3 =	vlaneseq.u32;
	s3 =	sadd.s32 s3, s9;
	s4 =	sadd.s32 s4, s9;
	s9 =	simm.s32 $0x1  }
.LBB2_7:
0xe: {  	[hbm4b:s5+s2] =	stream.linear.scatter [tilespmem:s10], [sflag:$0x1], $0x2000, $0x38;
	[tilespmem:$0x4D00] =	vst v63  }
0xf: {  	s12 =	sadd.s32 $0x1, s12;
	_ =	swait.ge [sflag:s9], $0x2000  }
0x10: {  	p0 =	sne.s32 s12, s7;
	[sflag:s9] =	ssyncset.done $0x0  }
.Ltmp1:
0x11: {  	[sflag:s9] =	ssyncadd.s32 $0xFFFFE000;
	(pc) =	sbr.rel @!p0 .LBB2_8-.Ltmp1, $4  }
0x12: {  	[hbm4b:s6+s2] =	stream.linear.scatter [tilespmem:s11], [sflag:$0x1], $0x2000, $0x38;
	[tilespmem:$0x4D00] =	vst v63  }
0x13: {  	_ =	swait.ge [sflag:s9], $0x2000  }
0x14: {  	[sflag:s9] =	ssyncset.done $0x0  }
0x15: {  	[sflag:s9] =	ssyncadd.s32 $0xFFFFE000  }
.LBB2_1:
0x16: {  	s13 =	simm.s32 $0x200;
	s14 =	simm.s32 $0x0  }
.LBB2_2:
0x17: {  	p0 =	sne.s32 s13, $0x7E00;
	[tilespmem:s14+$0xD00] =	vst v1;
	s15 =	smov.u32 s13;
	s13 =	sadd.s32 $0x200, s13  }
.Ltmp2:
0x18: {  	[tilespmem:s14+$0x2D00] =	vst v2;
	(pc) =	sbr.rel @p0 .LBB2_2-.Ltmp2, $2  }
0x19: {  	_ =	sdelay $0x2  }
0x1a: {  	s14 =	sshra.s32 s15, $0x2  }
0x1b: {  	[tilespmem:s14+$0xD00] =	vst v1  }
0x1c: {  	[tilespmem:s14+$0x2D00] =	vst v2;
	s13 =	simm.s32 $0x0  }
0x1d: {  	[tilespmem:s13], [sflag:$0x1] =	stream.linear.gather [hbm4b:s3+s13], $0x620, $0x38;
	[tilespmem:$0x4D00] =	vst v63  }
0x1e: {  	_ =	swait.ge [sflag:s9], $0x620  }
0x1f: {  	[sflag:s9] =	ssyncset.done $0x0  }
.Ltmp3:
0x20: {  	s14 =	simm.s32 $0x680;
	[sflag:s9] =	ssyncadd.s32 $0xFFFFF9E0;
	(pc) =	sbr.rel .LBB2_4-.Ltmp3, $4  }
0x21: {  	[tilespmem:s14], [sflag:$0x1] =	stream.linear.gather [hbm4b:s4+s13], $0x620, $0x38;
	[tilespmem:$0x4D00] =	vst v63  }
0x22: {  	_ =	swait.ge [sflag:s9], $0x620  }
0x23: {  	[sflag:s9] =	ssyncset.done $0x0  }
0x24: {  	s15 =	simm.s32 $0x0;
	[sflag:s9] =	ssyncadd.s32 $0xFFFFF9E0  }
.LBB2_6:
0x25: {  	s15 =	sadd.s32 $0x10, s15  }
0x26: {  	p0 =	sne.s32 s15, $0x620  }
.Ltmp4:
0x27: {  	_ = 	snop;
	(pc) =	sbr.rel @!p0 .LBB2_7-.Ltmp4, $2  }
0x28: {  	_ =	sdelay $0x2  }
0x29: {  	s14 =	sadd.s32 $0x10, s14;
	s13 =	sadd.s32 $0x10, s13  }
.LBB2_4:
0x2a: {  	v4 =	vld [tilespmem:s14+$0x0];
	_ =	sdelay $0x4  }
0x2b: {  	v4 =	vshll.u32 v4, $0x7  }
0x2c: {  	v5 =	vor.u32 $0x2, v4;
	_ =	sdelay $0x3  }
0x2d: {  	v6 =	vld [tilespmem:s13+$0x0]  }
0x2e: {  	v7 =	vld.idx.msk [tilespmem:v5+s10+$0x0], $0xffff  }
0x2f: {  	s16 =	sadd.s32 s15, s8  }
0x30: {  	v5 =	vor.u32 s16, v3  }
0x31: {  	vm0 =	vlt.u32 v5, v0  }
0x32: {  	v5 =	vsel vm0, $0xFF61B1E6, v6  }
0x33: {  	vm0 =	vgt.f32 v5, v7  }
0x34: {  	v6 =	vmpcnt.ones.xlane vm0;
	_ =	sdelay $0x1  }
0x35: {  	(v2sf) =	vpush v6, $0x0;
	_ =	sdelay $0xe  }
0x36: {  	s17 =	spop (v2sf)  }
0x37: {  	p0 =	slt.s32 s17, $0x1  }
.Ltmp5:
0x38: {  	_ = 	snop;
	(pc) =	sbr.rel @p0 .LBB2_6-.Ltmp5, $1  }
0x39: {  	_ =	sdelay $0x3  }
0x3a: {  	(v2sf) =	vpush v5, $0x0  }
0x3b: {  	(v2sf) =	vpush v4, $0x0;
	_ =	sdelay $0xd  }
0x3c: {  	s17 =	spop (v2sf)  }
0x3d: {  	s18 =	spop (v2sf)  }
0x3e: {  	v6 =	vld [tilespmem:s18+$0xD00];
	_ =	sdelay $0x2  }
0x3f: {  	v7 =	vld [tilespmem:s18+$0x2D00];
	_ =	sdelay $0x1  }
0x40: {  	(v2sf) =	vpush v6, $0x0  }
0x41: {  	(v2sf) =	vpush v6, $0x1  }
0x42: {  	(v2sf) =	vpush v6, $0x2  }
0x43: {  	(v2sf) =	vpush v7, $0x0  }
0x44: {  	(v2sf) =	vpush v7, $0x1  }
0x45: {  	(v2sf) =	vpush v7, $0x2;
	_ =	sdelay $0x4  }
0x46: {  	(v2sf) =	vpush v5, $0x1  }
0x47: {  	(v2sf) =	vpush v4, $0x1;
	_ =	sdelay $0x3  }
0x48: {  	s19 =	spop (v2sf)  }
0x49: {  	s20 =	spop (v2sf)  }
0x4a: {  	p1 =	sgt.f32 s17, s19;
	s21 =	spop (v2sf)  }
0x4b: {  	p0 =	sgt.f32 s17, s20;
	s22 =	spop (v2sf)  }
0x4c: {  	s25 =	smov.u32 s20;
	p2 =	sgt.f32 s17, s21;
	s23 =	spop (v2sf)  }
0x4d: {  	s26 =	smov.u32 s22;
	s25 =	smov.u32 @p0 s17;
	s24 =	spop (v2sf)  }
0x4e: {  	vm0 =	veq.s32 v3, $0x0;
	s25 =	smov.u32 @p1 s19;
	s28 =	smov.u32 s23;
	s19 =	smov.u32 @p1 s17  }
0x4f: {  	vm1 =	veq.s32 v3, $0x1;
	s26 =	smov.u32 @p1 s16;
	s21 =	smov.u32 @p2 s17;
	s28 =	smov.u32 @p0 s16;
	v6 =	vsel vm0, s19, v6  }
0x50: {  	vm2 =	veq.s32 v3, $0x2;
	s21 =	smov.u32 @p0 s20;
	s24 =	smov.u32 @p2 s16;
	v7 =	vsel vm0, s26, v7;
	s28 =	smov.u32 @p1 s22;
	v6 =	vsel vm1, s25, v6  }
0x51: {  	s24 =	smov.u32 @p0 s23;
	v6 =	vsel vm2, s21, v6;
	v7 =	vsel vm1, s28, v7  }
0x52: {  	s17 =	spop (v2sf);
	v7 =	vsel vm2, s24, v7;
	[tilespmem:s18+$0xD00] =	vst v6  }
0x53: {  	s31 =	spop (v2sf);
	[tilespmem:s18+$0x2D00] =	vst v7  }
0x54: {  	v6 =	vld [tilespmem:s31+$0xD00];
	_ =	sdelay $0x2  }
0x55: {  	v7 =	vld [tilespmem:s31+$0x2D00];
	_ =	sdelay $0x1  }
0x56: {  	(v2sf) =	vpush v6, $0x0  }
0x57: {  	(v2sf) =	vpush v6, $0x1  }
0x58: {  	(v2sf) =	vpush v6, $0x2  }
0x59: {  	(v2sf) =	vpush v7, $0x0  }
0x5a: {  	(v2sf) =	vpush v7, $0x1  }
0x5b: {  	(v2sf) =	vpush v7, $0x2;
	_ =	sdelay $0x4  }
0x5c: {  	(v2sf) =	vpush v5, $0x2  }
0x5d: {  	(v2sf) =	vpush v4, $0x2;
	_ =	sdelay $0x3  }
0x5e: {  	s19 =	spop (v2sf)  }
0x5f: {  	s20 =	spop (v2sf)  }
0x60: {  	p1 =	sgt.f32 s17, s19;
	s21 =	spop (v2sf)  }
0x61: {  	s26 =	sadd.s32 $0x1, s16;
	p0 =	sgt.f32 s17, s20;
	s22 =	spop (v2sf)  }
0x62: {  	s25 =	smov.u32 s20;
	p2 =	sgt.f32 s17, s21;
	s23 =	spop (v2sf)  }
0x63: {  	s28 =	smov.u32 s22;
	s25 =	smov.u32 @p0 s17;
	s24 =	spop (v2sf)  }
0x64: {  	s25 =	smov.u32 @p1 s19;
	s29 =	smov.u32 s23;
	s19 =	smov.u32 @p1 s17  }
0x65: {  	s28 =	smov.u32 @p1 s26;
	s21 =	smov.u32 @p2 s17;
	s29 =	smov.u32 @p0 s26;
	v6 =	vsel vm0, s19, v6  }
0x66: {  	s21 =	smov.u32 @p0 s20;
	s24 =	smov.u32 @p2 s26;
	v7 =	vsel vm0, s28, v7;
	s29 =	smov.u32 @p1 s22;
	v6 =	vsel vm1, s25, v6  }
0x67: {  	s24 =	smov.u32 @p0 s23;
	v6 =	vsel vm2, s21, v6;
	v7 =	vsel vm1, s29, v7  }
0x68: {  	s17 =	spop (v2sf);
	v7 =	vsel vm2, s24, v7;
	[tilespmem:s31+$0xD00] =	vst v6  }
0x69: {  	s30 =	spop (v2sf);
	[tilespmem:s31+$0x2D00] =	vst v7  }
0x6a: {  	v6 =	vld [tilespmem:s30+$0xD00];
	_ =	sdelay $0x2  }
0x6b: {  	v7 =	vld [tilespmem:s30+$0x2D00];
	_ =	sdelay $0x1  }
0x6c: {  	(v2sf) =	vpush v6, $0x0  }
0x6d: {  	(v2sf) =	vpush v6, $0x1  }
0x6e: {  	(v2sf) =	vpush v6, $0x2  }
0x6f: {  	(v2sf) =	vpush v7, $0x0  }
0x70: {  	(v2sf) =	vpush v7, $0x1  }
0x71: {  	(v2sf) =	vpush v7, $0x2;
	_ =	sdelay $0x4  }
0x72: {  	(v2sf) =	vpush v5, $0x3  }
0x73: {  	(v2sf) =	vpush v4, $0x3;
	_ =	sdelay $0x3  }
0x74: {  	s19 =	spop (v2sf)  }
0x75: {  	s20 =	spop (v2sf)  }
0x76: {  	p1 =	sgt.f32 s17, s19;
	s21 =	spop (v2sf)  }
0x77: {  	s26 =	sadd.s32 $0x2, s16;
	p0 =	sgt.f32 s17, s20;
	s22 =	spop (v2sf)  }
0x78: {  	s25 =	smov.u32 s20;
	p2 =	sgt.f32 s17, s21;
	s23 =	spop (v2sf)  }
0x79: {  	s28 =	smov.u32 s22;
	s25 =	smov.u32 @p0 s17;
	s24 =	spop (v2sf)  }
0x7a: {  	s25 =	smov.u32 @p1 s19;
	s29 =	smov.u32 s23;
	s19 =	smov.u32 @p1 s17  }
0x7b: {  	s28 =	smov.u32 @p1 s26;
	s21 =	smov.u32 @p2 s17;
	s29 =	smov.u32 @p0 s26;
	v6 =	vsel vm0, s19, v6  }
0x7c: {  	s21 =	smov.u32 @p0 s20;
	s24 =	smov.u32 @p2 s26;
	v7 =	vsel vm0, s28, v7;
	s29 =	smov.u32 @p1 s22;
	v6 =	vsel vm1, s25, v6  }
0x7d: {  	s24 =	smov.u32 @p0 s23;
	v6 =	vsel vm2, s21, v6;
	v7 =	vsel vm1, s29, v7  }
0x7e: {  	s17 =	spop (v2sf);
	v7 =	vsel vm2, s24, v7;
	[tilespmem:s30+$0xD00] =	vst v6  }
0x7f: {  	s31 =	spop (v2sf);
	[tilespmem:s30+$0x2D00] =	vst v7  }
0x80: {  	v6 =	vld [tilespmem:s31+$0xD00];
	_ =	sdelay $0x2  }
0x81: {  	v7 =	vld [tilespmem:s31+$0x2D00];
	_ =	sdelay $0x1  }
0x82: {  	(v2sf) =	vpush v6, $0x0  }
0x83: {  	(v2sf) =	vpush v6, $0x1  }
0x84: {  	(v2sf) =	vpush v6, $0x2  }
0x85: {  	(v2sf) =	vpush v7, $0x0  }
0x86: {  	(v2sf) =	vpush v7, $0x1  }
0x87: {  	(v2sf) =	vpush v7, $0x2;
	_ =	sdelay $0x4  }
0x88: {  	(v2sf) =	vpush v5, $0x4  }
0x89: {  	(v2sf) =	vpush v4, $0x4;
	_ =	sdelay $0x3  }
0x8a: {  	s19 =	spop (v2sf)  }
0x8b: {  	s20 =	spop (v2sf)  }
0x8c: {  	p1 =	sgt.f32 s17, s19;
	s21 =	spop (v2sf)  }
0x8d: {  	s26 =	sadd.s32 $0x3, s16;
	p0 =	sgt.f32 s17, s20;
	s22 =	spop (v2sf)  }
0x8e: {  	s25 =	smov.u32 s20;
	p2 =	sgt.f32 s17, s21;
	s23 =	spop (v2sf)  }
0x8f: {  	s28 =	smov.u32 s22;
	s25 =	smov.u32 @p0 s17;
	s24 =	spop (v2sf)  }
0x90: {  	s25 =	smov.u32 @p1 s19;
	s29 =	smov.u32 s23;
	s19 =	smov.u32 @p1 s17  }
0x91: {  	s28 =	smov.u32 @p1 s26;
	s21 =	smov.u32 @p2 s17;
	s29 =	smov.u32 @p0 s26;
	v6 =	vsel vm0, s19, v6  }
0x92: {  	s21 =	smov.u32 @p0 s20;
	s24 =	smov.u32 @p2 s26;
	v7 =	vsel vm0, s28, v7;
	s29 =	smov.u32 @p1 s22;
	v6 =	vsel vm1, s25, v6  }
0x93: {  	s24 =	smov.u32 @p0 s23;
	v6 =	vsel vm2, s21, v6;
	v7 =	vsel vm1, s29, v7  }
0x94: {  	s17 =	spop (v2sf);
	v7 =	vsel vm2, s24, v7;
	[tilespmem:s31+$0xD00] =	vst v6  }
0x95: {  	s30 =	spop (v2sf);
	[tilespmem:s31+$0x2D00] =	vst v7  }
0x96: {  	v6 =	vld [tilespmem:s30+$0xD00];
	_ =	sdelay $0x2  }
0x97: {  	v7 =	vld [tilespmem:s30+$0x2D00];
	_ =	sdelay $0x1  }
0x98: {  	(v2sf) =	vpush v6, $0x0  }
0x99: {  	(v2sf) =	vpush v6, $0x1  }
0x9a: {  	(v2sf) =	vpush v6, $0x2  }
0x9b: {  	(v2sf) =	vpush v7, $0x0  }
0x9c: {  	(v2sf) =	vpush v7, $0x1  }
0x9d: {  	(v2sf) =	vpush v7, $0x2;
	_ =	sdelay $0x4  }
0x9e: {  	(v2sf) =	vpush v5, $0x5  }
0x9f: {  	(v2sf) =	vpush v4, $0x5;
	_ =	sdelay $0x3  }
0xa0: {  	s19 =	spop (v2sf)  }
0xa1: {  	s20 =	spop (v2sf)  }
0xa2: {  	p1 =	sgt.f32 s17, s19;
	s21 =	spop (v2sf)  }
0xa3: {  	s26 =	sadd.s32 $0x4, s16;
	p0 =	sgt.f32 s17, s20;
	s22 =	spop (v2sf)  }
0xa4: {  	s25 =	smov.u32 s20;
	p2 =	sgt.f32 s17, s21;
	s23 =	spop (v2sf)  }
0xa5: {  	s28 =	smov.u32 s22;
	s25 =	smov.u32 @p0 s17;
	s24 =	spop (v2sf)  }
0xa6: {  	s25 =	smov.u32 @p1 s19;
	s29 =	smov.u32 s23;
	s19 =	smov.u32 @p1 s17  }
0xa7: {  	s28 =	smov.u32 @p1 s26;
	s21 =	smov.u32 @p2 s17;
	s29 =	smov.u32 @p0 s26;
	v6 =	vsel vm0, s19, v6  }
0xa8: {  	s21 =	smov.u32 @p0 s20;
	s24 =	smov.u32 @p2 s26;
	v7 =	vsel vm0, s28, v7;
	s29 =	smov.u32 @p1 s22;
	v6 =	vsel vm1, s25, v6  }
0xa9: {  	s24 =	smov.u32 @p0 s23;
	v6 =	vsel vm2, s21, v6;
	v7 =	vsel vm1, s29, v7  }
0xaa: {  	s17 =	spop (v2sf);
	v7 =	vsel vm2, s24, v7;
	[tilespmem:s30+$0xD00] =	vst v6  }
0xab: {  	s31 =	spop (v2sf);
	[tilespmem:s30+$0x2D00] =	vst v7  }
0xac: {  	v6 =	vld [tilespmem:s31+$0xD00];
	_ =	sdelay $0x2  }
0xad: {  	v7 =	vld [tilespmem:s31+$0x2D00];
	_ =	sdelay $0x1  }
0xae: {  	(v2sf) =	vpush v6, $0x0  }
0xaf: {  	(v2sf) =	vpush v6, $0x1  }
0xb0: {  	(v2sf) =	vpush v6, $0x2  }
0xb1: {  	(v2sf) =	vpush v7, $0x0  }
0xb2: {  	(v2sf) =	vpush v7, $0x1  }
0xb3: {  	(v2sf) =	vpush v7, $0x2;
	_ =	sdelay $0x4  }
0xb4: {  	(v2sf) =	vpush v5, $0x6  }
0xb5: {  	(v2sf) =	vpush v4, $0x6;
	_ =	sdelay $0x3  }
0xb6: {  	s19 =	spop (v2sf)  }
0xb7: {  	s20 =	spop (v2sf)  }
0xb8: {  	p1 =	sgt.f32 s17, s19;
	s21 =	spop (v2sf)  }
0xb9: {  	s26 =	sadd.s32 $0x5, s16;
	p0 =	sgt.f32 s17, s20;
	s22 =	spop (v2sf)  }
0xba: {  	s25 =	smov.u32 s20;
	p2 =	sgt.f32 s17, s21;
	s23 =	spop (v2sf)  }
0xbb: {  	s28 =	smov.u32 s22;
	s25 =	smov.u32 @p0 s17;
	s24 =	spop (v2sf)  }
0xbc: {  	s25 =	smov.u32 @p1 s19;
	s29 =	smov.u32 s23;
	s19 =	smov.u32 @p1 s17  }
0xbd: {  	s28 =	smov.u32 @p1 s26;
	s21 =	smov.u32 @p2 s17;
	s29 =	smov.u32 @p0 s26;
	v6 =	vsel vm0, s19, v6  }
0xbe: {  	s21 =	smov.u32 @p0 s20;
	s24 =	smov.u32 @p2 s26;
	v7 =	vsel vm0, s28, v7;
	s29 =	smov.u32 @p1 s22;
	v6 =	vsel vm1, s25, v6  }
0xbf: {  	s24 =	smov.u32 @p0 s23;
	v6 =	vsel vm2, s21, v6;
	v7 =	vsel vm1, s29, v7  }
0xc0: {  	s17 =	spop (v2sf);
	v7 =	vsel vm2, s24, v7;
	[tilespmem:s31+$0xD00] =	vst v6  }
0xc1: {  	s30 =	spop (v2sf);
	[tilespmem:s31+$0x2D00] =	vst v7  }
0xc2: {  	v6 =	vld [tilespmem:s30+$0xD00];
	_ =	sdelay $0x2  }
0xc3: {  	v7 =	vld [tilespmem:s30+$0x2D00];
	_ =	sdelay $0x1  }
0xc4: {  	(v2sf) =	vpush v6, $0x0  }
0xc5: {  	(v2sf) =	vpush v6, $0x1  }
0xc6: {  	(v2sf) =	vpush v6, $0x2  }
0xc7: {  	(v2sf) =	vpush v7, $0x0  }
0xc8: {  	(v2sf) =	vpush v7, $0x1  }
0xc9: {  	(v2sf) =	vpush v7, $0x2;
	_ =	sdelay $0x4  }
0xca: {  	(v2sf) =	vpush v5, $0x7  }
0xcb: {  	(v2sf) =	vpush v4, $0x7;
	_ =	sdelay $0x3  }
0xcc: {  	s19 =	spop (v2sf)  }
0xcd: {  	s20 =	spop (v2sf)  }
0xce: {  	p1 =	sgt.f32 s17, s19;
	s21 =	spop (v2sf)  }
0xcf: {  	s26 =	sadd.s32 $0x6, s16;
	p0 =	sgt.f32 s17, s20;
	s22 =	spop (v2sf)  }
0xd0: {  	s25 =	smov.u32 s20;
	p2 =	sgt.f32 s17, s21;
	s23 =	spop (v2sf)  }
0xd1: {  	s28 =	smov.u32 s22;
	s25 =	smov.u32 @p0 s17;
	s24 =	spop (v2sf)  }
0xd2: {  	s25 =	smov.u32 @p1 s19;
	s29 =	smov.u32 s23;
	s19 =	smov.u32 @p1 s17  }
0xd3: {  	s28 =	smov.u32 @p1 s26;
	s21 =	smov.u32 @p2 s17;
	s29 =	smov.u32 @p0 s26;
	v6 =	vsel vm0, s19, v6  }
0xd4: {  	s21 =	smov.u32 @p0 s20;
	s24 =	smov.u32 @p2 s26;
	v7 =	vsel vm0, s28, v7;
	s29 =	smov.u32 @p1 s22;
	v6 =	vsel vm1, s25, v6  }
0xd5: {  	s24 =	smov.u32 @p0 s23;
	v6 =	vsel vm2, s21, v6;
	v7 =	vsel vm1, s29, v7  }
0xd6: {  	s17 =	spop (v2sf);
	v7 =	vsel vm2, s24, v7;
	[tilespmem:s30+$0xD00] =	vst v6  }
0xd7: {  	s31 =	spop (v2sf);
	[tilespmem:s30+$0x2D00] =	vst v7  }
0xd8: {  	v6 =	vld [tilespmem:s31+$0xD00];
	_ =	sdelay $0x2  }
0xd9: {  	v7 =	vld [tilespmem:s31+$0x2D00];
	_ =	sdelay $0x1  }
0xda: {  	(v2sf) =	vpush v6, $0x0  }
0xdb: {  	(v2sf) =	vpush v6, $0x1  }
0xdc: {  	(v2sf) =	vpush v6, $0x2  }
0xdd: {  	(v2sf) =	vpush v7, $0x0  }
0xde: {  	(v2sf) =	vpush v7, $0x1  }
0xdf: {  	(v2sf) =	vpush v7, $0x2;
	_ =	sdelay $0x4  }
0xe0: {  	(v2sf) =	vpush v5, $0x8  }
0xe1: {  	(v2sf) =	vpush v4, $0x8;
	_ =	sdelay $0x3  }
0xe2: {  	s19 =	spop (v2sf)  }
0xe3: {  	s20 =	spop (v2sf)  }
0xe4: {  	p1 =	sgt.f32 s17, s19;
	s21 =	spop (v2sf)  }
0xe5: {  	s26 =	sadd.s32 $0x7, s16;
	p0 =	sgt.f32 s17, s20;
	s22 =	spop (v2sf)  }
0xe6: {  	s25 =	smov.u32 s20;
	p2 =	sgt.f32 s17, s21;
	s23 =	spop (v2sf)  }
0xe7: {  	s28 =	smov.u32 s22;
	s25 =	smov.u32 @p0 s17;
	s24 =	spop (v2sf)  }
0xe8: {  	s25 =	smov.u32 @p1 s19;
	s29 =	smov.u32 s23;
	s19 =	smov.u32 @p1 s17  }
0xe9: {  	s28 =	smov.u32 @p1 s26;
	s21 =	smov.u32 @p2 s17;
	s29 =	smov.u32 @p0 s26;
	v6 =	vsel vm0, s19, v6  }
0xea: {  	s21 =	smov.u32 @p0 s20;
	s24 =	smov.u32 @p2 s26;
	v7 =	vsel vm0, s28, v7;
	s29 =	smov.u32 @p1 s22;
	v6 =	vsel vm1, s25, v6  }
0xeb: {  	s24 =	smov.u32 @p0 s23;
	v6 =	vsel vm2, s21, v6;
	v7 =	vsel vm1, s29, v7  }
0xec: {  	s17 =	spop (v2sf);
	v7 =	vsel vm2, s24, v7;
	[tilespmem:s31+$0xD00] =	vst v6  }
0xed: {  	s30 =	spop (v2sf);
	[tilespmem:s31+$0x2D00] =	vst v7  }
0xee: {  	v6 =	vld [tilespmem:s30+$0xD00];
	_ =	sdelay $0x2  }
0xef: {  	v7 =	vld [tilespmem:s30+$0x2D00];
	_ =	sdelay $0x1  }
0xf0: {  	(v2sf) =	vpush v6, $0x0  }
0xf1: {  	(v2sf) =	vpush v6, $0x1  }
0xf2: {  	(v2sf) =	vpush v6, $0x2  }
0xf3: {  	(v2sf) =	vpush v7, $0x0  }
0xf4: {  	(v2sf) =	vpush v7, $0x1  }
0xf5: {  	(v2sf) =	vpush v7, $0x2;
	_ =	sdelay $0x4  }
0xf6: {  	(v2sf) =	vpush v5, $0x9  }
0xf7: {  	(v2sf) =	vpush v4, $0x9;
	_ =	sdelay $0x3  }
0xf8: {  	s19 =	spop (v2sf)  }
0xf9: {  	s20 =	spop (v2sf)  }
0xfa: {  	p1 =	sgt.f32 s17, s19;
	s21 =	spop (v2sf)  }
0xfb: {  	s26 =	sadd.s32 $0x8, s16;
	p0 =	sgt.f32 s17, s20;
	s22 =	spop (v2sf)  }
0xfc: {  	s25 =	smov.u32 s20;
	p2 =	sgt.f32 s17, s21;
	s23 =	spop (v2sf)  }
0xfd: {  	s28 =	smov.u32 s22;
	s25 =	smov.u32 @p0 s17;
	s24 =	spop (v2sf)  }
0xfe: {  	s25 =	smov.u32 @p1 s19;
	s29 =	smov.u32 s23;
	s19 =	smov.u32 @p1 s17  }
0xff: {  	s28 =	smov.u32 @p1 s26;
	s21 =	smov.u32 @p2 s17;
	s29 =	smov.u32 @p0 s26;
	v6 =	vsel vm0, s19, v6  }
0x100: {  	s21 =	smov.u32 @p0 s20;
	s24 =	smov.u32 @p2 s26;
	v7 =	vsel vm0, s28, v7;
	s29 =	smov.u32 @p1 s22;
	v6 =	vsel vm1, s25, v6  }
0x101: {  	s24 =	smov.u32 @p0 s23;
	v6 =	vsel vm2, s21, v6;
	v7 =	vsel vm1, s29, v7  }
0x102: {  	s17 =	spop (v2sf);
	v7 =	vsel vm2, s24, v7;
	[tilespmem:s30+$0xD00] =	vst v6  }
0x103: {  	s31 =	spop (v2sf);
	[tilespmem:s30+$0x2D00] =	vst v7  }
0x104: {  	v6 =	vld [tilespmem:s31+$0xD00];
	_ =	sdelay $0x2  }
0x105: {  	v7 =	vld [tilespmem:s31+$0x2D00];
	_ =	sdelay $0x1  }
0x106: {  	(v2sf) =	vpush v6, $0x0  }
0x107: {  	(v2sf) =	vpush v6, $0x1  }
0x108: {  	(v2sf) =	vpush v6, $0x2  }
0x109: {  	(v2sf) =	vpush v7, $0x0  }
0x10a: {  	(v2sf) =	vpush v7, $0x1  }
0x10b: {  	(v2sf) =	vpush v7, $0x2;
	_ =	sdelay $0x4  }
0x10c: {  	(v2sf) =	vpush v5, $0xA  }
0x10d: {  	(v2sf) =	vpush v4, $0xA;
	_ =	sdelay $0x3  }
0x10e: {  	s19 =	spop (v2sf)  }
0x10f: {  	s20 =	spop (v2sf)  }
0x110: {  	p1 =	sgt.f32 s17, s19;
	s21 =	spop (v2sf)  }
0x111: {  	s26 =	sadd.s32 $0x9, s16;
	p0 =	sgt.f32 s17, s20;
	s22 =	spop (v2sf)  }
0x112: {  	s25 =	smov.u32 s20;
	p2 =	sgt.f32 s17, s21;
	s23 =	spop (v2sf)  }
0x113: {  	s28 =	smov.u32 s22;
	s25 =	smov.u32 @p0 s17;
	s24 =	spop (v2sf)  }
0x114: {  	s25 =	smov.u32 @p1 s19;
	s29 =	smov.u32 s23;
	s19 =	smov.u32 @p1 s17  }
0x115: {  	s28 =	smov.u32 @p1 s26;
	s21 =	smov.u32 @p2 s17;
	s29 =	smov.u32 @p0 s26;
	v6 =	vsel vm0, s19, v6  }
0x116: {  	s21 =	smov.u32 @p0 s20;
	s24 =	smov.u32 @p2 s26;
	v7 =	vsel vm0, s28, v7;
	s29 =	smov.u32 @p1 s22;
	v6 =	vsel vm1, s25, v6  }
0x117: {  	s24 =	smov.u32 @p0 s23;
	v6 =	vsel vm2, s21, v6;
	v7 =	vsel vm1, s29, v7  }
0x118: {  	s17 =	spop (v2sf);
	v7 =	vsel vm2, s24, v7;
	[tilespmem:s31+$0xD00] =	vst v6  }
0x119: {  	s30 =	spop (v2sf);
	[tilespmem:s31+$0x2D00] =	vst v7  }
0x11a: {  	v6 =	vld [tilespmem:s30+$0xD00];
	_ =	sdelay $0x2  }
0x11b: {  	v7 =	vld [tilespmem:s30+$0x2D00];
	_ =	sdelay $0x1  }
0x11c: {  	(v2sf) =	vpush v6, $0x0  }
0x11d: {  	(v2sf) =	vpush v6, $0x1  }
0x11e: {  	(v2sf) =	vpush v6, $0x2  }
0x11f: {  	(v2sf) =	vpush v7, $0x0  }
0x120: {  	(v2sf) =	vpush v7, $0x1  }
0x121: {  	(v2sf) =	vpush v7, $0x2;
	_ =	sdelay $0x4  }
0x122: {  	(v2sf) =	vpush v5, $0xB  }
0x123: {  	(v2sf) =	vpush v4, $0xB;
	_ =	sdelay $0x3  }
0x124: {  	s19 =	spop (v2sf)  }
0x125: {  	s20 =	spop (v2sf)  }
0x126: {  	p1 =	sgt.f32 s17, s19;
	s21 =	spop (v2sf)  }
0x127: {  	s26 =	sadd.s32 $0xA, s16;
	p0 =	sgt.f32 s17, s20;
	s22 =	spop (v2sf)  }
0x128: {  	s25 =	smov.u32 s20;
	p2 =	sgt.f32 s17, s21;
	s23 =	spop (v2sf)  }
0x129: {  	s28 =	smov.u32 s22;
	s25 =	smov.u32 @p0 s17;
	s24 =	spop (v2sf)  }
0x12a: {  	s25 =	smov.u32 @p1 s19;
	s29 =	smov.u32 s23;
	s19 =	smov.u32 @p1 s17  }
0x12b: {  	s28 =	smov.u32 @p1 s26;
	s21 =	smov.u32 @p2 s17;
	s29 =	smov.u32 @p0 s26;
	v6 =	vsel vm0, s19, v6  }
0x12c: {  	s21 =	smov.u32 @p0 s20;
	s24 =	smov.u32 @p2 s26;
	v7 =	vsel vm0, s28, v7;
	s29 =	smov.u32 @p1 s22;
	v6 =	vsel vm1, s25, v6  }
0x12d: {  	s24 =	smov.u32 @p0 s23;
	v6 =	vsel vm2, s21, v6;
	v7 =	vsel vm1, s29, v7  }
0x12e: {  	s17 =	spop (v2sf);
	v7 =	vsel vm2, s24, v7;
	[tilespmem:s30+$0xD00] =	vst v6  }
0x12f: {  	s31 =	spop (v2sf);
	[tilespmem:s30+$0x2D00] =	vst v7  }
0x130: {  	v6 =	vld [tilespmem:s31+$0xD00];
	_ =	sdelay $0x2  }
0x131: {  	v7 =	vld [tilespmem:s31+$0x2D00];
	_ =	sdelay $0x1  }
0x132: {  	(v2sf) =	vpush v6, $0x0  }
0x133: {  	(v2sf) =	vpush v6, $0x1  }
0x134: {  	(v2sf) =	vpush v6, $0x2  }
0x135: {  	(v2sf) =	vpush v7, $0x0  }
0x136: {  	(v2sf) =	vpush v7, $0x1  }
0x137: {  	(v2sf) =	vpush v7, $0x2;
	_ =	sdelay $0x4  }
0x138: {  	(v2sf) =	vpush v5, $0xC  }
0x139: {  	(v2sf) =	vpush v4, $0xC;
	_ =	sdelay $0x3  }
0x13a: {  	s19 =	spop (v2sf)  }
0x13b: {  	s20 =	spop (v2sf)  }
0x13c: {  	p1 =	sgt.f32 s17, s19;
	s21 =	spop (v2sf)  }
0x13d: {  	s26 =	sadd.s32 $0xB, s16;
	p0 =	sgt.f32 s17, s20;
	s22 =	spop (v2sf)  }
0x13e: {  	s25 =	smov.u32 s20;
	p2 =	sgt.f32 s17, s21;
	s23 =	spop (v2sf)  }
0x13f: {  	s28 =	smov.u32 s22;
	s25 =	smov.u32 @p0 s17;
	s24 =	spop (v2sf)  }
0x140: {  	s25 =	smov.u32 @p1 s19;
	s29 =	smov.u32 s23;
	s19 =	smov.u32 @p1 s17  }
0x141: {  	s28 =	smov.u32 @p1 s26;
	s21 =	smov.u32 @p2 s17;
	s29 =	smov.u32 @p0 s26;
	v6 =	vsel vm0, s19, v6  }
0x142: {  	s21 =	smov.u32 @p0 s20;
	s24 =	smov.u32 @p2 s26;
	v7 =	vsel vm0, s28, v7;
	s29 =	smov.u32 @p1 s22;
	v6 =	vsel vm1, s25, v6  }
0x143: {  	s24 =	smov.u32 @p0 s23;
	v6 =	vsel vm2, s21, v6;
	v7 =	vsel vm1, s29, v7  }
0x144: {  	s17 =	spop (v2sf);
	v7 =	vsel vm2, s24, v7;
	[tilespmem:s31+$0xD00] =	vst v6  }
0x145: {  	s30 =	spop (v2sf);
	[tilespmem:s31+$0x2D00] =	vst v7  }
0x146: {  	v6 =	vld [tilespmem:s30+$0xD00];
	_ =	sdelay $0x2  }
0x147: {  	v7 =	vld [tilespmem:s30+$0x2D00];
	_ =	sdelay $0x1  }
0x148: {  	(v2sf) =	vpush v6, $0x0  }
0x149: {  	(v2sf) =	vpush v6, $0x1  }
0x14a: {  	(v2sf) =	vpush v6, $0x2  }
0x14b: {  	(v2sf) =	vpush v7, $0x0  }
0x14c: {  	(v2sf) =	vpush v7, $0x1  }
0x14d: {  	(v2sf) =	vpush v7, $0x2;
	_ =	sdelay $0x4  }
0x14e: {  	(v2sf) =	vpush v5, $0xD  }
0x14f: {  	(v2sf) =	vpush v4, $0xD;
	_ =	sdelay $0x3  }
0x150: {  	s19 =	spop (v2sf)  }
0x151: {  	s20 =	spop (v2sf)  }
0x152: {  	p1 =	sgt.f32 s17, s19;
	s21 =	spop (v2sf)  }
0x153: {  	s26 =	sadd.s32 $0xC, s16;
	p0 =	sgt.f32 s17, s20;
	s22 =	spop (v2sf)  }
0x154: {  	s25 =	smov.u32 s20;
	p2 =	sgt.f32 s17, s21;
	s23 =	spop (v2sf)  }
0x155: {  	s28 =	smov.u32 s22;
	s25 =	smov.u32 @p0 s17;
	s24 =	spop (v2sf)  }
0x156: {  	s25 =	smov.u32 @p1 s19;
	s29 =	smov.u32 s23;
	s19 =	smov.u32 @p1 s17  }
0x157: {  	s28 =	smov.u32 @p1 s26;
	s21 =	smov.u32 @p2 s17;
	s29 =	smov.u32 @p0 s26;
	v6 =	vsel vm0, s19, v6  }
0x158: {  	s21 =	smov.u32 @p0 s20;
	s24 =	smov.u32 @p2 s26;
	v7 =	vsel vm0, s28, v7;
	s29 =	smov.u32 @p1 s22;
	v6 =	vsel vm1, s25, v6  }
0x159: {  	s24 =	smov.u32 @p0 s23;
	v6 =	vsel vm2, s21, v6;
	v7 =	vsel vm1, s29, v7  }
0x15a: {  	s17 =	spop (v2sf);
	v7 =	vsel vm2, s24, v7;
	[tilespmem:s30+$0xD00] =	vst v6  }
0x15b: {  	s31 =	spop (v2sf);
	[tilespmem:s30+$0x2D00] =	vst v7  }
0x15c: {  	v6 =	vld [tilespmem:s31+$0xD00];
	_ =	sdelay $0x2  }
0x15d: {  	v7 =	vld [tilespmem:s31+$0x2D00];
	_ =	sdelay $0x1  }
0x15e: {  	(v2sf) =	vpush v6, $0x0  }
0x15f: {  	(v2sf) =	vpush v6, $0x1  }
0x160: {  	(v2sf) =	vpush v6, $0x2  }
0x161: {  	(v2sf) =	vpush v7, $0x0  }
0x162: {  	(v2sf) =	vpush v7, $0x1  }
0x163: {  	(v2sf) =	vpush v7, $0x2;
	_ =	sdelay $0x4  }
0x164: {  	(v2sf) =	vpush v5, $0xE  }
0x165: {  	(v2sf) =	vpush v4, $0xE;
	_ =	sdelay $0x3  }
0x166: {  	s19 =	spop (v2sf)  }
0x167: {  	s20 =	spop (v2sf)  }
0x168: {  	p1 =	sgt.f32 s17, s19;
	s21 =	spop (v2sf)  }
0x169: {  	s26 =	sadd.s32 $0xD, s16;
	p0 =	sgt.f32 s17, s20;
	s22 =	spop (v2sf)  }
0x16a: {  	s25 =	smov.u32 s20;
	p2 =	sgt.f32 s17, s21;
	s23 =	spop (v2sf)  }
0x16b: {  	s28 =	smov.u32 s22;
	s25 =	smov.u32 @p0 s17;
	s24 =	spop (v2sf)  }
0x16c: {  	s25 =	smov.u32 @p1 s19;
	s29 =	smov.u32 s23;
	s19 =	smov.u32 @p1 s17  }
0x16d: {  	s28 =	smov.u32 @p1 s26;
	s21 =	smov.u32 @p2 s17;
	s29 =	smov.u32 @p0 s26;
	v6 =	vsel vm0, s19, v6  }
0x16e: {  	s21 =	smov.u32 @p0 s20;
	s24 =	smov.u32 @p2 s26;
	v7 =	vsel vm0, s28, v7;
	s29 =	smov.u32 @p1 s22;
	v6 =	vsel vm1, s25, v6  }
0x16f: {  	s24 =	smov.u32 @p0 s23;
	v6 =	vsel vm2, s21, v6;
	v7 =	vsel vm1, s29, v7  }
0x170: {  	s17 =	spop (v2sf);
	v7 =	vsel vm2, s24, v7;
	[tilespmem:s31+$0xD00] =	vst v6  }
0x171: {  	s30 =	spop (v2sf);
	[tilespmem:s31+$0x2D00] =	vst v7  }
0x172: {  	v6 =	vld [tilespmem:s30+$0xD00];
	_ =	sdelay $0x2  }
0x173: {  	v7 =	vld [tilespmem:s30+$0x2D00];
	_ =	sdelay $0x1  }
0x174: {  	(v2sf) =	vpush v6, $0x0  }
0x175: {  	(v2sf) =	vpush v6, $0x1  }
0x176: {  	(v2sf) =	vpush v6, $0x2  }
0x177: {  	(v2sf) =	vpush v7, $0x0  }
0x178: {  	(v2sf) =	vpush v7, $0x1  }
0x179: {  	(v2sf) =	vpush v7, $0x2;
	_ =	sdelay $0x4  }
0x17a: {  	(v2sf) =	vpush v5, $0xF  }
0x17b: {  	(v2sf) =	vpush v4, $0xF;
	_ =	sdelay $0x3  }
0x17c: {  	s19 =	spop (v2sf)  }
0x17d: {  	s20 =	spop (v2sf)  }
0x17e: {  	p1 =	sgt.f32 s17, s19;
	s21 =	spop (v2sf)  }
0x17f: {  	s26 =	sadd.s32 $0xE, s16;
	p0 =	sgt.f32 s17, s20;
	s22 =	spop (v2sf)  }
0x180: {  	s25 =	smov.u32 s20;
	p2 =	sgt.f32 s17, s21;
	s23 =	spop (v2sf)  }
0x181: {  	s28 =	smov.u32 s22;
	s25 =	smov.u32 @p0 s17;
	s24 =	spop (v2sf)  }
0x182: {  	s25 =	smov.u32 @p1 s19;
	s29 =	smov.u32 s23;
	s19 =	smov.u32 @p1 s17  }
0x183: {  	s28 =	smov.u32 @p1 s26;
	s21 =	smov.u32 @p2 s17;
	s29 =	smov.u32 @p0 s26;
	v4 =	vsel vm0, s19, v6  }
0x184: {  	s21 =	smov.u32 @p0 s20;
	s24 =	smov.u32 @p2 s26;
	v5 =	vsel vm0, s28, v7;
	s29 =	smov.u32 @p1 s22;
	v4 =	vsel vm1, s25, v4  }
0x185: {  	s24 =	smov.u32 @p0 s23;
	v4 =	vsel vm2, s21, v4;
	v5 =	vsel vm1, s29, v5  }
0x186: {  	s17 =	spop (v2sf);
	v5 =	vsel vm2, s24, v5;
	[tilespmem:s30+$0xD00] =	vst v4  }
0x187: {  	s31 =	spop (v2sf);
	[tilespmem:s30+$0x2D00] =	vst v5  }
0x188: {  	v4 =	vld [tilespmem:s31+$0xD00];
	_ =	sdelay $0x2  }
0x189: {  	v5 =	vld [tilespmem:s31+$0x2D00];
	_ =	sdelay $0x1  }
0x18a: {  	(v2sf) =	vpush v4, $0x0  }
0x18b: {  	(v2sf) =	vpush v4, $0x1  }
0x18c: {  	(v2sf) =	vpush v4, $0x2  }
0x18d: {  	(v2sf) =	vpush v5, $0x0  }
0x18e: {  	(v2sf) =	vpush v5, $0x1  }
0x18f: {  	(v2sf) =	vpush v5, $0x2;
	_ =	sdelay $0x9  }
0x190: {  	s19 =	spop (v2sf)  }
0x191: {  	s20 =	spop (v2sf)  }
0x192: {  	s16 =	sadd.s32 $0xF, s16;
	p1 =	sgt.f32 s17, s19;
	s21 =	spop (v2sf)  }
0x193: {  	p0 =	sgt.f32 s17, s20;
	s25 =	smov.u32 s20;
	s22 =	spop (v2sf)  }
0x194: {  	p2 =	sgt.f32 s17, s21;
	s23 =	spop (v2sf);
	s26 =	smov.u32 s22  }
0x195: {  	s25 =	smov.u32 @p0 s17;
	s24 =	spop (v2sf);
	s26 =	smov.u32 @p1 s16  }
0x196: {  	s25 =	smov.u32 @p1 s19;
	s28 =	smov.u32 s23;
	s19 =	smov.u32 @p1 s17  }
.Ltmp6:
0x197: {  	s21 =	smov.u32 @p2 s17;
	s28 =	smov.u32 @p0 s16;
	v4 =	vsel vm0, s19, v4;
	(pc) =	sbr.rel .LBB2_6-.Ltmp6, $4  }
0x198: {  	s21 =	smov.u32 @p0 s20;
	s24 =	smov.u32 @p2 s16;
	v5 =	vsel vm0, s26, v5;
	s28 =	smov.u32 @p1 s22;
	v4 =	vsel vm1, s25, v4  }
0x199: {  	s24 =	smov.u32 @p0 s23;
	v4 =	vsel vm2, s21, v4;
	v5 =	vsel vm1, s28, v5  }
0x19a: {  	v5 =	vsel vm2, s24, v5;
	[tilespmem:s31+$0xD00] =	vst v4  }
0x19b: {  	[tilespmem:s31+$0x2D00] =	vst v5  }
.LBB2_8:
0x19c: {  	_ =	sfence.sel $0x180000  }
0x19d: {  	[bflag:$0x0] =	sbarrier.arrive $0xFFFF  }
0x19e: {  	p0 =	sne.s32 s1, $0x0;
	_ =	strace $0x90000047  }
0x19f: {  	s0 =	sadd.s32 @!p0 $0x100000, s0;
	[bflag:$0x2] =	sbarrier.arrive $0xFFFF  }
0x1a0: {  	[sflag:s0] =	ssyncadd.tile.s32 @!p0 $0x1;
	_ =	shalt  }
.Lfunc_end2:
_tile_overlayer_lowered:
.L_overlay_start_2:
0x1a1: {  	(tag) =	ssettag $0x2  }
0x1a2: {  	s0 =	rddreg [dreg:$0x0];
	s2 =	stileid.u32  }
0x1a3: {  	s1 =	rddreg [dreg:$0x1];
	p0 =	sne.s32 s2, $0x0  }
0x1a4: {  	s3 =	rddreg [dreg:$0x2];
	[bflag:$0x3] =	sbarrier.arrive $0xFFFF;
	s2 =	simm.s32 @!p0 $0x1C01  }
0x1a5: {  	[timem:s3], [sflag:s2] =	dma.local @!p0 [hbm:s0], s1  }
0x1a6: {  	s0 =	simm.s32 @!p0 $0x1  }
0x1a7: {  	_ =	swait.ge @!p0 [sflag:s0], s1  }
0x1a8: {  	s1 =	ssub.s32 @!p0 $0x0, s1;
	[sflag:s0] =	ssyncset.done @!p0 $0x0  }
0x1a9: {  	[sflag:s0] =	ssyncadd.s32 @!p0 s1  }
0x1aa: {  	[bflag:$0x3] =	sbarrier.arrive $0xFFFF  }
0x1ab: {  	_ =	shalt  }

// kernel: kernel.8.cloned.1.call-start
scs
__scs_entry_jumppad:
0x0: {  	(pc) =	sbr.rel $0x88, $3  }
0x1: {  	(tag) =	ssettag $0x0;
	lr =	simm.s32 $0x1  }
0x2: {  	[smem:$0x3F9F] =	sst lr;
	_ =	strace $0xD0000000  }
0x3: {  	_ = 	snop  }
0x4: {  	_ = 	snop  }
0x5: {  	_ = 	snop  }
0x6: {  	_ = 	snop  }
0x7: {  	_ = 	snop  }
__scs_overlays_trampoline_lowered:
0x8: {  	[smem:$0x3FAE] =	sst s0  }
0x9: {  	[smem:$0x3FAF] =	sst s1  }
0xa: {  	[smem:$0x3FB0] =	sst s2  }
0xb: {  	[smem:$0x3FB1] =	sst s3  }
0xc: {  	[smem:$0x3FB2] =	sst s4  }
0xd: {  	[smem:$0x3FB3] =	sst s5  }
0xe: {  	[smem:$0x3FB4] =	sst s6  }
0xf: {  	[smem:$0x3FB5] =	sst s7  }
0x10: {  	[smem:$0x3FB6] =	sst s8  }
0x11: {  	[smem:$0x3FB7] =	sst s9;
	s0 =	simm.s32 @!p0 $0x0  }
0x12: {  	s1 =	sld [smem:$0x3F9D];
	s0 =	simm.s32 @p0 $0x1  }
0x13: {  	[smem:$0x3FB8] =	sst s0;
	s0 =	simm.s32 @!p1 $0x0  }
0x14: {  	s2 =	sld [smem:$0x3F9C];
	s0 =	simm.s32 @p1 $0x1  }
0x15: {  	[smem:$0x3FB9] =	sst s0;
	s0 =	simm.s32 @!p2 $0x0  }
0x16: {  	s3 =	sld [smem:$0x3FDB];
	s0 =	simm.s32 @p2 $0x1  }
0x17: {  	s4 =	simm.s32 $0x1BF5;
	[smem:$0x3FBB] =	sst s0  }
0x18: {  	s0 =	sld [smem:$0x3F9E];
	_ =	swait.ge [sflag:s4], $0x0  }
0x19: {  	s7 =	sld [smem:$0x3F9F]  }
0x1a: {  	s8 =	sadd.s32 $0xFFFFE003, lr  }
0x1b: {  	s9 =	sadd.s32 $0xFFFFFEF7, lr;
	s5 =	simm.s32 $0xFFFFFFFF;
	p2 =	slt.u32 s8, $0xFFFFF086  }
0x1c: {  	p1 =	slt.u32 s9, $0xF7A;
	s5 =	simm.s32 @!p2 $0x0  }
0x1d: {  	s5 =	simm.s32 @p1 $0x1;
	p0 =	seq.s32 s7, s2  }
0x1e: {  	s7 =	smul.u32 @!p0 $0xF7A, s2;
	p2 =	seq.s32 @!p0 s5, $0x0  }
0x1f: {  	s9 =	smul.u32 $0xF7A, s1;
	s8 =	simm.s32 @!p0 $0x1BF5;
	p2 =	por !p2, p0  }
0x20: {  	[sflag:s8] =	ssyncset.s32 @!p0 $0xFFFFF086;
	s6 =	sadd.s32 @!p0 s3, s7;
	s7 =	simm.s32 @!p0 $0x108  }
0x21: {  	s3 =	sadd.s32 s3, s9;
	s6 =	sadd.s32 @!p0 $0x88, s6;
	s7 =	simm.s32 @p2 $0x1082  }
0x22: {  	[simem:s7], [sflag:s8] =	dma.local @!p0 [hbm:s6], $0xF7A  }
0x23: {  	s9 =	sor.u32 $0xD0000000, s2;
	s6 =	simm.s32 $0x108;
	_ =	swait.ge @!p0 [sflag:s8], $0x0  }
0x24: {  	s3 =	sadd.s32 $0x88, s3;
	s6 =	simm.s32 @!p1 $0x1082;
	[sflag:s4] =	ssyncset.s32 $0xFFFFF086  }
0x25: {  	[simem:s6], [sflag:s4] =	dma.local [hbm:s3], $0xF7A  }
0x26: {  	[smem:$0x3F9F] =	sst s1;
	(tag) =	ssettag s2;
	_ =	strace s9  }
0x27: {  	s1 =	sld [smem:$0x3FAF]  }
0x28: {  	s2 =	sld [smem:$0x3FB0]  }
0x29: {  	s4 =	sld [smem:$0x3FB2]  }
0x2a: {  	p0 =	seq.s32 s5, $0x0;
	s5 =	sld [smem:$0x3FB3]  }
0x2b: {  	s6 =	sld [smem:$0x3FB4]  }
0x2c: {  	s7 =	sld [smem:$0x3FB5]  }
0x2d: {  	s3 =	simm.s32 $0x108;
	s8 =	sld [smem:$0x3FB6]  }
0x2e: {  	s3 =	simm.s32 @!p0 $0x1082;
	s9 =	sld [smem:$0x3FB7]  }
0x2f: {  	lr =	sadd.s32 s0, s3;
	s0 =	sld [smem:$0x3FAE]  }
0x30: {  	s3 =	sld [smem:$0x3FB1]  }
0x31: {  	[smem:$0x3FBA] =	sst s10  }
0x32: {  	s10 =	sld [smem:$0x3FB8];
	_ =	sdelay $0x3  }
0x33: {  	p0 =	seq.s32 s10, $0x1;
	s10 =	sld [smem:$0x3FBA];
	_ =	sdelay $0x3  }
0x34: {  	[smem:$0x3FBA] =	sst s10  }
0x35: {  	s10 =	sld [smem:$0x3FB9];
	_ =	sdelay $0x3  }
0x36: {  	p1 =	seq.s32 s10, $0x1;
	s10 =	sld [smem:$0x3FBA];
	_ =	sdelay $0x3  }
0x37: {  	[smem:$0x3FBA] =	sst s10  }
0x38: {  	s10 =	sld [smem:$0x3FBB]  }
0x39: {  	_ = 	snop;
	(pc) =	sbr.ind lr, $3  }
0x3a: {  	_ = 	snop  }
0x3b: {  	_ = 	snop  }
0x3c: {  	p2 =	seq.s32 s10, $0x1;
	s10 =	sld [smem:$0x3FBA]  }
0x3d: {  	_ =	shalt  }
0x3e: {  	_ =	shalt  }
0x3f: {  	_ =	shalt  }
0x40: {  	_ =	shalt  }
0x41: {  	_ =	shalt  }
0x42: {  	_ =	shalt  }
0x43: {  	_ =	shalt  }
0x44: {  	_ =	shalt  }
0x45: {  	_ =	shalt  }
0x46: {  	_ =	shalt  }
0x47: {  	_ =	shalt  }
0x48: {  	_ =	shalt  }
0x49: {  	_ =	shalt  }
0x4a: {  	_ =	shalt  }
0x4b: {  	_ =	shalt  }
0x4c: {  	_ =	shalt  }
0x4d: {  	_ =	shalt  }
0x4e: {  	_ =	shalt  }
0x4f: {  	_ =	shalt  }
0x50: {  	_ =	shalt  }
0x51: {  	_ =	shalt  }
0x52: {  	_ =	shalt  }
0x53: {  	_ =	shalt  }
0x54: {  	_ =	shalt  }
0x55: {  	_ =	shalt  }
0x56: {  	_ =	shalt  }
0x57: {  	_ =	shalt  }
0x58: {  	_ =	shalt  }
0x59: {  	_ =	shalt  }
0x5a: {  	_ =	shalt  }
0x5b: {  	_ =	shalt  }
0x5c: {  	_ =	shalt  }
0x5d: {  	_ =	shalt  }
0x5e: {  	_ =	shalt  }
0x5f: {  	_ =	shalt  }
0x60: {  	_ =	shalt  }
0x61: {  	_ =	shalt  }
0x62: {  	_ =	shalt  }
0x63: {  	_ =	shalt  }
0x64: {  	_ =	shalt  }
0x65: {  	_ =	shalt  }
0x66: {  	_ =	shalt  }
0x67: {  	_ =	shalt  }
0x68: {  	_ =	shalt  }
0x69: {  	_ =	shalt  }
0x6a: {  	_ =	shalt  }
0x6b: {  	_ =	shalt  }
0x6c: {  	_ =	shalt  }
0x6d: {  	_ =	shalt  }
0x6e: {  	_ =	shalt  }
0x6f: {  	_ =	shalt  }
0x70: {  	_ =	shalt  }
0x71: {  	_ =	shalt  }
0x72: {  	_ =	shalt  }
0x73: {  	_ =	shalt  }
0x74: {  	_ =	shalt  }
0x75: {  	_ =	shalt  }
0x76: {  	_ =	shalt  }
0x77: {  	_ =	shalt  }
0x78: {  	_ =	shalt  }
0x79: {  	_ =	shalt  }
0x7a: {  	_ =	shalt  }
0x7b: {  	_ =	shalt  }
0x7c: {  	_ =	shalt  }
0x7d: {  	_ =	shalt  }
0x7e: {  	_ =	shalt  }
0x7f: {  	_ =	shalt  }
0x80: {  	_ =	shalt  }
0x81: {  	_ =	shalt  }
0x82: {  	_ =	shalt  }
0x83: {  	_ =	shalt  }
0x84: {  	_ =	shalt  }
0x85: {  	_ =	shalt  }
0x86: {  	_ =	shalt  }
0x87: {  	_ =	shalt  }
.Lfunc_end0:
.L_simem_size_0:
called_computation.1_lowered:
.L_overlay_start_0:
0x88: {  	s2 =	sld [smem:$0x3FD9]  }
0x89: {  	s3 =	sld [smem:$0x3FFE];
	_ =	sdelay $0x1  }
0x8a: {  	s1 =	srdreg.scid  }
0x8b: {  	s0 =	sand.u32 $0x1, s1  }
0x8c: {  	s17 =	sshll.u32 s0, $0xA;
	s2 =	sadd.s32 s3, s2  }
0x8d: {  	s2 =	sadd.s32 s2, s17  }
0x8e: {  	[smem:$0x3FC6] =	sst s2  }
0x8f: {  	_ = 	snop  }
0x90: {  	s2 =	sld [smem:$0x3FC9]  }
0x91: {  	s18 =	sld [smem:$0x3FD0];
	(tm) =	ssettm $0x1  }
0x92: {  	s4 =	sld [smem:$0x3FFB];
	_ =	sdelay $0x3  }
0x93: {  	_ =	strace s4  }
0x94: {  	s4 =	sld [smem:$0x3FFC];
	_ =	sdelay $0x3  }
0x95: {  	_ =	strace s4  }
0x96: {  	s4 =	sld [smem:$0x3FFD];
	_ =	sdelay $0x3  }
0x97: {  	_ =	strace s4  }
0x98: {  	_ =	strace $0x8FFFFFFF  }
0x99: {  	s19 =	sld [smem:$0x3FDB];
	_ =	sdelay $0x1  }
0x9a: {  	s5 =	simm.s32 $_scs_section_size  }
0x9b: {  	s6 =	simm.s32 $_size__tile_overlayer_lowered;
	s7 =	simm.s32 $_tile_overlayer_lowered  }
0x9c: {  	s22 =	simm.s32 $0x1BFF;
	s21 =	sshll.u32 s7, $0x1;
	s4 =	sadd.s32 s5, s19  }
0x9d: {  	s8 =	simm.s32 $0x0;
	s20 =	sshll.u32 s6, $0x1;
	s6 =	sadd.s32 s21, s4  }
0x9e: {  	[timem:s8], [sflag:s22] =	dma.local [hbm:s6], s20  }
0x9f: {  	_ =	swait.ge [sflag:s22], s20  }
0xa0: {  	s5 =	ssub.s32 $0x0, s20;
	[sflag:s22] =	ssyncset.done $0x0  }
0xa1: {  	[sflag:s22] =	ssyncadd.s32 s5;
	_ =	sdelay $0x1  }
0xa2: {  	s23 =	simm.s32 $0x1B8B  }
0xa3: {  	_ =	swait.ge [sflag:s23], $0x1  }
0xa4: {  	[sflag:s23] =	ssyncset.done $0x0  }
0xa5: {  	s25 =	simm.s32 $0x1B8E;
	s24 =	sld [smem:$0x3FFE];
	[sflag:s23] =	ssyncadd.s32 $0xFFFFFFFF  }
0xa6: {  	s26 =	simm.s32 $execute0_lowered;
	[smem:$0x3FD2] =	sst s25  }
0xa7: {  	s6 =	sshll.u32 s26, $0x1;
	_ =	strace $0x80000049;
	[dreg:$0x1] =	wrdreg $0xFFFFFFFF  }
0xa8: {  	s28 =	simm.s32 $_size_execute0_lowered;
	s4 =	sadd.s32 s4, s6;
	[dreg:$0x0] =	wrdreg $0x0  }
0xa9: {  	s6 =	sshll.u32 s28, $0x1;
	[dreg:$0x2] =	wrdreg s4  }
0xaa: {  	[dreg:$0x3] =	wrdreg s6  }
0xab: {  	[dreg:$0x4] =	wrdreg $0xC0  }
0xac: {  	_ =	task [dreg:s8], $0x5FFFF  }
0xad: {  	[dreg:$0x1] =	wrdreg $0xFFFFFFFF  }
0xae: {  	[dreg:$0x0] =	wrdreg $0x60  }
0xaf: {  	[dreg:$0x2] =	wrdreg s2  }
0xb0: {  	[dreg:$0x3] =	wrdreg s24  }
0xb1: {  	[dreg:$0x4] =	wrdreg s18  }
0xb2: {  	[dreg:$0x5] =	wrdreg $0x9  }
0xb3: {  	_ =	task.clear_ibuf [dreg:s8], $0x6FFFF;
	_ =	strace $0x90000049  }
0xb4: {  	s29 =	simm.s32 $0x9;
	_ =	strace $0x8000004B  }
0xb5: {  	_ =	swait.ge [sflag:s29], $0x1  }
0xb6: {  	[sflag:s29] =	ssyncadd.s32 $0xFFFFFFFF  }
0xb7: {  	_ =	strace $0x9000004B  }
0xb8: {  	_ =	sfence  }
0xb9: {  	s30 =	sld [smem:$0x0];
	_ =	sdelay $0x2  }
0xba: {  	s31 =	sshll.u32 s1, $0xD;
	s1 =	sshrl.u32 s1, $0x2  }
0xbb: {  	s3 =	sand.u32 $0x4000, s31;
	s1 =	sadd.s32 s1, s30  }
0xbc: {  	s0 =	sor.u32 s3, s0;
	s1 =	sshll.u32 s1, $0x11  }
0xbd: {  	s0 =	sor.u32 s1, s0  }
0xbe: {  	s0 =	sadd.s32 $0x8F2B, s0  }
0xbf: {  	[sflag:s0] =	ssyncadd.remote.s32 $0x1  }
0xc0: {  	_ =	sfence.sel $0xFFFF  }
0xc1: {  	[dreg:$0x0] =	wrdreg $0xFFFFFFFF;
	(pc) =	sbr.abs _section_cstart, $3  }
0xc2: {  	[dreg:$0x1] =	wrdreg $0xFFFFFFFF  }
0xc3: {  	_ =	task.clear_ibuf [dreg:s8], $0x2FFFF;
	_ =	strace $0x9FFFFFFF  }
0xc4: {  	(tm) =	ssettm $0x7FFFFFFF  }
0xc5: {  	_ =	shalt  }
tec
execute0_lowered:
.L_overlay_start_1:
0x0: {  	(tag) =	ssettag $0x1  }
0x1: {  	s1 =	rddreg [dreg:$0x0]  }
0x2: {  	s0 =	rddreg [dreg:$0x1]  }
0x3: {  	s2 =	rddreg [dreg:$0x2];
	s4 =	srdreg.scid  }
0x4: {  	s3 =	simm.s32 $0x0;
	s8 =	stileid.u32;
	s16 =	simm.s32 $0x80  }
0x5: {  	s17 =	simm.s32 $0x2000;
	s29 =	simm.s32 $0x5580;
	s30 =	simm.s32 $0x5D80  }
0x6: {  	s31 =	simm.s32 $0x3;
	s4 =	sand.u32 $0x1, s4;
	[smem:$0x7FF] =	sst s3  }
0x7: {  	s6 =	sshll.u32 s8, $0x1;
	s7 =	sadd.s32 $0x1600, s0;
	s19 =	sadd.s32 $0x2600, s0  }
0x8: {  	s8 =	sshll.u32 s8, $0x8;
	s9 =	sadd.s32 $0x2A00, s0;
	s0 =	sadd.s32 $0xAA00, s0  }
0x9: {  	s5 =	sshll.u32 s4, $0x5;
	_ =	strace $0x8000004A;
	s4 =	ssub.s32 $0x2, s4  }
0xa: {  	s8 =	sand.u32 $0x300, s8;
	s5 =	sor.u32 s6, s5;
	s12 =	sshrl.u32 s4, $0x1  }
0xb: {  	s22 =	sor.u32 $0x80, s8;
	s5 =	sshrl.u32 s5, $0x3;
	s4 =	ssub.s32 s4, s12  }
0xc: {  	s10 =	sshll.u32 s5, $0xA;
	s13 =	sshll.u32 s5, $0xC;
	s5 =	smul.u32 $0x5000, s5  }
0xd: {  	s15 =	smax.u32 s4, $0x1;
	s11 =	sor.u32 s8, s10;
	s21 =	sor.u32 s8, s13  }
0xe: {  	s10 =	sor.u32 s22, s10;
	s24 =	sor.u32 s22, s13;
	s11 =	sshrl.u32 s11, $0x3  }
0xf: {  	s12 =	sshrl.u32 s21, $0x3;
	s23 =	sshrl.u32 s10, $0x3;
	s20 =	sadd.s32 s9, s11  }
0x10: {  	s25 =	sshrl.u32 s24, $0x3;
	s14 =	sadd.s32 s0, s11;
	[dreg:$0x4] =	wrdreg s20  }
0x11: {  	s26 =	sor.u32 s8, s5;
	s12 =	sadd.s32 s7, s12;
	[dreg:$0x5] =	wrdreg s14  }
0x12: {  	s5 =	sor.u32 s22, s5;
	s11 =	sadd.s32 s19, s11;
	[dreg:$0x6] =	wrdreg s12  }
0x13: {  	s21 =	simm.s32 $0x0;
	s9 =	sadd.s32 s9, s23;
	[dreg:$0x7] =	wrdreg s11  }
0x14: {  	s0 =	sadd.s32 s0, s23;
	s6 =	sadd.s32 s19, s23;
	[dreg:$0x8] =	wrdreg s9  }
0x15: {  	s5 =	sshrl.u32 s5, $0x3;
	s19 =	simm.s32 $0x400;
	[dreg:$0x9] =	wrdreg s0  }
0x16: {  	v0 =	vimm.f32 $0.0e+00;
	s0 =	sadd.s32 s7, s25;
	[dreg:$0xb] =	wrdreg s6;
	s12 =	sadd.s32 $0x100, s1  }
0x17: {  	vm0 =	vcmask $0x300;
	vm1 =	vcmask $0x704;
	v3 =	vlaneseq.u32;
	s28 =	sadd.s32 s2, s5;
	[dreg:$0xa] =	wrdreg s0;
	s0 =	sshrl.u32 s26, $0x3  }
0x18: {  	vm2 =	vcmask $0xB08;
	vm3 =	vmmov $0xffff;
	v2 =	vshrl.u32 v3, $0x3;
	s25 =	simm.s32 $0x1;
	[dreg:$0xd] =	wrdreg s28;
	s0 =	sadd.s32 s2, s0  }
0x19: {  	v1 =	vand.u32 $0x7, v3;
	v3 =	vor.u32 $0x8, v3;
	v2 =	vmul.u32 $0x8, v2;
	s20 =	simm.s32 $0x4;
	s2 =	simm.s32 $0x2;
	[dreg:$0xc] =	wrdreg s0  }
.LBB2_1:
0x1a: {  	s0 =	rddreg [dreg:$0x4]  }
0x1b: {  	[tilespmem:s3], [sflag:$0x1] =	stream.strided.gather [hbm4b:s0+s16], $0x1000, s17, s16, $0x38;
	[tilespmem:$0x7980] =	vst v63  }
0x1c: {  	s6 =	rddreg [dreg:$0x5];
	s4 =	simm.s32 $0x1000  }
0x1d: {  	[tilespmem:s4], [sflag:$0x1] =	stream.strided.gather [hbm4b:s6+s16], $0x1000, s17, s16, $0x38;
	[tilespmem:$0x7980] =	vst v63  }
0x1e: {  	s7 =	rddreg [dreg:$0x6]  }
0x1f: {  	[tilespmem:s17], [sflag:$0x1] =	stream.strided.gather [hbm4b:s7+s16], $0x200, s19, s16, $0x38;
	[tilespmem:$0x7980] =	vst v63  }
0x20: {  	s8 =	rddreg [dreg:$0x7];
	s9 =	simm.s32 $0x2200  }
0x21: {  	[tilespmem:s9], [sflag:$0x1] =	stream.linear.gather [hbm4b:s8+s3], $0x80, $0x38;
	[tilespmem:$0x7980] =	vst v63  }
0x22: {  	s10 =	rddreg [dreg:$0x8];
	s11 =	simm.s32 $0x2280  }
0x23: {  	[tilespmem:s11], [sflag:$0x2] =	stream.strided.gather [hbm4b:s10+s16], $0x1000, s17, s16, $0x38;
	[tilespmem:$0x7980] =	vst v63  }
0x24: {  	s13 =	rddreg [dreg:$0x9];
	s14 =	simm.s32 $0x3280  }
0x25: {  	[tilespmem:s14], [sflag:$0x2] =	stream.strided.gather [hbm4b:s13+s16], $0x1000, s17, s16, $0x38;
	[tilespmem:$0x7980] =	vst v63  }
0x26: {  	s18 =	rddreg [dreg:$0xa];
	s22 =	simm.s32 $0x4280  }
0x27: {  	[tilespmem:s22], [sflag:$0x2] =	stream.strided.gather [hbm4b:s18+s16], $0x200, s19, s16, $0x38;
	[tilespmem:$0x7980] =	vst v63  }
0x28: {  	s23 =	rddreg [dreg:$0xb];
	s24 =	simm.s32 $0x4480  }
0x29: {  	[tilespmem:s24], [sflag:$0x2] =	stream.linear.gather [hbm4b:s23+s3], $0x80, $0x38;
	[tilespmem:$0x7980] =	vst v63  }
0x2a: {  	_ =	swait.ge [sflag:s25], $0x1000  }
0x2b: {  	[sflag:s25] =	ssyncset.done $0x0  }
0x2c: {  	[sflag:s25] =	ssyncadd.s32 $0xFFFFF000  }
0x2d: {  	_ =	swait.ge [sflag:s25], $0x1000  }
0x2e: {  	[sflag:s25] =	ssyncset.done $0x0  }
0x2f: {  	[sflag:s25] =	ssyncadd.s32 $0xFFFFF000  }
0x30: {  	_ =	swait.ge [sflag:s25], $0x200  }
0x31: {  	[sflag:s25] =	ssyncset.done $0x0  }
0x32: {  	[sflag:s25] =	ssyncadd.s32 $0xFFFFFE00  }
0x33: {  	_ =	swait.ge [sflag:s25], $0x80  }
0x34: {  	[sflag:s25] =	ssyncset.done $0x0  }
0x35: {  	s26 =	simm.s32 $0x0;
	[sflag:s25] =	ssyncadd.s32 $0xFFFFFF80  }
0x36: {  	v4 =	vld [tilespmem:s26+$0x0];
	_ =	sdelay $0x3  }
0x37: {  	v5 =	vld [tilespmem:s26+$0x1000]  }
0x38: {  	(v2sf) =	vpush v4, $0x2  }
0x39: {  	(v2sf) =	vpush v4, $0x0;
	_ =	sdelay $0x1  }
0x3a: {  	(v2sf) =	vpush v4, $0x1  }
0x3b: {  	(v2sf) =	vpush v5, $0x1  }
0x3c: {  	(v2sf) =	vpush v5, $0x0;
	_ =	sdelay $0x8  }
0x3d: {  	(v2sf) =	vpush v5, $0x2  }
0x3e: {  	s28 =	simm.s32 $0x80;
	s4 =	spop (v2sf)  }
0x3f: {  	s6 =	simm.f32 $-3.000000010e+38;
	v6 =	vld [tilespmem:s28+$0x0];
	s8 =	spop (v2sf)  }
0x40: {  	p0 =	sgt.f32 s8, s6  }
0x41: {  	s18 =	simm.f32 $-3.000000010e+38;
	s5 =	spop (v2sf)  }
0x42: {  	v4 =	vld [tilespmem:s28+$0x1000];
	s7 =	spop (v2sf);
	s18 =	smov.u32 @p0 s8  }
0x43: {  	s0 =	spop (v2sf);
	s8 =	simm.s32 $0x0;
	s24 =	smov.u32 s18  }
0x44: {  	(v2sf) =	vpush v6, $0x2;
	s8 =	smov.u32 @p0 s0;
	p1 =	sgt.f32 s5, s18;
	s24 =	smov.u32 @p0 s6  }
0x45: {  	(v2sf) =	vpush v6, $0x0;
	s0 =	smov.u32 s8;
	s23 =	smov.u32 s8;
	p3 =	sgt.f32 s5, s24  }
0x46: {  	(v2sf) =	vpush v6, $0x1;
	s6 =	simm.s32 $0x400;
	s0 =	smov.u32 @p0 s3;
	s22 =	smov.u32 s24  }
0x47: {  	(v2sf) =	vpush v4, $0x1;
	s23 =	smov.u32 @p0 s3;
	s22 =	smov.u32 @p3 s5;
	p2 =	por p3, p3  }
.LBB2_2:
0x48: {  	p0 =	sne.s32 s6, $0x3E00;
	s0 =	smov.u32 @p3 s7  }
0x49: {  	(v2sf) =	vpush v4, $0x0;
	s9 =	smov.u32 s6;
	s6 =	sadd.s32 $0x200, s6;
	s10 =	smov.u32 s23  }
0x4a: {  	s10 =	smov.u32 @p2 s7;
	s22 =	smov.u32 @p2 s24  }
0x4b: {  	s10 =	smov.u32 @p1 s8;
	p3 =	sgt.f32 s4, s22  }
0x4c: {  	s0 =	smov.u32 @p2 s23;
	s23 =	spop (v2sf)  }
0x4d: {  	s24 =	smov.u32 @p2 s5;
	s22 =	smov.u32 @p3 s4  }
0x4e: {  	s8 =	smov.u32 @p1 s7;
	s24 =	smov.u32 @p1 s18;
	s18 =	smov.u32 @p1 s5  }
0x4f: {  	p1 =	sgt.f32 s4, s24;
	p2 =	sgt.f32 s4, s18  }
0x50: {  	s11 =	smov.u32 s24;
	s26 =	smov.u32 s10;
	s0 =	smov.u32 @p3 s23  }
0x51: {  	s13 =	smov.u32 s18;
	s11 =	smov.u32 @p1 s4;
	s26 =	smov.u32 @p1 s23  }
0x52: {  	s14 =	smov.u32 s8;
	s11 =	smov.u32 @p2 s18;
	s26 =	smov.u32 @p2 s8  }
0x53: {  	s13 =	smov.u32 @p2 s4;
	s14 =	smov.u32 @p2 s23  }
0x54: {  	s22 =	smov.u32 @p1 s24;
	s4 =	spop (v2sf);
	(v2sf) =	vpush v4, $0x2  }
0x55: {  	s0 =	smov.u32 @p1 s10;
	s28 =	spop (v2sf)  }
0x56: {  	s8 =	sshra.s32 s9, $0x2;
	p3 =	sgt.f32 s28, s22;
	s5 =	spop (v2sf)  }
0x57: {  	s18 =	smov.u32 s13;
	p1 =	sgt.f32 s28, s13;
	v5 =	vld [tilespmem:s8+$0x0];
	s7 =	spop (v2sf)  }
0x58: {  	s23 =	smov.u32 s26;
	p2 =	sgt.f32 s28, s11;
	v4 =	vld [tilespmem:s8+$0x1000];
	s9 =	spop (v2sf)  }
0x59: {  	s22 =	smov.u32 @p3 s28;
	s8 =	smov.u32 s14;
	s0 =	smov.u32 @p3 s9  }
0x5a: {  	s24 =	smov.u32 s11;
	s8 =	smov.u32 @p1 s9;
	s23 =	smov.u32 @p2 s9  }
.Ltmp0:
0x5b: {  	s24 =	smov.u32 @p2 s28;
	s0 =	smov.u32 @p2 s26;
	(pc) =	sbr.rel @p0 .LBB2_2-.Ltmp0, $4  }
0x5c: {  	s18 =	smov.u32 @p1 s28;
	s22 =	smov.u32 @p2 s11;
	(v2sf) =	vpush v5, $0x2  }
0x5d: {  	s24 =	smov.u32 @p1 s13;
	p3 =	sgt.f32 s5, s22;
	(v2sf) =	vpush v5, $0x0  }
0x5e: {  	s23 =	smov.u32 @p1 s14;
	p1 =	sgt.f32 s5, s18;
	(v2sf) =	vpush v5, $0x1  }
0x5f: {  	p2 =	sgt.f32 s5, s24;
	s22 =	smov.u32 @p3 s5;
	(v2sf) =	vpush v4, $0x1  }
0x60: {  	_ =	sdelay $0x2  }
0x61: {  	(v2sf) =	vpush v4, $0x0;
	_ =	sdelay $0x2  }
0x62: {  	s0 =	smov.u32 @p3 s7  }
0x63: {  	s0 =	smov.u32 @p2 s23;
	s23 =	smov.u32 @p2 s7  }
0x64: {  	s22 =	smov.u32 @p2 s24;
	s24 =	smov.u32 @p2 s5;
	s23 =	smov.u32 @p1 s8  }
0x65: {  	p3 =	sgt.f32 s4, s22;
	s24 =	smov.u32 @p1 s18;
	s18 =	smov.u32 @p1 s5  }
0x66: {  	s8 =	smov.u32 @p1 s7;
	s6 =	spop (v2sf);
	p0 =	sgt.f32 s4, s24  }
0x67: {  	p1 =	sgt.f32 s4, s18;
	s22 =	smov.u32 @p3 s4;
	s28 =	spop (v2sf);
	(v2sf) =	vpush v4, $0x2  }
0x68: {  	s5 =	smov.u32 s23;
	s0 =	smov.u32 @p3 s6;
	s22 =	smov.u32 @p0 s24  }
0x69: {  	s24 =	smov.u32 @p0 s4;
	s5 =	smov.u32 @p0 s6;
	s0 =	smov.u32 @p0 s23  }
0x6a: {  	s5 =	smov.u32 @p1 s8;
	s8 =	smov.u32 @p1 s6;
	s6 =	spop (v2sf)  }
0x6b: {  	s24 =	smov.u32 @p1 s18;
	s18 =	smov.u32 @p1 s4;
	p1 =	sgt.f32 s6, s22  }
0x6c: {  	s11 =	smov.u32 s8;
	s7 =	spop (v2sf);
	p2 =	sgt.f32 s6, s24  }
0x6d: {  	s13 =	smov.u32 s24;
	p0 =	sgt.f32 s6, s18;
	s9 =	spop (v2sf)  }
0x6e: {  	s10 =	spop (v2sf);
	s22 =	smov.u32 @p1 s6;
	s13 =	smov.u32 @p2 s6  }
0x6f: {  	s0 =	smov.u32 @p1 s10;
	s11 =	smov.u32 @p0 s10;
	s22 =	smov.u32 @p2 s24  }
0x70: {  	s13 =	smov.u32 @p0 s18;
	s18 =	smov.u32 @p0 s6;
	p1 =	sgt.f32 s7, s22  }
0x71: {  	s0 =	smov.u32 @p2 s5;
	s5 =	smov.u32 @p2 s10;
	p2 =	sgt.f32 s7, s13  }
0x72: {  	s5 =	smov.u32 @p0 s8;
	p0 =	sgt.f32 s7, s18;
	s22 =	smov.u32 @p1 s7  }
0x73: {  	s0 =	smov.u32 @p1 s9;
	s22 =	smov.u32 @p2 s13;
	s13 =	smov.u32 @p2 s7  }
0x74: {  	s0 =	smov.u32 @p2 s5;
	s5 =	smov.u32 @p2 s9;
	s13 =	smov.u32 @p0 s18  }
0x75: {  	s5 =	smov.u32 @p0 s11;
	s18 =	smov.u32 @p0 s7;
	p1 =	sgt.f32 s28, s13  }
0x76: {  	p2 =	sgt.f32 s28, s18;
	s7 =	smov.u32 s5;
	s6 =	spop (v2sf)  }
0x77: {  	s11 =	smov.u32 @p0 s9;
	s7 =	smov.u32 @p1 s6  }
0x78: {  	p0 =	sgt.f32 s28, s22;
	s7 =	smov.u32 @p2 s11;
	s11 =	smov.u32 @p2 s6  }
0x79: {  	v4 =	vmov s11  }
0x7a: {  	s0 =	smov.u32 @p0 s6;
	v4 =	vnsel vm0, $0x0, v4  }
0x7b: {  	s0 =	smov.u32 @p1 s5;
	v4 =	vsel vm1, s7, v4  }
0x7c: {  	v4 =	vsel vm2, s0, v4  }
0x7d: {  	v5 =	vshll.u32 v4, $0x2  }
0x7e: {  	v6 =	vand.u32 $0x7, v4;
	v5 =	vand.u32 $0xFFFFFFE0, v5  }
0x7f: {  	v5 =	vor.u32 v6, v5  }
0x80: {  	v6 =	vperm.xlane v5, v1;
	_ =	sdelay $0x1  }
0x81: {  	v6 =	vadd.s32 v2, v6;
	_ =	sdelay $0x1  }
0x82: {  	v5 =	vperm.xlane v5, v3;
	_ =	sdelay $0x1  }
0x83: {  	s22 =	simm.s32 $0x0;
	s9 =	simm.s32 $0x4580;
	[tilespmem:$0x4500] =	vst v4;
	v4 =	vadd.s32 v2, v5  }
0x84: {  	v7 =	vld [tilespmem:$0x2200];
	[tilespmem:s9], [sflag:$0x3] =	stream.indirect_vreg.gather [hbm4b:s1+s22], $0x80, v6, vm3, $0xb8  }
0x85: {  	s10 =	simm.s32 $0x4D80  }
0x86: {  	[tilespmem:s10], [sflag:$0x3] =	stream.indirect_vreg.gather [hbm4b:s12+s22], $0x80, v6, vm3, $0xb8;
	[tilespmem:$0x7980] =	vst v63  }
0x87: {  	_ = 	snop  }
0x88: {  	[tilespmem:s29], [sflag:$0x3] =	stream.indirect_vreg.gather [hbm4b:s1+s22], $0x80, v4, vm3, $0xb8;
	[tilespmem:$0x7980] =	vst v63  }
0x89: {  	_ = 	snop  }
0x8a: {  	[tilespmem:s30], [sflag:$0x3] =	stream.indirect_vreg.gather [hbm4b:s12+s22], $0x80, v4, vm3, $0xb8;
	[tilespmem:$0x7980] =	vst v63  }
0x8b: {  	v4 =	vmax.f32 v7, $1.000000000e+00;
	_ =	swait.ge [sflag:s31], $0x2000  }
0x8c: {  	(erf) = vrcp.f32 v4;
	_ =	sdelay $0x2  }
0x8d: {  	[sflag:s31] =	ssyncset.done $0x0  }
0x8e: {  	s23 =	simm.s32 $0x2020;
	[sflag:s31] =	ssyncadd.s32 $0xFFFFE000  }
0x8f: {  	v5 =	vld [tilespmem:s23+$0xFFFFFFE0];
	_ =	sdelay $0x3  }
0x90: {  	v4 =	vpop (erf)  }
0x91: {  	v6 =	vmul.f32 v5, v4  }
0x92: {  	s24 =	simm.s32 $0x69A0;
	s11 =	sand.u32 $0xC00, s22  }
0x93: {  	s13 =	sand.u32 $0x40, s22;
	s14 =	sand.u32 $0x1C0, s22;
	s0 =	sadd.s32 $0x4580, s11;
	[tilespmem:s24+$0xFFFFFBE0] =	vst v6  }
0x94: {  	s4 =	sor.u32 s13, s0;
	[tilespmem:s14+$0x6780] =	vst v5  }
0x95: {  	v6 =	vld [tilespmem:s4+$0x0];
	_ =	sdelay $0x2  }
0x96: {  	vm4 =	vgt.f32 v7, $5.000000000e-01  }
0x97: {  	v5 =	vsel vm4, $0x3F800000, v0  }
0x98: {  	v6 =	vmul.f32 v6, v5;
	_ =	sdelay $0x1  }
0x99: {  	[tilespmem:s14+$0x6980] =	vst v6  }
0x9a: {  	v8 =	vld [tilespmem:s4+$0x80];
	_ =	sdelay $0x2  }
0x9b: {  	vm4 =	vgt.f32 v7, $1.500000000e+00  }
0x9c: {  	v6 =	vsel vm4, $0x3F800000, v0  }
0x9d: {  	v8 =	vmul.f32 v8, v6;
	_ =	sdelay $0x1  }
0x9e: {  	[tilespmem:s14+$0x6B80] =	vst v8  }
0x9f: {  	v8 =	vld [tilespmem:s4+$0x100];
	_ =	sdelay $0x2  }
0xa0: {  	vm4 =	vgt.f32 v7, $2.500000000e+00  }
0xa1: {  	v7 =	vsel vm4, $0x3F800000, v0  }
0xa2: {  	v8 =	vmul.f32 v8, v7;
	_ =	sdelay $0x1  }
0xa3: {  	[tilespmem:s14+$0x6D80] =	vst v8  }
0xa4: {  	v8 =	vld [tilespmem:s23+$0xFFFFFFF0];
	_ =	sdelay $0x4  }
0xa5: {  	s18 =	simm.s32 $0x10;
	v9 =	vmul.f32 v8, v4  }
0xa6: {  	s4 =	sand.u32 $0x50, s18;
	[tilespmem:s24+$0xFFFFFDF0] =	vst v8  }
0xa7: {  	s4 =	sor.u32 s4, s0;
	[tilespmem:s24+$0xFFFFFBF0] =	vst v9  }
0xa8: {  	v8 =	vld [tilespmem:s4+$0x0];
	_ =	sdelay $0x4  }
0xa9: {  	v8 =	vmul.f32 v8, v5;
	_ =	sdelay $0x1  }
0xaa: {  	[tilespmem:s24+$0xFFFFFFF0] =	vst v8  }
0xab: {  	v8 =	vld [tilespmem:s4+$0x80];
	_ =	sdelay $0x4  }
0xac: {  	v8 =	vmul.f32 v8, v6;
	_ =	sdelay $0x1  }
0xad: {  	[tilespmem:s24+$0x1F0] =	vst v8  }
0xae: {  	v8 =	vld [tilespmem:s4+$0x100];
	_ =	sdelay $0x4  }
0xaf: {  	v8 =	vmul.f32 v8, v7;
	_ =	sdelay $0x1  }
0xb0: {  	[tilespmem:s24+$0x3F0] =	vst v8  }
0xb1: {  	v8 =	vld [tilespmem:s23+$0x0];
	_ =	sdelay $0x4  }
0xb2: {  	s26 =	simm.s32 $0x20;
	v9 =	vmul.f32 v8, v4  }
0xb3: {  	s4 =	sand.u32 $0x60, s26;
	[tilespmem:s24+$0xFFFFFE00] =	vst v8  }
0xb4: {  	s4 =	sor.u32 s4, s0;
	[tilespmem:s24+$0xFFFFFC00] =	vst v9  }
0xb5: {  	v8 =	vld [tilespmem:s4+$0x0];
	_ =	sdelay $0x4  }
0xb6: {  	v8 =	vmul.f32 v8, v5;
	_ =	sdelay $0x1  }
0xb7: {  	[tilespmem:s24+$0x0] =	vst v8  }
0xb8: {  	v8 =	vld [tilespmem:s4+$0x80];
	_ =	sdelay $0x4  }
0xb9: {  	v8 =	vmul.f32 v8, v6;
	_ =	sdelay $0x1  }
0xba: {  	[tilespmem:s24+$0x200] =	vst v8  }
0xbb: {  	v8 =	vld [tilespmem:s4+$0x100];
	_ =	sdelay $0x4  }
0xbc: {  	v8 =	vmul.f32 v8, v7;
	_ =	sdelay $0x1  }
0xbd: {  	[tilespmem:s24+$0x400] =	vst v8  }
0xbe: {  	v8 =	vld [tilespmem:s23+$0x10];
	_ =	sdelay $0x4  }
0xbf: {  	s28 =	simm.s32 $0x30;
	v9 =	vmul.f32 v8, v4  }
0xc0: {  	s4 =	sand.u32 $0x70, s28;
	[tilespmem:s24+$0xFFFFFE10] =	vst v8  }
0xc1: {  	s0 =	sor.u32 s4, s0;
	[tilespmem:s24+$0xFFFFFC10] =	vst v9  }
0xc2: {  	v8 =	vld [tilespmem:s0+$0x0];
	_ =	sdelay $0x4  }
0xc3: {  	v8 =	vmul.f32 v8, v5;
	_ =	sdelay $0x1  }
0xc4: {  	[tilespmem:s24+$0x10] =	vst v8  }
0xc5: {  	v8 =	vld [tilespmem:s0+$0x80];
	_ =	sdelay $0x4  }
0xc6: {  	v8 =	vmul.f32 v8, v6;
	_ =	sdelay $0x1  }
0xc7: {  	[tilespmem:s24+$0x210] =	vst v8  }
0xc8: {  	v8 =	vld [tilespmem:s0+$0x100];
	_ =	sdelay $0x4  }
0xc9: {  	s0 =	simm.s32 $0x40;
	v8 =	vmul.f32 v8, v7  }
.LBB2_4:
0xca: {  	_ = 	snop  }
0xcb: {  	s22 =	sadd.s32 $0x200, s22;
	s23 =	sadd.s32 $0x40, s23;
	[tilespmem:s24+$0x410] =	vst v8;
	s24 =	sadd.s32 $0x40, s24  }
0xcc: {  	p0 =	sne.s32 s0, $0x1C0;
	s18 =	smov.u32 s0;
	s0 =	sadd.s32 $0x40, s0;
	v8 =	vld [tilespmem:s23+$0xFFFFFFE0]  }
0xcd: {  	_ =	sdelay $0x3  }
0xce: {  	v9 =	vmul.f32 v8, v4  }
0xcf: {  	s4 =	sand.u32 $0xC00, s22  }
0xd0: {  	s5 =	sand.u32 $0x40, s18;
	s6 =	sand.u32 $0x1C0, s18;
	s4 =	sadd.s32 $0x4580, s4;
	[tilespmem:s24+$0xFFFFFBE0] =	vst v9  }
0xd1: {  	s5 =	sor.u32 s5, s4;
	[tilespmem:s6+$0x6780] =	vst v8  }
0xd2: {  	v8 =	vld [tilespmem:s5+$0x0];
	_ =	sdelay $0x4  }
0xd3: {  	v8 =	vmul.f32 v8, v5;
	_ =	sdelay $0x1  }
0xd4: {  	[tilespmem:s6+$0x6980] =	vst v8  }
0xd5: {  	v8 =	vld [tilespmem:s5+$0x80];
	_ =	sdelay $0x4  }
0xd6: {  	v8 =	vmul.f32 v8, v6;
	_ =	sdelay $0x1  }
0xd7: {  	[tilespmem:s6+$0x6B80] =	vst v8  }
0xd8: {  	v8 =	vld [tilespmem:s5+$0x100];
	_ =	sdelay $0x4  }
0xd9: {  	v8 =	vmul.f32 v8, v7;
	_ =	sdelay $0x1  }
0xda: {  	[tilespmem:s6+$0x6D80] =	vst v8  }
0xdb: {  	v8 =	vld [tilespmem:s23+$0xFFFFFFF0];
	_ =	sdelay $0x4  }
0xdc: {  	s5 =	sadd.s32 $0x10, s18;
	v9 =	vmul.f32 v8, v4  }
0xdd: {  	s5 =	sand.u32 $0x50, s5;
	[tilespmem:s24+$0xFFFFFDF0] =	vst v8  }
0xde: {  	s5 =	sor.u32 s5, s4;
	[tilespmem:s24+$0xFFFFFBF0] =	vst v9  }
0xdf: {  	v8 =	vld [tilespmem:s5+$0x0];
	_ =	sdelay $0x4  }
0xe0: {  	v8 =	vmul.f32 v8, v5;
	_ =	sdelay $0x1  }
0xe1: {  	[tilespmem:s24+$0xFFFFFFF0] =	vst v8  }
0xe2: {  	v8 =	vld [tilespmem:s5+$0x80];
	_ =	sdelay $0x4  }
0xe3: {  	v8 =	vmul.f32 v8, v6;
	_ =	sdelay $0x1  }
0xe4: {  	[tilespmem:s24+$0x1F0] =	vst v8  }
0xe5: {  	v8 =	vld [tilespmem:s5+$0x100];
	_ =	sdelay $0x4  }
0xe6: {  	v8 =	vmul.f32 v8, v7;
	_ =	sdelay $0x1  }
0xe7: {  	[tilespmem:s24+$0x3F0] =	vst v8  }
0xe8: {  	v8 =	vld [tilespmem:s23+$0x0];
	_ =	sdelay $0x4  }
0xe9: {  	s5 =	sadd.s32 $0x20, s18;
	v9 =	vmul.f32 v8, v4;
	[tilespmem:s24+$0xFFFFFE00] =	vst v8  }
0xea: {  	s5 =	sand.u32 $0x60, s5  }
0xeb: {  	s5 =	sor.u32 s5, s4;
	[tilespmem:s24+$0xFFFFFC00] =	vst v9  }
0xec: {  	v8 =	vld [tilespmem:s5+$0x0];
	_ =	sdelay $0x4  }
0xed: {  	v8 =	vmul.f32 v8, v5;
	_ =	sdelay $0x1  }
0xee: {  	[tilespmem:s24+$0x0] =	vst v8  }
0xef: {  	v8 =	vld [tilespmem:s5+$0x80];
	_ =	sdelay $0x4  }
0xf0: {  	v8 =	vmul.f32 v8, v6;
	_ =	sdelay $0x1  }
0xf1: {  	[tilespmem:s24+$0x200] =	vst v8  }
0xf2: {  	v8 =	vld [tilespmem:s5+$0x100];
	_ =	sdelay $0x4  }
0xf3: {  	v8 =	vmul.f32 v8, v7;
	_ =	sdelay $0x1  }
0xf4: {  	[tilespmem:s24+$0x400] =	vst v8  }
0xf5: {  	v8 =	vld [tilespmem:s23+$0x10];
	_ =	sdelay $0x4  }
0xf6: {  	s5 =	sadd.s32 $0x30, s18;
	v9 =	vmul.f32 v8, v4;
	[tilespmem:s24+$0xFFFFFE10] =	vst v8  }
0xf7: {  	s5 =	sand.u32 $0x70, s5  }
0xf8: {  	s4 =	sor.u32 s5, s4;
	[tilespmem:s24+$0xFFFFFC10] =	vst v9  }
0xf9: {  	v8 =	vld [tilespmem:s4+$0x0];
	_ =	sdelay $0x4  }
0xfa: {  	v8 =	vmul.f32 v8, v5;
	_ =	sdelay $0x1  }
0xfb: {  	[tilespmem:s24+$0x10] =	vst v8  }
0xfc: {  	v8 =	vld [tilespmem:s4+$0x80];
	_ =	sdelay $0x4  }
0xfd: {  	v8 =	vmul.f32 v8, v6;
	_ =	sdelay $0x1  }
0xfe: {  	[tilespmem:s24+$0x210] =	vst v8  }
0xff: {  	v8 =	vld [tilespmem:s4+$0x100]  }
.Ltmp1:
0x100: {  	(pc) =	sbr.rel @p0 .LBB2_4-.Ltmp1, $2  }
0x101: {  	_ =	sdelay $0x2  }
0x102: {  	v8 =	vmul.f32 v8, v7  }
0x103: {  	_ = 	snop  }
0x104: {  	s0 =	rddreg [dreg:$0xc];
	s4 =	simm.s32 $0x6580;
	[tilespmem:s24+$0x410] =	vst v8  }
0x105: {  	[hbm4b:s0+s16] =	stream.strided.scatter [tilespmem:s4], [sflag:$0x4], $0xA00, s19, s16, $0x38;
	[tilespmem:$0x7980] =	vst v63  }
0x106: {  	_ =	swait.ge [sflag:s2], $0x1000  }
0x107: {  	[sflag:s2] =	ssyncset.done $0x0  }
0x108: {  	[sflag:s2] =	ssyncadd.s32 $0xFFFFF000  }
0x109: {  	_ =	swait.ge [sflag:s2], $0x1000  }
0x10a: {  	[sflag:s2] =	ssyncset.done $0x0  }
0x10b: {  	[sflag:s2] =	ssyncadd.s32 $0xFFFFF000  }
0x10c: {  	_ =	swait.ge [sflag:s2], $0x200  }
0x10d: {  	[sflag:s2] =	ssyncset.done $0x0  }
0x10e: {  	[sflag:s2] =	ssyncadd.s32 $0xFFFFFE00  }
0x10f: {  	_ =	swait.ge [sflag:s2], $0x80  }
0x110: {  	[sflag:s2] =	ssyncset.done $0x0  }
0x111: {  	s26 =	simm.s32 $0x0;
	[sflag:s2] =	ssyncadd.s32 $0xFFFFFF80  }
0x112: {  	v4 =	vld [tilespmem:s26+$0x2280];
	_ =	sdelay $0x2  }
0x113: {  	v5 =	vld [tilespmem:s26+$0x3280];
	_ =	sdelay $0x1  }
0x114: {  	(v2sf) =	vpush v4, $0x2  }
0x115: {  	(v2sf) =	vpush v4, $0x0  }
0x116: {  	(v2sf) =	vpush v4, $0x1  }
0x117: {  	(v2sf) =	vpush v5, $0x1  }
0x118: {  	(v2sf) =	vpush v5, $0x0;
	_ =	sdelay $0x9  }
0x119: {  	(v2sf) =	vpush v5, $0x2  }
0x11a: {  	s28 =	simm.s32 $0x80;
	s4 =	spop (v2sf)  }
0x11b: {  	s6 =	simm.f32 $-3.000000010e+38;
	v6 =	vld [tilespmem:s28+$0x2280];
	s8 =	spop (v2sf)  }
0x11c: {  	p0 =	sgt.f32 s8, s6;
	s5 =	spop (v2sf)  }
0x11d: {  	s18 =	simm.f32 $-3.000000010e+38;
	s7 =	spop (v2sf)  }
0x11e: {  	s23 =	simm.s32 $0x0;
	v4 =	vld [tilespmem:s28+$0x3280];
	s18 =	smov.u32 @p0 s8;
	s0 =	spop (v2sf)  }
0x11f: {  	s24 =	smov.u32 s18;
	s23 =	smov.u32 @p0 s0  }
0x120: {  	(v2sf) =	vpush v6, $0x2;
	p1 =	sgt.f32 s5, s18;
	s24 =	smov.u32 @p0 s6;
	s6 =	simm.s32 $0x0  }
0x121: {  	(v2sf) =	vpush v6, $0x0;
	s0 =	smov.u32 s23;
	s8 =	smov.u32 s23;
	p3 =	sgt.f32 s5, s24  }
0x122: {  	(v2sf) =	vpush v6, $0x1;
	s0 =	smov.u32 @p0 s6;
	s8 =	smov.u32 @p0 s6;
	s22 =	smov.u32 s24  }
0x123: {  	(v2sf) =	vpush v4, $0x1;
	s6 =	simm.s32 $0x400;
	s22 =	smov.u32 @p3 s5;
	p2 =	por p3, p3  }
.LBB2_6:
0x124: {  	p0 =	sne.s32 s6, $0x3E00;
	s0 =	smov.u32 @p3 s7  }
0x125: {  	(v2sf) =	vpush v4, $0x0;
	s9 =	smov.u32 s6;
	s6 =	sadd.s32 $0x200, s6;
	s10 =	smov.u32 s8  }
0x126: {  	s10 =	smov.u32 @p2 s7;
	s22 =	smov.u32 @p2 s24  }
0x127: {  	s10 =	smov.u32 @p1 s23;
	p3 =	sgt.f32 s4, s22  }
0x128: {  	s0 =	smov.u32 @p2 s8;
	s8 =	spop (v2sf)  }
0x129: {  	s24 =	smov.u32 @p2 s5;
	s22 =	smov.u32 @p3 s4  }
0x12a: {  	s23 =	smov.u32 @p1 s7;
	s24 =	smov.u32 @p1 s18;
	s18 =	smov.u32 @p1 s5  }
0x12b: {  	p1 =	sgt.f32 s4, s24;
	p2 =	sgt.f32 s4, s18  }
0x12c: {  	s11 =	smov.u32 s24;
	s13 =	smov.u32 s10;
	s0 =	smov.u32 @p3 s8  }
0x12d: {  	s14 =	smov.u32 s18;
	s11 =	smov.u32 @p1 s4;
	s13 =	smov.u32 @p1 s8  }
0x12e: {  	s26 =	smov.u32 s23;
	s11 =	smov.u32 @p2 s18;
	s13 =	smov.u32 @p2 s23  }
0x12f: {  	s14 =	smov.u32 @p2 s4;
	s26 =	smov.u32 @p2 s8  }
0x130: {  	s22 =	smov.u32 @p1 s24;
	s4 =	spop (v2sf);
	(v2sf) =	vpush v4, $0x2  }
0x131: {  	s0 =	smov.u32 @p1 s10;
	s28 =	spop (v2sf)  }
0x132: {  	s8 =	sshra.s32 s9, $0x2;
	p3 =	sgt.f32 s28, s22;
	s5 =	spop (v2sf)  }
0x133: {  	s23 =	smov.u32 s26;
	p1 =	sgt.f32 s28, s14;
	v5 =	vld [tilespmem:s8+$0x2280];
	s7 =	spop (v2sf)  }
0x134: {  	s18 =	smov.u32 s14;
	p2 =	sgt.f32 s28, s11;
	v4 =	vld [tilespmem:s8+$0x3280];
	s9 =	spop (v2sf)  }
0x135: {  	s22 =	smov.u32 @p3 s28;
	s8 =	smov.u32 s13;
	s0 =	smov.u32 @p3 s9  }
0x136: {  	s24 =	smov.u32 s11;
	s23 =	smov.u32 @p1 s9;
	s8 =	smov.u32 @p2 s9  }
.Ltmp2:
0x137: {  	s24 =	smov.u32 @p2 s28;
	s0 =	smov.u32 @p2 s13;
	(pc) =	sbr.rel @p0 .LBB2_6-.Ltmp2, $4  }
0x138: {  	s18 =	smov.u32 @p1 s28;
	s22 =	smov.u32 @p2 s11;
	(v2sf) =	vpush v5, $0x2  }
0x139: {  	s24 =	smov.u32 @p1 s14;
	p3 =	sgt.f32 s5, s22;
	(v2sf) =	vpush v5, $0x0  }
0x13a: {  	s8 =	smov.u32 @p1 s26;
	p1 =	sgt.f32 s5, s18;
	(v2sf) =	vpush v5, $0x1  }
0x13b: {  	p2 =	sgt.f32 s5, s24;
	s22 =	smov.u32 @p3 s5;
	(v2sf) =	vpush v4, $0x1  }
0x13c: {  	_ =	sdelay $0x2  }
0x13d: {  	(v2sf) =	vpush v4, $0x0;
	_ =	sdelay $0x2  }
0x13e: {  	s0 =	smov.u32 @p3 s7  }
0x13f: {  	s0 =	smov.u32 @p2 s8;
	s8 =	smov.u32 @p2 s7  }
0x140: {  	s22 =	smov.u32 @p2 s24;
	s24 =	smov.u32 @p2 s5;
	s8 =	smov.u32 @p1 s23  }
0x141: {  	p3 =	sgt.f32 s4, s22;
	s24 =	smov.u32 @p1 s18;
	s18 =	smov.u32 @p1 s5  }
0x142: {  	s23 =	smov.u32 @p1 s7;
	s6 =	spop (v2sf);
	p0 =	sgt.f32 s4, s24  }
0x143: {  	p1 =	sgt.f32 s4, s18;
	s22 =	smov.u32 @p3 s4;
	s28 =	spop (v2sf);
	(v2sf) =	vpush v4, $0x2  }
0x144: {  	s5 =	smov.u32 s8;
	s0 =	smov.u32 @p3 s6;
	s22 =	smov.u32 @p0 s24  }
0x145: {  	s24 =	smov.u32 @p0 s4;
	s5 =	smov.u32 @p0 s6;
	s0 =	smov.u32 @p0 s8  }
0x146: {  	s5 =	smov.u32 @p1 s23;
	s23 =	smov.u32 @p1 s6;
	s6 =	spop (v2sf)  }
0x147: {  	s24 =	smov.u32 @p1 s18;
	s18 =	smov.u32 @p1 s4;
	p1 =	sgt.f32 s6, s22  }
0x148: {  	s10 =	smov.u32 s23;
	s7 =	spop (v2sf);
	p2 =	sgt.f32 s6, s24  }
0x149: {  	s11 =	smov.u32 s24;
	p0 =	sgt.f32 s6, s18;
	s8 =	spop (v2sf)  }
0x14a: {  	s9 =	spop (v2sf);
	s22 =	smov.u32 @p1 s6;
	s11 =	smov.u32 @p2 s6  }
0x14b: {  	s0 =	smov.u32 @p1 s9;
	s10 =	smov.u32 @p0 s9;
	s22 =	smov.u32 @p2 s24  }
0x14c: {  	s11 =	smov.u32 @p0 s18;
	s18 =	smov.u32 @p0 s6;
	p1 =	sgt.f32 s7, s22  }
0x14d: {  	s0 =	smov.u32 @p2 s5;
	s5 =	smov.u32 @p2 s9;
	p2 =	sgt.f32 s7, s11  }
0x14e: {  	s5 =	smov.u32 @p0 s23;
	p0 =	sgt.f32 s7, s18;
	s22 =	smov.u32 @p1 s7  }
0x14f: {  	s0 =	smov.u32 @p1 s8;
	s22 =	smov.u32 @p2 s11;
	s11 =	smov.u32 @p2 s7  }
0x150: {  	s0 =	smov.u32 @p2 s5;
	s5 =	smov.u32 @p2 s8;
	s11 =	smov.u32 @p0 s18  }
0x151: {  	s5 =	smov.u32 @p0 s10;
	s18 =	smov.u32 @p0 s7;
	p1 =	sgt.f32 s28, s11  }
0x152: {  	p2 =	sgt.f32 s28, s18;
	s7 =	smov.u32 s5;
	s6 =	spop (v2sf)  }
0x153: {  	s10 =	smov.u32 @p0 s8;
	s7 =	smov.u32 @p1 s6  }
0x154: {  	p0 =	sgt.f32 s28, s22;
	s7 =	smov.u32 @p2 s10;
	s10 =	smov.u32 @p2 s6  }
0x155: {  	v4 =	vmov s10  }
0x156: {  	s0 =	smov.u32 @p0 s6;
	v4 =	vnsel vm0, $0x0, v4  }
0x157: {  	s0 =	smov.u32 @p1 s5;
	v4 =	vsel vm1, s7, v4  }
0x158: {  	v4 =	vsel vm2, s0, v4  }
0x159: {  	v5 =	vshll.u32 v4, $0x2  }
0x15a: {  	v6 =	vand.u32 $0x7, v4;
	v5 =	vand.u32 $0xFFFFFFE0, v5  }
0x15b: {  	v5 =	vor.u32 v6, v5  }
0x15c: {  	v6 =	vperm.xlane v5, v1;
	_ =	sdelay $0x1  }
0x15d: {  	v6 =	vadd.s32 v2, v6;
	_ =	sdelay $0x1  }
0x15e: {  	v5 =	vperm.xlane v5, v3;
	_ =	sdelay $0x1  }
0x15f: {  	s9 =	simm.s32 $0x4580;
	s22 =	simm.s32 $0x0;
	[tilespmem:$0x4500] =	vst v4;
	v4 =	vadd.s32 v2, v5  }
0x160: {  	v7 =	vld [tilespmem:$0x4480];
	[tilespmem:s9], [sflag:$0x3] =	stream.indirect_vreg.gather [hbm4b:s1+s22], $0x80, v6, vm3, $0xb8  }
0x161: {  	s10 =	simm.s32 $0x4D80  }
0x162: {  	[tilespmem:s10], [sflag:$0x3] =	stream.indirect_vreg.gather [hbm4b:s12+s22], $0x80, v6, vm3, $0xb8;
	[tilespmem:$0x7980] =	vst v63  }
0x163: {  	_ = 	snop  }
0x164: {  	[tilespmem:s29], [sflag:$0x3] =	stream.indirect_vreg.gather [hbm4b:s1+s22], $0x80, v4, vm3, $0xb8;
	[tilespmem:$0x7980] =	vst v63  }
0x165: {  	_ = 	snop  }
0x166: {  	[tilespmem:s30], [sflag:$0x3] =	stream.indirect_vreg.gather [hbm4b:s12+s22], $0x80, v4, vm3, $0xb8;
	[tilespmem:$0x7980] =	vst v63  }
0x167: {  	v4 =	vmax.f32 v7, $1.000000000e+00;
	_ =	swait.ge [sflag:s31], $0x2000  }
0x168: {  	(erf) = vrcp.f32 v4;
	_ =	sdelay $0x2  }
0x169: {  	[sflag:s31] =	ssyncset.done $0x0  }
0x16a: {  	s23 =	simm.s32 $0x42A0;
	[sflag:s31] =	ssyncadd.s32 $0xFFFFE000  }
0x16b: {  	v5 =	vld [tilespmem:s23+$0xFFFFFFE0];
	_ =	sdelay $0x3  }
0x16c: {  	v4 =	vpop (erf)  }
0x16d: {  	v6 =	vmul.f32 v5, v4  }
0x16e: {  	s24 =	simm.s32 $0x73A0;
	s11 =	sand.u32 $0xC00, s22  }
0x16f: {  	s13 =	sand.u32 $0x40, s22;
	s14 =	sand.u32 $0x1C0, s22;
	s0 =	sadd.s32 $0x4580, s11;
	[tilespmem:s24+$0xFFFFFBE0] =	vst v6  }
0x170: {  	s4 =	sor.u32 s13, s0;
	[tilespmem:s14+$0x7180] =	vst v5  }
0x171: {  	v6 =	vld [tilespmem:s4+$0x0];
	_ =	sdelay $0x2  }
0x172: {  	vm4 =	vgt.f32 v7, $5.000000000e-01  }
0x173: {  	v5 =	vsel vm4, $0x3F800000, v0  }
0x174: {  	v6 =	vmul.f32 v6, v5;
	_ =	sdelay $0x1  }
0x175: {  	[tilespmem:s14+$0x7380] =	vst v6  }
0x176: {  	v8 =	vld [tilespmem:s4+$0x80];
	_ =	sdelay $0x2  }
0x177: {  	vm4 =	vgt.f32 v7, $1.500000000e+00  }
0x178: {  	v6 =	vsel vm4, $0x3F800000, v0  }
0x179: {  	v8 =	vmul.f32 v8, v6;
	_ =	sdelay $0x1  }
0x17a: {  	[tilespmem:s14+$0x7580] =	vst v8  }
0x17b: {  	v8 =	vld [tilespmem:s4+$0x100];
	_ =	sdelay $0x2  }
0x17c: {  	vm4 =	vgt.f32 v7, $2.500000000e+00  }
0x17d: {  	v7 =	vsel vm4, $0x3F800000, v0  }
0x17e: {  	v8 =	vmul.f32 v8, v7;
	_ =	sdelay $0x1  }
0x17f: {  	[tilespmem:s14+$0x7780] =	vst v8  }
0x180: {  	v8 =	vld [tilespmem:s23+$0xFFFFFFF0];
	_ =	sdelay $0x4  }
0x181: {  	s18 =	simm.s32 $0x10;
	v9 =	vmul.f32 v8, v4  }
0x182: {  	s4 =	sand.u32 $0x50, s18;
	[tilespmem:s24+$0xFFFFFDF0] =	vst v8  }
0x183: {  	s4 =	sor.u32 s4, s0;
	[tilespmem:s24+$0xFFFFFBF0] =	vst v9  }
0x184: {  	v8 =	vld [tilespmem:s4+$0x0];
	_ =	sdelay $0x4  }
0x185: {  	v8 =	vmul.f32 v8, v5;
	_ =	sdelay $0x1  }
0x186: {  	[tilespmem:s24+$0xFFFFFFF0] =	vst v8  }
0x187: {  	v8 =	vld [tilespmem:s4+$0x80];
	_ =	sdelay $0x4  }
0x188: {  	v8 =	vmul.f32 v8, v6;
	_ =	sdelay $0x1  }
0x189: {  	[tilespmem:s24+$0x1F0] =	vst v8  }
0x18a: {  	v8 =	vld [tilespmem:s4+$0x100];
	_ =	sdelay $0x4  }
0x18b: {  	v8 =	vmul.f32 v8, v7;
	_ =	sdelay $0x1  }
0x18c: {  	[tilespmem:s24+$0x3F0] =	vst v8  }
0x18d: {  	v8 =	vld [tilespmem:s23+$0x0];
	_ =	sdelay $0x4  }
0x18e: {  	s26 =	simm.s32 $0x20;
	v9 =	vmul.f32 v8, v4  }
0x18f: {  	s4 =	sand.u32 $0x60, s26;
	[tilespmem:s24+$0xFFFFFE00] =	vst v8  }
0x190: {  	s4 =	sor.u32 s4, s0;
	[tilespmem:s24+$0xFFFFFC00] =	vst v9  }
0x191: {  	v8 =	vld [tilespmem:s4+$0x0];
	_ =	sdelay $0x4  }
0x192: {  	v8 =	vmul.f32 v8, v5;
	_ =	sdelay $0x1  }
0x193: {  	[tilespmem:s24+$0x0] =	vst v8  }
0x194: {  	v8 =	vld [tilespmem:s4+$0x80];
	_ =	sdelay $0x4  }
0x195: {  	v8 =	vmul.f32 v8, v6;
	_ =	sdelay $0x1  }
0x196: {  	[tilespmem:s24+$0x200] =	vst v8  }
0x197: {  	v8 =	vld [tilespmem:s4+$0x100];
	_ =	sdelay $0x4  }
0x198: {  	v8 =	vmul.f32 v8, v7;
	_ =	sdelay $0x1  }
0x199: {  	[tilespmem:s24+$0x400] =	vst v8  }
0x19a: {  	v8 =	vld [tilespmem:s23+$0x10];
	_ =	sdelay $0x4  }
0x19b: {  	s28 =	simm.s32 $0x30;
	v9 =	vmul.f32 v8, v4  }
0x19c: {  	s4 =	sand.u32 $0x70, s28;
	[tilespmem:s24+$0xFFFFFE10] =	vst v8  }
0x19d: {  	s0 =	sor.u32 s4, s0;
	[tilespmem:s24+$0xFFFFFC10] =	vst v9  }
0x19e: {  	v8 =	vld [tilespmem:s0+$0x0];
	_ =	sdelay $0x4  }
0x19f: {  	v8 =	vmul.f32 v8, v5;
	_ =	sdelay $0x1  }
0x1a0: {  	[tilespmem:s24+$0x10] =	vst v8  }
0x1a1: {  	v8 =	vld [tilespmem:s0+$0x80];
	_ =	sdelay $0x4  }
0x1a2: {  	v8 =	vmul.f32 v8, v6;
	_ =	sdelay $0x1  }
0x1a3: {  	[tilespmem:s24+$0x210] =	vst v8  }
0x1a4: {  	v8 =	vld [tilespmem:s0+$0x100];
	_ =	sdelay $0x4  }
0x1a5: {  	s0 =	simm.s32 $0x40;
	v8 =	vmul.f32 v8, v7  }
.LBB2_8:
0x1a6: {  	_ = 	snop  }
0x1a7: {  	s22 =	sadd.s32 $0x200, s22;
	s23 =	sadd.s32 $0x40, s23;
	[tilespmem:s24+$0x410] =	vst v8;
	s24 =	sadd.s32 $0x40, s24  }
0x1a8: {  	p0 =	sne.s32 s0, $0x1C0;
	s18 =	smov.u32 s0;
	s0 =	sadd.s32 $0x40, s0;
	v8 =	vld [tilespmem:s23+$0xFFFFFFE0]  }
0x1a9: {  	_ =	sdelay $0x3  }
0x1aa: {  	v9 =	vmul.f32 v8, v4  }
0x1ab: {  	s4 =	sand.u32 $0xC00, s22  }
0x1ac: {  	s5 =	sand.u32 $0x40, s18;
	s6 =	sand.u32 $0x1C0, s18;
	s4 =	sadd.s32 $0x4580, s4;
	[tilespmem:s24+$0xFFFFFBE0] =	vst v9  }
0x1ad: {  	s5 =	sor.u32 s5, s4;
	[tilespmem:s6+$0x7180] =	vst v8  }
0x1ae: {  	v8 =	vld [tilespmem:s5+$0x0];
	_ =	sdelay $0x4  }
0x1af: {  	v8 =	vmul.f32 v8, v5;
	_ =	sdelay $0x1  }
0x1b0: {  	[tilespmem:s6+$0x7380] =	vst v8  }
0x1b1: {  	v8 =	vld [tilespmem:s5+$0x80];
	_ =	sdelay $0x4  }
0x1b2: {  	v8 =	vmul.f32 v8, v6;
	_ =	sdelay $0x1  }
0x1b3: {  	[tilespmem:s6+$0x7580] =	vst v8  }
0x1b4: {  	v8 =	vld [tilespmem:s5+$0x100];
	_ =	sdelay $0x4  }
0x1b5: {  	v8 =	vmul.f32 v8, v7;
	_ =	sdelay $0x1  }
0x1b6: {  	[tilespmem:s6+$0x7780] =	vst v8  }
0x1b7: {  	v8 =	vld [tilespmem:s23+$0xFFFFFFF0];
	_ =	sdelay $0x4  }
0x1b8: {  	s5 =	sadd.s32 $0x10, s18;
	v9 =	vmul.f32 v8, v4  }
0x1b9: {  	s5 =	sand.u32 $0x50, s5;
	[tilespmem:s24+$0xFFFFFDF0] =	vst v8  }
0x1ba: {  	s5 =	sor.u32 s5, s4;
	[tilespmem:s24+$0xFFFFFBF0] =	vst v9  }
0x1bb: {  	v8 =	vld [tilespmem:s5+$0x0];
	_ =	sdelay $0x4  }
0x1bc: {  	v8 =	vmul.f32 v8, v5;
	_ =	sdelay $0x1  }
0x1bd: {  	[tilespmem:s24+$0xFFFFFFF0] =	vst v8  }
0x1be: {  	v8 =	vld [tilespmem:s5+$0x80];
	_ =	sdelay $0x4  }
0x1bf: {  	v8 =	vmul.f32 v8, v6;
	_ =	sdelay $0x1  }
0x1c0: {  	[tilespmem:s24+$0x1F0] =	vst v8  }
0x1c1: {  	v8 =	vld [tilespmem:s5+$0x100];
	_ =	sdelay $0x4  }
0x1c2: {  	v8 =	vmul.f32 v8, v7;
	_ =	sdelay $0x1  }
0x1c3: {  	[tilespmem:s24+$0x3F0] =	vst v8  }
0x1c4: {  	v8 =	vld [tilespmem:s23+$0x0];
	_ =	sdelay $0x4  }
0x1c5: {  	s5 =	sadd.s32 $0x20, s18;
	v9 =	vmul.f32 v8, v4;
	[tilespmem:s24+$0xFFFFFE00] =	vst v8  }
0x1c6: {  	s5 =	sand.u32 $0x60, s5  }
0x1c7: {  	s5 =	sor.u32 s5, s4;
	[tilespmem:s24+$0xFFFFFC00] =	vst v9  }
0x1c8: {  	v8 =	vld [tilespmem:s5+$0x0];
	_ =	sdelay $0x4  }
0x1c9: {  	v8 =	vmul.f32 v8, v5;
	_ =	sdelay $0x1  }
0x1ca: {  	[tilespmem:s24+$0x0] =	vst v8  }
0x1cb: {  	v8 =	vld [tilespmem:s5+$0x80];
	_ =	sdelay $0x4  }
0x1cc: {  	v8 =	vmul.f32 v8, v6;
	_ =	sdelay $0x1  }
0x1cd: {  	[tilespmem:s24+$0x200] =	vst v8  }
0x1ce: {  	v8 =	vld [tilespmem:s5+$0x100];
	_ =	sdelay $0x4  }
0x1cf: {  	v8 =	vmul.f32 v8, v7;
	_ =	sdelay $0x1  }
0x1d0: {  	[tilespmem:s24+$0x400] =	vst v8  }
0x1d1: {  	v8 =	vld [tilespmem:s23+$0x10];
	_ =	sdelay $0x4  }
0x1d2: {  	s5 =	sadd.s32 $0x30, s18;
	v9 =	vmul.f32 v8, v4;
	[tilespmem:s24+$0xFFFFFE10] =	vst v8  }
0x1d3: {  	s5 =	sand.u32 $0x70, s5  }
0x1d4: {  	s4 =	sor.u32 s5, s4;
	[tilespmem:s24+$0xFFFFFC10] =	vst v9  }
0x1d5: {  	v8 =	vld [tilespmem:s4+$0x0];
	_ =	sdelay $0x4  }
0x1d6: {  	v8 =	vmul.f32 v8, v5;
	_ =	sdelay $0x1  }
0x1d7: {  	[tilespmem:s24+$0x10] =	vst v8  }
0x1d8: {  	v8 =	vld [tilespmem:s4+$0x80];
	_ =	sdelay $0x4  }
0x1d9: {  	v8 =	vmul.f32 v8, v6;
	_ =	sdelay $0x1  }
0x1da: {  	[tilespmem:s24+$0x210] =	vst v8  }
0x1db: {  	v8 =	vld [tilespmem:s4+$0x100]  }
.Ltmp3:
0x1dc: {  	(pc) =	sbr.rel @p0 .LBB2_8-.Ltmp3, $2  }
0x1dd: {  	_ =	sdelay $0x2  }
0x1de: {  	v8 =	vmul.f32 v8, v7  }
0x1df: {  	_ = 	snop  }
0x1e0: {  	s0 =	rddreg [dreg:$0xd];
	s4 =	simm.s32 $0x6F80;
	s21 =	sadd.s32 $0x1, s21;
	[tilespmem:s24+$0x410] =	vst v8  }
0x1e1: {  	[hbm4b:s0+s16] =	stream.strided.scatter [tilespmem:s4], [sflag:$0x4], $0xA00, s19, s16, $0x38;
	[tilespmem:$0x7980] =	vst v63  }
0x1e2: {  	p0 =	sne.s32 s21, s15;
	_ =	swait.ge [sflag:s20], $0xA00  }
.Ltmp4:
0x1e3: {  	[sflag:s20] =	ssyncset.done $0x0;
	(pc) =	sbr.rel @p0 .LBB2_1-.Ltmp4, $4  }
0x1e4: {  	[sflag:s20] =	ssyncadd.s32 $0xFFFFF600  }
0x1e5: {  	_ =	swait.ge [sflag:s20], $0xA00  }
0x1e6: {  	[sflag:s20] =	ssyncset.done $0x0  }
0x1e7: {  	[sflag:s20] =	ssyncadd.s32 $0xFFFFF600  }
0x1e8: {  	_ =	sfence.sel $0x180000  }
0x1e9: {  	[bflag:$0x0] =	sbarrier.arrive $0xFFFF  }
0x1ea: {  	_ =	strace $0x9000004A  }
0x1eb: {  	s0 =	stileid.u32;
	[bflag:$0x2] =	sbarrier.arrive $0xFFFF  }
0x1ec: {  	p0 =	sne.s32 s0, $0x0;
	s0 =	rddreg [dreg:$0x3]  }
0x1ed: {  	s0 =	sadd.s32 @!p0 $0x100000, s0  }
0x1ee: {  	[sflag:s0] =	ssyncadd.tile.s32 @!p0 $0x1;
	_ =	shalt  }
.Lfunc_end2:
_tile_overlayer_lowered:
.L_overlay_start_2:
0x1ef: {  	(tag) =	ssettag $0x2  }
0x1f0: {  	s0 =	rddreg [dreg:$0x0];
	s2 =	stileid.u32  }
0x1f1: {  	s1 =	rddreg [dreg:$0x1];
	p0 =	sne.s32 s2, $0x0  }
0x1f2: {  	s3 =	rddreg [dreg:$0x2];
	[bflag:$0x3] =	sbarrier.arrive $0xFFFF;
	s2 =	simm.s32 @!p0 $0x1C05  }
0x1f3: {  	[timem:s3], [sflag:s2] =	dma.local @!p0 [hbm:s0], s1  }
0x1f4: {  	s0 =	simm.s32 @!p0 $0x5  }
0x1f5: {  	_ =	swait.ge @!p0 [sflag:s0], s1  }
0x1f6: {  	s1 =	ssub.s32 @!p0 $0x0, s1;
	[sflag:s0] =	ssyncset.done @!p0 $0x0  }
0x1f7: {  	[sflag:s0] =	ssyncadd.s32 @!p0 s1  }
0x1f8: {  	[bflag:$0x3] =	sbarrier.arrive $0xFFFF  }
0x1f9: {  	_ =	shalt  }

</sc_bundles>
